<compile_context>
chip_gen: v7x
topology: tpu7x:2x2x1
jax: 0.10.2.dev20260603
libtpu: 0.0.44.dev20260713+nightly
codegen_flags: <defaults>
</compile_context>

<pallas_src>
import functools

import jax
import jax.numpy as jnp
from jax import lax
from jax.experimental import pallas as pl
from jax.experimental.pallas import tpu as pltpu
from jax.experimental.pallas import tpu_sc as plsc

_NW = 32
_NT = 16
_C = 112
_K8 = 4


def _round_up(x, m):
    return (x + m - 1) // m * m


@functools.lru_cache(maxsize=None)
def _make_seg_sum(NP, K, T, d):
    stripe = NP // _NT
    KC = K // _K8
    mesh = plsc.VectorSubcoreMesh(core_axis_name="c", subcore_axis_name="s")

    @functools.partial(
        pl.kernel,
        mesh=mesh,
        out_type=(
            jax.ShapeDtypeStruct((2, NP, d), jnp.float32),
            jax.ShapeDtypeStruct((2, NP), jnp.float32),
        ),
        scratch_types=[
            pltpu.VMEM_SHARED((NP, d), jnp.float32),
            pltpu.VMEM_SHARED((NP,), jnp.float32),
            pltpu.VMEM((2, _K8, _C), jnp.int32),
            pltpu.VMEM((2, _K8, _C), jnp.int32),
            pltpu.VMEM((3, _C, d), jnp.float32),
            pltpu.VMEM((_C,), jnp.float32),
            pltpu.SemaphoreType.DMA,
            pltpu.SemaphoreType.DMA,
            pltpu.SemaphoreType.DMA,
        ],
    )
    def seg_sum(table, gidx, sidx, z_d, z_1, sums_out, cnts_out,
                acc, cnt, gv, sv, gbuf, ones_v, sem_g, sem_s, sem_i):
        cid = lax.axis_index("c")
        sid = lax.axis_index("s")
        wid = cid * _NT + sid
        pltpu.sync_copy(z_d, acc.at[pl.ds(sid * stripe, stripe)])
        pltpu.sync_copy(z_1, cnt.at[pl.ds(sid * stripe, stripe)])
        for i in range(_C // 16):
            ones_v[pl.ds(i * 16, 16)] = jnp.ones((16,), jnp.float32)
        pltpu.sync_copy(gidx.at[wid, pl.ds(0, _K8)], gv.at[0])
        pltpu.sync_copy(sidx.at[wid, pl.ds(0, _K8)], sv.at[0])
        plsc.subcore_barrier()
        pltpu.async_copy(table.at[gv.at[0, 0]], gbuf.at[0], sem_g)
        pltpu.async_copy(table.at[gv.at[0, 1]], gbuf.at[1], sem_g)

        def wait_scatter(a, r, slot):
            pltpu.make_async_copy(gbuf.at[slot], acc.at[sv.at[a, r]],
                                  sem_s).wait()
            pltpu.make_async_copy(ones_v, cnt.at[sv.at[a, r]], sem_s).wait()

        def chunk(cix, carry):
            a = cix % 2
            b = 1 - a
            for r in range(_K8):
                j0 = cix * _K8
                slot = (j0 + r) % 3
                if r == 0:
                    @pl.when(cix > 0)
                    def _():
                        wait_scatter(b, _K8 - 1, (j0 + 2) % 3)

                    @pl.when(cix < KC - 1)
                    def _():
                        pltpu.async_copy(
                            gidx.at[wid, pl.ds((cix + 1) * _K8, _K8)],
                            gv.at[b], sem_i)
                        pltpu.async_copy(
                            sidx.at[wid, pl.ds((cix + 1) * _K8, _K8)],
                            sv.at[b], sem_i)
                else:
                    wait_scatter(a, r - 1, (j0 + r + 2) % 3)
                if r < _K8 - 2:
                    pltpu.async_copy(table.at[gv.at[a, r + 2]],
                                     gbuf.at[(j0 + r + 2) % 3], sem_g)
                elif r == _K8 - 2:
                    @pl.when(cix < KC - 1)
                    def _():
                        pltpu.make_async_copy(
                            gidx.at[wid, pl.ds((cix + 1) * _K8, _K8)],
                            gv.at[b], sem_i).wait()
                        pltpu.make_async_copy(
                            sidx.at[wid, pl.ds((cix + 1) * _K8, _K8)],
                            sv.at[b], sem_i).wait()
                        pltpu.async_copy(table.at[gv.at[b, 0]],
                                         gbuf.at[(j0 + r + 2) % 3], sem_g)
                else:
                    @pl.when(cix < KC - 1)
                    def _():
                        pltpu.async_copy(table.at[gv.at[b, 1]],
                                         gbuf.at[(j0 + r + 2) % 3], sem_g)
                pltpu.make_async_copy(table.at[gv.at[a, r]], gbuf.at[slot],
                                      sem_g).wait()
                pltpu.async_copy(gbuf.at[slot], acc.at[sv.at[a, r]], sem_s,
                                 add=True)
                pltpu.async_copy(ones_v, cnt.at[sv.at[a, r]], sem_s,
                                 add=True)
            return carry

        lax.fori_loop(0, KC, chunk, 0)
        wait_scatter((KC - 1) % 2, _K8 - 1, (K - 1) % 3)
        plsc.subcore_barrier()
        pltpu.sync_copy(acc.at[pl.ds(sid * stripe, stripe)],
                        sums_out.at[cid, pl.ds(sid * stripe, stripe)])
        pltpu.sync_copy(cnt.at[pl.ds(sid * stripe, stripe)],
                        cnts_out.at[cid, pl.ds(sid * stripe, stripe)])

    return seg_sum


def _mean_from_partials(sum_ref, cnt_ref):
    s = sum_ref[0] + sum_ref[1]
    c = cnt_ref[0] + cnt_ref[1]
    return s / jnp.maximum(c, 1.0)


def _edge_mlp_body(esum, ecnt, attr, w1, b1, w2, b2, out, *, d):
    mean = _mean_from_partials(esum, ecnt)
    h = (jnp.dot(mean, w1[0:d, :], preferred_element_type=jnp.float32)
         + jnp.dot(attr[...], w1[d:, :], preferred_element_type=jnp.float32)
         + b1[...])
    h = jnp.maximum(h, 0.0)
    out[...] = jnp.dot(h, w2[...], preferred_element_type=jnp.float32) + b2[...]


def _node_mlp_body(nsum, ncnt, xh, pw, pb, w1, b1, w2, b2, g, bb, out):
    msg = _mean_from_partials(nsum, ncnt)
    h = jnp.maximum(
        jnp.dot(msg, w1[...], preferred_element_type=jnp.float32) + b1[...], 0.0)
    nm = jnp.dot(h, w2[...], preferred_element_type=jnp.float32) + b2[...]
    z = (jnp.dot(xh[...], pw[...], preferred_element_type=jnp.float32)
         + pb[...] + nm)
    z = jnp.maximum(z, 0.0)
    mu = jnp.mean(z, axis=1, keepdims=True)
    zc = z - mu
    var = jnp.mean(zc * zc, axis=1, keepdims=True)
    out[...] = zc * lax.rsqrt(var + 1e-5) * g[...] + bb[...]


def _full(shape):
    return pl.BlockSpec(shape, lambda i: (0,) * len(shape))


def kernel(x_h, h2_edge_index, h2_edge_attr, proj_W, proj_b, e1_W, e1_b,
           e2_W, e2_b, n1_W, n1_b, n2_W, n2_b, ln_g, ln_b):
    H, d = x_h.shape
    E, de = h2_edge_attr.shape
    NI = h2_edge_index.shape[1]
    f32 = jnp.float32

    base = max(H, E)
    NP = _round_up(base + 8, 2048)
    K = _round_up(-(-NI // (_NW * _C)), _K8)
    npad = _NW * K * _C - NI
    spread = jnp.arange(npad, dtype=jnp.int32) % min(240, min(H, E), NP - base)

    fg = h2_edge_index[0].astype(jnp.int32)
    res = h2_edge_index[1].astype(jnp.int32)
    fg_g = jnp.concatenate([fg, spread]).reshape(_NW, K, _C)
    fg_s = jnp.concatenate([fg, base + spread]).reshape(_NW, K, _C)
    res_g = jnp.concatenate([res, spread]).reshape(_NW, K, _C)
    res_s = jnp.concatenate([res, base + spread]).reshape(_NW, K, _C)

    z_d = jnp.zeros((NP // _NT, d), f32)
    z_1 = jnp.zeros((NP // _NT,), f32)

    esum, ecnt = _make_seg_sum(NP, K, H, d)(x_h, fg_g, res_s, z_d, z_1)
    ecnt = ecnt.reshape(2, NP, 1)

    BR = 1000
    egrid = (E // BR,)
    edge_msg = pl.pallas_call(
        functools.partial(_edge_mlp_body, d=d),
        grid=egrid,
        in_specs=[
            pl.BlockSpec((2, BR, d), lambda i: (0, i, 0)),
            pl.BlockSpec((2, BR, 1), lambda i: (0, i, 0)),
            pl.BlockSpec((BR, de), lambda i: (i, 0)),
            _full((d + de, d)), _full((1, d)), _full((d, d)), _full((1, d)),
        ],
        out_specs=pl.BlockSpec((BR, d), lambda i: (i, 0)),
        out_shape=jax.ShapeDtypeStruct((E, d), f32),
    )(esum, ecnt, h2_edge_attr, e1_W, e1_b.reshape(1, d), e2_W,
      e2_b.reshape(1, d))

    nsum, ncnt = _make_seg_sum(NP, K, E, d)(edge_msg, res_g, fg_s, z_d, z_1)
    ncnt = ncnt.reshape(2, NP, 1)

    ngrid = (H // BR,)
    z = pl.pallas_call(
        _node_mlp_body,
        grid=ngrid,
        in_specs=[
            pl.BlockSpec((2, BR, d), lambda i: (0, i, 0)),
            pl.BlockSpec((2, BR, 1), lambda i: (0, i, 0)),
            pl.BlockSpec((BR, d), lambda i: (i, 0)),
            _full((d, d)), _full((1, d)),
            _full((d, d)), _full((1, d)),
            _full((d, d)), _full((1, d)),
            _full((1, d)), _full((1, d)),
        ],
        out_specs=pl.BlockSpec((BR, d), lambda i: (i, 0)),
        out_shape=jax.ShapeDtypeStruct((H, d), f32),
    )(nsum, ncnt, x_h, proj_W, proj_b.reshape(1, d),
      n1_W, n1_b.reshape(1, d), n2_W, n2_b.reshape(1, d),
      ln_g.reshape(1, d), ln_b.reshape(1, d))

    return z

# --- scband reference (transcript-rebuilt; emitter-appended) ---
"""Pipeline reference for scband-hyper-glayer-12695923327692 (READ-ONLY COPY).

The authoritative reference and input builder live on the scoring server;
editing this copy changes nothing except your own understanding.
"""

import jax, jax.numpy as jnp
import numpy as np


def scatter_mean(src, index, dim_size):
    s = jax.ops.segment_sum(src, index, num_segments=dim_size)
    c = jax.ops.segment_sum(jnp.ones((index.shape[0],), dtype=src.dtype), index, num_segments=dim_size)
    return s / jnp.maximum(c, 1.0)[:, None]


def layer_norm(x, g, b, eps=1e-5):
    mu = jnp.mean(x, axis=-1, keepdims=True)
    var = jnp.var(x, axis=-1, keepdims=True)
    return (x - mu) / jnp.sqrt(var + eps) * g + b


def setup_inputs(seed: int = 0):
    key = jax.random.key(seed)
    ks = jax.random.split(key, 16)
    H = 10000
    E = 10000
    NI = 320000
    d_in = 128
    d_edge = 16
    d_out = 128
    inp = {}
    inp["x_h"] = jax.random.normal(ks[0], (H, d_in), dtype=jnp.float32)
    inp["h2_edge_index"] = jax.random.randint(ks[1], (2, NI), 0, H, dtype=jnp.int32)
    inp["h2_edge_attr"] = jax.random.normal(ks[2], (E, d_edge), dtype=jnp.float32)
    # learned parameters (stored as [in, out]; linear = x @ W + b)
    inp["proj_W"] = jax.random.normal(ks[3], (d_in, d_out), dtype=jnp.float32) * 0.05
    inp["proj_b"] = jnp.zeros((d_out,), dtype=jnp.float32)
    inp["e1_W"] = jax.random.normal(ks[4], (d_in + d_edge, d_out), dtype=jnp.float32) * 0.05
    inp["e1_b"] = jnp.zeros((d_out,), dtype=jnp.float32)
    inp["e2_W"] = jax.random.normal(ks[5], (d_out, d_out), dtype=jnp.float32) * 0.05
    inp["e2_b"] = jnp.zeros((d_out,), dtype=jnp.float32)
    inp["n1_W"] = jax.random.normal(ks[6], (d_out, d_out), dtype=jnp.float32) * 0.05
    inp["n1_b"] = jnp.zeros((d_out,), dtype=jnp.float32)
    inp["n2_W"] = jax.random.normal(ks[7], (d_out, d_out), dtype=jnp.float32) * 0.05
    inp["n2_b"] = jnp.zeros((d_out,), dtype=jnp.float32)
    inp["ln_g"] = jnp.ones((d_out,), dtype=jnp.float32)
    inp["ln_b"] = jnp.zeros((d_out,), dtype=jnp.float32)
    return inp


def reference(x_h, h2_edge_index, h2_edge_attr, proj_W, proj_b, e1_W, e1_b, e2_W, e2_b, n1_W, n1_b, n2_W, n2_b, ln_g, ln_b):
    fg_id = h2_edge_index[0]
    res_id = h2_edge_index[1]
    H = x_h.shape[0]
    E = h2_edge_attr.shape[0]
    # edge update: mean of incident node features per hyperedge
    edge_node_mean = scatter_mean(x_h[fg_id], res_id, E)
    e_in = jnp.concatenate([edge_node_mean, h2_edge_attr], axis=-1)
    h1 = jax.nn.relu(e_in @ e1_W + e1_b)
    edge_msg = h1 @ e2_W + e2_b
    # node update: mean of incident hyperedge messages per node
    node_msg = scatter_mean(edge_msg[res_id], fg_id, H)
    h2 = jax.nn.relu(node_msg @ n1_W + n1_b)
    nm = h2 @ n2_W + n2_b
    z = (x_h @ proj_W + proj_b) + nm
    z = jax.nn.relu(z)
    return layer_norm(z, ln_g, ln_b)

if __name__ == "__main__":
    import jax
    _d = setup_inputs()
    print(jax.jit(kernel)(*tuple(_d.values())))

</pallas_src>

<mosaic_0001>
#map = affine_map<(d0, d1) -> (0, 0)>
#map1 = affine_map<(d0, d1) -> (0, 0, 0)>
#map2 = affine_map<(d0, d1) -> (0)>
module attributes {stable_mosaic.version = 14 : i64} {
  func.func @seg_sum(%arg0: i32, %arg1: i32, %arg2: memref<10000x128xf32, #tpu.memory_space<hbm>>, %arg3: memref<32x92x112xi32, #tpu.memory_space<hbm>>, %arg4: memref<32x92x112xi32, #tpu.memory_space<hbm>>, %arg5: memref<640x128xf32, #tpu.memory_space<hbm>>, %arg6: memref<640xf32, #tpu.memory_space<hbm>>, %arg7: memref<2x10240x128xf32, #tpu.memory_space<hbm>>, %arg8: memref<2x10240xf32, #tpu.memory_space<hbm>>, %arg9: memref<10240x128xf32, #tpu.memory_space<vmem_shared>>, %arg10: memref<10240xf32, #tpu.memory_space<vmem_shared>>, %arg11: memref<2x4x112xi32, #tpu.memory_space<vmem>>, %arg12: memref<2x4x112xi32, #tpu.memory_space<vmem>>, %arg13: memref<3x112x128xf32, #tpu.memory_space<vmem>>, %arg14: memref<112xf32, #tpu.memory_space<vmem>>, %arg15: memref<!tpu.dma_semaphore, #tpu.memory_space<semaphore_mem>>, %arg16: memref<!tpu.dma_semaphore, #tpu.memory_space<semaphore_mem>>, %arg17: memref<!tpu.dma_semaphore, #tpu.memory_space<semaphore_mem>>) attributes {dimension_semantics = [#tpu.dimension_semantics<core_parallel>, #tpu.dimension_semantics<subcore_parallel>], iteration_bounds = array<i64: 2, 16>, scalar_prefetch = 0 : i64, scratch_operands = 9 : i64, tpu.core_type = #tpu.core_type<sc_vector_subcore>, window_params = [{transform_indices = #map}, {transform_indices = #map1}, {transform_indices = #map1}, {transform_indices = #map}, {transform_indices = #map2}, {transform_indices = #map1}, {transform_indices = #map}]} {
    %mul3A = arith.constant 16 : i32
    %mul3A_0 = arith.muli %arg0, %mul3A : i32
    %add3A = arith.addi %mul3A_0, %arg1 : i32
    %mul3A_1 = arith.constant 640 : i32
    %mul3A_2 = arith.muli %arg1, %mul3A_1 : i32
    "tpu.region"() ({
      %run_scoped3A_104 = tpu.sem_alloc : memref<!tpu.dma_semaphore, #tpu.memory_space<semaphore_mem>>
      %dma_start3A_105 = arith.constant 0 : i32
      %dma_start3A_106 = tpu.memref_slice %arg9[%mul3A_2, %dma_start3A_105] : memref<10240x128xf32, #tpu.memory_space<vmem_shared>> -> memref<640x128xf32, #tpu.memory_space<vmem_shared>>
      tpu.enqueue_dma source(%arg5 : memref<640x128xf32, #tpu.memory_space<hbm>>) target(%dma_start3A_106 : memref<640x128xf32, #tpu.memory_space<vmem_shared>>) target_semaphore(%run_scoped3A_104 : memref<!tpu.dma_semaphore, #tpu.memory_space<semaphore_mem>>)
      %dma_wait3A_107 = arith.constant 0 : i32
      %dma_wait3A_108 = tpu.memref_slice %arg9[%mul3A_2, %dma_wait3A_107] : memref<10240x128xf32, #tpu.memory_space<vmem_shared>> -> memref<640x128xf32, #tpu.memory_space<vmem_shared>>
      tpu.wait_dma2 semaphore(%run_scoped3A_104 : memref<!tpu.dma_semaphore, #tpu.memory_space<semaphore_mem>>) src(%arg5 : memref<640x128xf32, #tpu.memory_space<hbm>>) dst(%dma_wait3A_108 : memref<640x128xf32, #tpu.memory_space<vmem_shared>>)
      tpu.yield
    }) : () -> ()
    %mul3A_3 = arith.constant 640 : i32
    %mul3A_4 = arith.muli %arg1, %mul3A_3 : i32
    "tpu.region"() ({
      %run_scoped3A_104 = tpu.sem_alloc : memref<!tpu.dma_semaphore, #tpu.memory_space<semaphore_mem>>
      %dma_start3A_105 = tpu.memref_slice %arg10[%mul3A_4] : memref<10240xf32, #tpu.memory_space<vmem_shared>> -> memref<640xf32, #tpu.memory_space<vmem_shared>>
      tpu.enqueue_dma source(%arg6 : memref<640xf32, #tpu.memory_space<hbm>>) target(%dma_start3A_105 : memref<640xf32, #tpu.memory_space<vmem_shared>>) target_semaphore(%run_scoped3A_104 : memref<!tpu.dma_semaphore, #tpu.memory_space<semaphore_mem>>)
      %dma_wait3A_106 = tpu.memref_slice %arg10[%mul3A_4] : memref<10240xf32, #tpu.memory_space<vmem_shared>> -> memref<640xf32, #tpu.memory_space<vmem_shared>>
      tpu.wait_dma2 semaphore(%run_scoped3A_104 : memref<!tpu.dma_semaphore, #tpu.memory_space<semaphore_mem>>) src(%arg6 : memref<640xf32, #tpu.memory_space<hbm>>) dst(%dma_wait3A_106 : memref<640xf32, #tpu.memory_space<vmem_shared>>)
      tpu.yield
    }) : () -> ()
    %broadcast_in_dim3A = arith.constant 1.000000e+00 : f32
    %broadcast_in_dim3A_5 = vector.broadcast %broadcast_in_dim3A : f32 to vector<16xf32>
    %swap3A = arith.constant 0 : index
    %swap3A_6 = tpu.vector_load %arg14[%swap3A] {strides = array<i32>} : memref<112xf32, #tpu.memory_space<vmem>>, vector<16xf32>,
    %swap3A_7 = vector.shape_cast %swap3A_6 : vector<16xf32> to vector<16xf32>
    %swap3A_8 = vector.shape_cast %broadcast_in_dim3A_5 : vector<16xf32> to vector<16xf32>
    tpu.vector_store %arg14[%swap3A], %swap3A_8 {strides = array<i32>} : memref<112xf32, #tpu.memory_space<vmem>>, vector<16xf32>,
    %broadcast_in_dim3A_9 = arith.constant 1.000000e+00 : f32
    %broadcast_in_dim3A_10 = vector.broadcast %broadcast_in_dim3A_9 : f32 to vector<16xf32>
    %swap3A_11 = arith.constant 16 : index
    %swap3A_12 = tpu.vector_load %arg14[%swap3A_11] {strides = array<i32>} : memref<112xf32, #tpu.memory_space<vmem>>, vector<16xf32>,
    %swap3A_13 = vector.shape_cast %swap3A_12 : vector<16xf32> to vector<16xf32>
    %swap3A_14 = vector.shape_cast %broadcast_in_dim3A_10 : vector<16xf32> to vector<16xf32>
    tpu.vector_store %arg14[%swap3A_11], %swap3A_14 {strides = array<i32>} : memref<112xf32, #tpu.memory_space<vmem>>, vector<16xf32>,
    %broadcast_in_dim3A_15 = arith.constant 1.000000e+00 : f32
    %broadcast_in_dim3A_16 = vector.broadcast %broadcast_in_dim3A_15 : f32 to vector<16xf32>
    %swap3A_17 = arith.constant 32 : index
    %swap3A_18 = tpu.vector_load %arg14[%swap3A_17] {strides = array<i32>} : memref<112xf32, #tpu.memory_space<vmem>>, vector<16xf32>,
    %swap3A_19 = vector.shape_cast %swap3A_18 : vector<16xf32> to vector<16xf32>
    %swap3A_20 = vector.shape_cast %broadcast_in_dim3A_16 : vector<16xf32> to vector<16xf32>
    tpu.vector_store %arg14[%swap3A_17], %swap3A_20 {strides = array<i32>} : memref<112xf32, #tpu.memory_space<vmem>>, vector<16xf32>,
    %broadcast_in_dim3A_21 = arith.constant 1.000000e+00 : f32
    %broadcast_in_dim3A_22 = vector.broadcast %broadcast_in_dim3A_21 : f32 to vector<16xf32>
    %swap3A_23 = arith.constant 48 : index
    %swap3A_24 = tpu.vector_load %arg14[%swap3A_23] {strides = array<i32>} : memref<112xf32, #tpu.memory_space<vmem>>, vector<16xf32>,
    %swap3A_25 = vector.shape_cast %swap3A_24 : vector<16xf32> to vector<16xf32>
    %swap3A_26 = vector.shape_cast %broadcast_in_dim3A_22 : vector<16xf32> to vector<16xf32>
    tpu.vector_store %arg14[%swap3A_23], %swap3A_26 {strides = array<i32>} : memref<112xf32, #tpu.memory_space<vmem>>, vector<16xf32>,
    %broadcast_in_dim3A_27 = arith.constant 1.000000e+00 : f32
    %broadcast_in_dim3A_28 = vector.broadcast %broadcast_in_dim3A_27 : f32 to vector<16xf32>
    %swap3A_29 = arith.constant 64 : index
    %swap3A_30 = tpu.vector_load %arg14[%swap3A_29] {strides = array<i32>} : memref<112xf32, #tpu.memory_space<vmem>>, vector<16xf32>,
    %swap3A_31 = vector.shape_cast %swap3A_30 : vector<16xf32> to vector<16xf32>
    %swap3A_32 = vector.shape_cast %broadcast_in_dim3A_28 : vector<16xf32> to vector<16xf32>
    tpu.vector_store %arg14[%swap3A_29], %swap3A_32 {strides = array<i32>} : memref<112xf32, #tpu.memory_space<vmem>>, vector<16xf32>,
    %broadcast_in_dim3A_33 = arith.constant 1.000000e+00 : f32
    %broadcast_in_dim3A_34 = vector.broadcast %broadcast_in_dim3A_33 : f32 to vector<16xf32>
    %swap3A_35 = arith.constant 80 : index
    %swap3A_36 = tpu.vector_load %arg14[%swap3A_35] {strides = array<i32>} : memref<112xf32, #tpu.memory_space<vmem>>, vector<16xf32>,
    %swap3A_37 = vector.shape_cast %swap3A_36 : vector<16xf32> to vector<16xf32>
    %swap3A_38 = vector.shape_cast %broadcast_in_dim3A_34 : vector<16xf32> to vector<16xf32>
    tpu.vector_store %arg14[%swap3A_35], %swap3A_38 {strides = array<i32>} : memref<112xf32, #tpu.memory_space<vmem>>, vector<16xf32>,
    %broadcast_in_dim3A_39 = arith.constant 1.000000e+00 : f32
    %broadcast_in_dim3A_40 = vector.broadcast %broadcast_in_dim3A_39 : f32 to vector<16xf32>
    %swap3A_41 = arith.constant 96 : index
    %swap3A_42 = tpu.vector_load %arg14[%swap3A_41] {strides = array<i32>} : memref<112xf32, #tpu.memory_space<vmem>>, vector<16xf32>,
    %swap3A_43 = vector.shape_cast %swap3A_42 : vector<16xf32> to vector<16xf32>
    %swap3A_44 = vector.shape_cast %broadcast_in_dim3A_40 : vector<16xf32> to vector<16xf32>
    tpu.vector_store %arg14[%swap3A_41], %swap3A_44 {strides = array<i32>} : memref<112xf32, #tpu.memory_space<vmem>>, vector<16xf32>,
    %run_scoped3A = arith.constant 0 : i32
    "tpu.region"() ({
      %run_scoped3A_104 = tpu.sem_alloc : memref<!tpu.dma_semaphore, #tpu.memory_space<semaphore_mem>>
      %dma_start3A_105 = arith.constant 0 : i32
      %dma_start3A_106 = arith.constant 0 : i32
      %dma_start3A_107 = tpu.memref_slice %arg11[%run_scoped3A, %dma_start3A_105, %dma_start3A_106] : memref<2x4x112xi32, #tpu.memory_space<vmem>> -> memref<1x4x112xi32, #tpu.memory_space<vmem>>
      %dma_start3A_108 = tpu.memref_squeeze %dma_start3A_107 : memref<1x4x112xi32, #tpu.memory_space<vmem>> -> memref<4x112xi32, #tpu.memory_space<vmem>>
      %dma_start3A_109 = arith.constant 0 : i32
      %dma_start3A_110 = arith.constant 0 : i32
      %dma_start3A_111 = tpu.memref_slice %arg3[%add3A, %dma_start3A_109, %dma_start3A_110] : memref<32x92x112xi32, #tpu.memory_space<hbm>> -> memref<1x4x112xi32, #tpu.memory_space<hbm>>
      %dma_start3A_112 = tpu.memref_squeeze %dma_start3A_111 : memref<1x4x112xi32, #tpu.memory_space<hbm>> -> memref<4x112xi32, #tpu.memory_space<hbm>>
      %dma_start3A_113 = arith.constant 0 : i32
      %dma_start3A_114 = arith.constant 0 : i32
      %dma_start3A_115 = tpu.memref_slice %arg11[%run_scoped3A, %dma_start3A_113, %dma_start3A_114] : memref<2x4x112xi32, #tpu.memory_space<vmem>> -> memref<1x4x112xi32, #tpu.memory_space<vmem>>
      %dma_start3A_116 = tpu.memref_squeeze %dma_start3A_115 : memref<1x4x112xi32, #tpu.memory_space<vmem>> -> memref<4x112xi32, #tpu.memory_space<vmem>>
      %dma_start3A_117 = arith.constant 0 : i32
      %dma_start3A_118 = arith.constant 0 : i32
      %dma_start3A_119 = tpu.memref_slice %arg3[%add3A, %dma_start3A_117, %dma_start3A_118] : memref<32x92x112xi32, #tpu.memory_space<hbm>> -> memref<1x4x112xi32, #tpu.memory_space<hbm>>
      %dma_start3A_120 = tpu.memref_squeeze %dma_start3A_119 : memref<1x4x112xi32, #tpu.memory_space<hbm>> -> memref<4x112xi32, #tpu.memory_space<hbm>>
      tpu.enqueue_dma source(%dma_start3A_120 : memref<4x112xi32, #tpu.memory_space<hbm>>) target(%dma_start3A_116 : memref<4x112xi32, #tpu.memory_space<vmem>>) target_semaphore(%run_scoped3A_104 : memref<!tpu.dma_semaphore, #tpu.memory_space<semaphore_mem>>)
      %dma_wait3A_121 = arith.constant 0 : i32
      %dma_wait3A_122 = arith.constant 0 : i32
      %dma_wait3A_123 = tpu.memref_slice %arg11[%run_scoped3A, %dma_wait3A_121, %dma_wait3A_122] : memref<2x4x112xi32, #tpu.memory_space<vmem>> -> memref<1x4x112xi32, #tpu.memory_space<vmem>>
      %dma_wait3A_124 = tpu.memref_squeeze %dma_wait3A_123 : memref<1x4x112xi32, #tpu.memory_space<vmem>> -> memref<4x112xi32, #tpu.memory_space<vmem>>
      %dma_wait3A_125 = arith.constant 0 : i32
      %dma_wait3A_126 = arith.constant 0 : i32
      %dma_wait3A_127 = tpu.memref_slice %arg3[%add3A, %dma_wait3A_125, %dma_wait3A_126] : memref<32x92x112xi32, #tpu.memory_space<hbm>> -> memref<1x4x112xi32, #tpu.memory_space<hbm>>
      %dma_wait3A_128 = tpu.memref_squeeze %dma_wait3A_127 : memref<1x4x112xi32, #tpu.memory_space<hbm>> -> memref<4x112xi32, #tpu.memory_space<hbm>>
      %dma_wait3A_129 = arith.constant 0 : i32
      %dma_wait3A_130 = arith.constant 0 : i32
      %dma_wait3A_131 = tpu.memref_slice %arg11[%run_scoped3A, %dma_wait3A_129, %dma_wait3A_130] : memref<2x4x112xi32, #tpu.memory_space<vmem>> -> memref<1x4x112xi32, #tpu.memory_space<vmem>>
      %dma_wait3A_132 = tpu.memref_squeeze %dma_wait3A_131 : memref<1x4x112xi32, #tpu.memory_space<vmem>> -> memref<4x112xi32, #tpu.memory_space<vmem>>
      %dma_wait3A_133 = arith.constant 0 : i32
      %dma_wait3A_134 = arith.constant 0 : i32
      %dma_wait3A_135 = tpu.memref_slice %arg3[%add3A, %dma_wait3A_133, %dma_wait3A_134] : memref<32x92x112xi32, #tpu.memory_space<hbm>> -> memref<1x4x112xi32, #tpu.memory_space<hbm>>
      %dma_wait3A_136 = tpu.memref_squeeze %dma_wait3A_135 : memref<1x4x112xi32, #tpu.memory_space<hbm>> -> memref<4x112xi32, #tpu.memory_space<hbm>>
      tpu.wait_dma2 semaphore(%run_scoped3A_104 : memref<!tpu.dma_semaphore, #tpu.memory_space<semaphore_mem>>) src(%dma_wait3A_136 : memref<4x112xi32, #tpu.memory_space<hbm>>) dst(%dma_wait3A_132 : memref<4x112xi32, #tpu.memory_space<vmem>>)
      tpu.yield
    }) : () -> ()
    %run_scoped3A_45 = arith.constant 0 : i32
    "tpu.region"() ({
      %run_scoped3A_104 = tpu.sem_alloc : memref<!tpu.dma_semaphore, #tpu.memory_space<semaphore_mem>>
      %dma_start3A_105 = arith.constant 0 : i32
      %dma_start3A_106 = arith.constant 0 : i32
      %dma_start3A_107 = tpu.memref_slice %arg12[%run_scoped3A_45, %dma_start3A_105, %dma_start3A_106] : memref<2x4x112xi32, #tpu.memory_space<vmem>> -> memref<1x4x112xi32, #tpu.memory_space<vmem>>
      %dma_start3A_108 = tpu.memref_squeeze %dma_start3A_107 : memref<1x4x112xi32, #tpu.memory_space<vmem>> -> memref<4x112xi32, #tpu.memory_space<vmem>>
      %dma_start3A_109 = arith.constant 0 : i32
      %dma_start3A_110 = arith.constant 0 : i32
      %dma_start3A_111 = tpu.memref_slice %arg4[%add3A, %dma_start3A_109, %dma_start3A_110] : memref<32x92x112xi32, #tpu.memory_space<hbm>> -> memref<1x4x112xi32, #tpu.memory_space<hbm>>
      %dma_start3A_112 = tpu.memref_squeeze %dma_start3A_111 : memref<1x4x112xi32, #tpu.memory_space<hbm>> -> memref<4x112xi32, #tpu.memory_space<hbm>>
      %dma_start3A_113 = arith.constant 0 : i32
      %dma_start3A_114 = arith.constant 0 : i32
      %dma_start3A_115 = tpu.memref_slice %arg12[%run_scoped3A_45, %dma_start3A_113, %dma_start3A_114] : memref<2x4x112xi32, #tpu.memory_space<vmem>> -> memref<1x4x112xi32, #tpu.memory_space<vmem>>
      %dma_start3A_116 = tpu.memref_squeeze %dma_start3A_115 : memref<1x4x112xi32, #tpu.memory_space<vmem>> -> memref<4x112xi32, #tpu.memory_space<vmem>>
      %dma_start3A_117 = arith.constant 0 : i32
      %dma_start3A_118 = arith.constant 0 : i32
      %dma_start3A_119 = tpu.memref_slice %arg4[%add3A, %dma_start3A_117, %dma_start3A_118] : memref<32x92x112xi32, #tpu.memory_space<hbm>> -> memref<1x4x112xi32, #tpu.memory_space<hbm>>
      %dma_start3A_120 = tpu.memref_squeeze %dma_start3A_119 : memref<1x4x112xi32, #tpu.memory_space<hbm>> -> memref<4x112xi32, #tpu.memory_space<hbm>>
      tpu.enqueue_dma source(%dma_start3A_120 : memref<4x112xi32, #tpu.memory_space<hbm>>) target(%dma_start3A_116 : memref<4x112xi32, #tpu.memory_space<vmem>>) target_semaphore(%run_scoped3A_104 : memref<!tpu.dma_semaphore, #tpu.memory_space<semaphore_mem>>)
      %dma_wait3A_121 = arith.constant 0 : i32
      %dma_wait3A_122 = arith.constant 0 : i32
      %dma_wait3A_123 = tpu.memref_slice %arg12[%run_scoped3A_45, %dma_wait3A_121, %dma_wait3A_122] : memref<2x4x112xi32, #tpu.memory_space<vmem>> -> memref<1x4x112xi32, #tpu.memory_space<vmem>>
      %dma_wait3A_124 = tpu.memref_squeeze %dma_wait3A_123 : memref<1x4x112xi32, #tpu.memory_space<vmem>> -> memref<4x112xi32, #tpu.memory_space<vmem>>
      %dma_wait3A_125 = arith.constant 0 : i32
      %dma_wait3A_126 = arith.constant 0 : i32
      %dma_wait3A_127 = tpu.memref_slice %arg4[%add3A, %dma_wait3A_125, %dma_wait3A_126] : memref<32x92x112xi32, #tpu.memory_space<hbm>> -> memref<1x4x112xi32, #tpu.memory_space<hbm>>
      %dma_wait3A_128 = tpu.memref_squeeze %dma_wait3A_127 : memref<1x4x112xi32, #tpu.memory_space<hbm>> -> memref<4x112xi32, #tpu.memory_space<hbm>>
      %dma_wait3A_129 = arith.constant 0 : i32
      %dma_wait3A_130 = arith.constant 0 : i32
      %dma_wait3A_131 = tpu.memref_slice %arg12[%run_scoped3A_45, %dma_wait3A_129, %dma_wait3A_130] : memref<2x4x112xi32, #tpu.memory_space<vmem>> -> memref<1x4x112xi32, #tpu.memory_space<vmem>>
      %dma_wait3A_132 = tpu.memref_squeeze %dma_wait3A_131 : memref<1x4x112xi32, #tpu.memory_space<vmem>> -> memref<4x112xi32, #tpu.memory_space<vmem>>
      %dma_wait3A_133 = arith.constant 0 : i32
      %dma_wait3A_134 = arith.constant 0 : i32
      %dma_wait3A_135 = tpu.memref_slice %arg4[%add3A, %dma_wait3A_133, %dma_wait3A_134] : memref<32x92x112xi32, #tpu.memory_space<hbm>> -> memref<1x4x112xi32, #tpu.memory_space<hbm>>
      %dma_wait3A_136 = tpu.memref_squeeze %dma_wait3A_135 : memref<1x4x112xi32, #tpu.memory_space<hbm>> -> memref<4x112xi32, #tpu.memory_space<hbm>>
      tpu.wait_dma2 semaphore(%run_scoped3A_104 : memref<!tpu.dma_semaphore, #tpu.memory_space<semaphore_mem>>) src(%dma_wait3A_136 : memref<4x112xi32, #tpu.memory_space<hbm>>) dst(%dma_wait3A_132 : memref<4x112xi32, #tpu.memory_space<vmem>>)
      tpu.yield
    }) : () -> ()
    %barrier3A = arith.constant 0 : index
    tpu.barrier barrier_id(%barrier3A)
    %dma_start3A = arith.constant 0 : i32
    %dma_start3A_46 = arith.constant 0 : i32
    %dma_start3A_47 = arith.constant 0 : i32
    %dma_start3A_48 = arith.constant 0 : i32
    %dma_start3A_49 = arith.constant 0 : i32
    %dma_start3A_50 = tpu.memref_slice %arg13[%dma_start3A_47, %dma_start3A_48, %dma_start3A_49] : memref<3x112x128xf32, #tpu.memory_space<vmem>> -> memref<1x112x128xf32, #tpu.memory_space<vmem>>
    %dma_start3A_51 = tpu.memref_squeeze %dma_start3A_50 : memref<1x112x128xf32, #tpu.memory_space<vmem>> -> memref<112x128xf32, #tpu.memory_space<vmem>>
    %dma_start3A_52 = arith.constant 0 : i32
    %dma_start3A_53 = tpu.memref_slice %arg11[%dma_start3A, %dma_start3A_46, %dma_start3A_52] : memref<2x4x112xi32, #tpu.memory_space<vmem>> -> memref<1x1x112xi32, #tpu.memory_space<vmem>>
    %dma_start3A_54 = tpu.memref_squeeze %dma_start3A_53 : memref<1x1x112xi32, #tpu.memory_space<vmem>> -> memref<112xi32, #tpu.memory_space<vmem>>
    %dma_start3A_55 = arith.constant 0 : i32
    %dma_start3A_56 = arith.constant 0 : i32
    %dma_start3A_57 = tpu.memref_slice %arg2[%dma_start3A_55, %dma_start3A_56] : memref<10000x128xf32, #tpu.memory_space<hbm>> -> memref<10000x128xf32, #tpu.memory_space<hbm>>
    tpu.enqueue_indirect_dma source(%dma_start3A_57 : memref<10000x128xf32, #tpu.memory_space<hbm>>) target(%dma_start3A_51 : memref<112x128xf32, #tpu.memory_space<vmem>>) offsets(%dma_start3A_54 : memref<112xi32, #tpu.memory_space<vmem>>) semaphore(%arg15 : memref<!tpu.dma_semaphore, #tpu.memory_space<semaphore_mem>>)
    %dma_start3A_58 = arith.constant 0 : i32
    %dma_start3A_59 = arith.constant 1 : i32
    %dma_start3A_60 = arith.constant 1 : i32
    %dma_start3A_61 = arith.constant 0 : i32
    %dma_start3A_62 = arith.constant 0 : i32
    %dma_start3A_63 = tpu.memref_slice %arg13[%dma_start3A_60, %dma_start3A_61, %dma_start3A_62] : memref<3x112x128xf32, #tpu.memory_space<vmem>> -> memref<1x112x128xf32, #tpu.memory_space<vmem>>
    %dma_start3A_64 = tpu.memref_squeeze %dma_start3A_63 : memref<1x112x128xf32, #tpu.memory_space<vmem>> -> memref<112x128xf32, #tpu.memory_space<vmem>>
    %dma_start3A_65 = arith.constant 0 : i32
    %dma_start3A_66 = tpu.memref_slice %arg11[%dma_start3A_58, %dma_start3A_59, %dma_start3A_65] : memref<2x4x112xi32, #tpu.memory_space<vmem>> -> memref<1x1x112xi32, #tpu.memory_space<vmem>>
    %dma_start3A_67 = tpu.memref_squeeze %dma_start3A_66 : memref<1x1x112xi32, #tpu.memory_space<vmem>> -> memref<112xi32, #tpu.memory_space<vmem>>
    %dma_start3A_68 = arith.constant 0 : i32
    %dma_start3A_69 = arith.constant 0 : i32
    %dma_start3A_70 = tpu.memref_slice %arg2[%dma_start3A_68, %dma_start3A_69] : memref<10000x128xf32, #tpu.memory_space<hbm>> -> memref<10000x128xf32, #tpu.memory_space<hbm>>
    tpu.enqueue_indirect_dma source(%dma_start3A_70 : memref<10000x128xf32, #tpu.memory_space<hbm>>) target(%dma_start3A_64 : memref<112x128xf32, #tpu.memory_space<vmem>>) offsets(%dma_start3A_67 : memref<112xi32, #tpu.memory_space<vmem>>) semaphore(%arg15 : memref<!tpu.dma_semaphore, #tpu.memory_space<semaphore_mem>>)
    %scan3A = arith.constant 0 : i32
    %scan3A_71 = arith.constant 0 : i32
    %scan3A_72 = arith.constant 23 : i32
    %scan3A_73 = arith.addi %scan3A_71, %scan3A_72 : i32
    %scan3A_74 = arith.constant 1 : i32
    scf.for %scan3A_104 = %scan3A_71 to %scan3A_73 step %scan3A_74  : i32 {
      %jit3A = arith.constant 2 : i32
      %eq3A = arith.constant 0 : i32
      %eq3A_105 = arith.cmpi eq, %jit3A, %eq3A : i32
      %jit3A_106 = arith.constant 1 : i32
      %select_n3A = arith.select %eq3A_105, %jit3A_106, %jit3A : i32
      %rem3A = arith.remsi %scan3A_104, %select_n3A : i32
      %ne3A = arith.constant 0 : i32
      %ne3A_107 = arith.cmpi ne, %rem3A, %ne3A : i32
      %lt3A = arith.constant 0 : i32
      %lt3A_108 = arith.cmpi slt, %rem3A, %lt3A : i32
      %lt3A_109 = arith.constant 0 : i32
      %lt3A_110 = arith.cmpi slt, %select_n3A, %lt3A_109 : i32
      %ne3A_111 = arith.xori %lt3A_108, %lt3A_110 : i1
      %and3A = arith.andi %ne3A_111, %ne3A_107 : i1
      %add3A_112 = arith.addi %rem3A, %select_n3A : i32
      %select_n3A_113 = arith.select %and3A, %add3A_112, %rem3A : i32
      %sub3A = arith.constant 1 : i32
      %sub3A_114 = arith.subi %sub3A, %select_n3A_113 : i32
      %mul3A_115 = arith.constant 4 : i32
      %mul3A_116 = arith.muli %scan3A_104, %mul3A_115 : i32
      %add3A_117 = arith.constant 0 : i32
      %add3A_118 = arith.addi %mul3A_116, %add3A_117 : i32
      %jit3A_119 = arith.constant 3 : i32
      %eq3A_120 = arith.constant 0 : i32
      %eq3A_121 = arith.cmpi eq, %jit3A_119, %eq3A_120 : i32
      %jit3A_122 = arith.constant 1 : i32
      %select_n3A_123 = arith.select %eq3A_121, %jit3A_122, %jit3A_119 : i32
      %rem3A_124 = arith.remsi %add3A_118, %select_n3A_123 : i32
      %ne3A_125 = arith.constant 0 : i32
      %ne3A_126 = arith.cmpi ne, %rem3A_124, %ne3A_125 : i32
      %lt3A_127 = arith.constant 0 : i32
      %lt3A_128 = arith.cmpi slt, %rem3A_124, %lt3A_127 : i32
      %lt3A_129 = arith.constant 0 : i32
      %lt3A_130 = arith.cmpi slt, %select_n3A_123, %lt3A_129 : i32
      %ne3A_131 = arith.xori %lt3A_128, %lt3A_130 : i1
      %and3A_132 = arith.andi %ne3A_131, %ne3A_126 : i1
      %add3A_133 = arith.addi %rem3A_124, %select_n3A_123 : i32
      %select_n3A_134 = arith.select %and3A_132, %add3A_133, %rem3A_124 : i32
      %gt3A = arith.constant 0 : i32
      %gt3A_135 = arith.cmpi sgt, %scan3A_104, %gt3A : i32
      %convert_element_type3A = arith.extui %gt3A_135 : i1 to i32
      %cond3A = arith.constant 0 : i32
      %cond3A_136 = arith.cmpi ne, %convert_element_type3A, %cond3A : i32
      scf.if %cond3A_136 {
        %add3A_497 = arith.constant 2 : i32
        %add3A_498 = arith.addi %mul3A_116, %add3A_497 : i32
        %jit3A_499 = arith.constant 3 : i32
        %eq3A_500 = arith.constant 0 : i32
        %eq3A_501 = arith.cmpi eq, %jit3A_499, %eq3A_500 : i32
        %jit3A_502 = arith.constant 1 : i32
        %select_n3A_503 = arith.select %eq3A_501, %jit3A_502, %jit3A_499 : i32
        %rem3A_504 = arith.remsi %add3A_498, %select_n3A_503 : i32
        %ne3A_505 = arith.constant 0 : i32
        %ne3A_506 = arith.cmpi ne, %rem3A_504, %ne3A_505 : i32
        %lt3A_507 = arith.constant 0 : i32
        %lt3A_508 = arith.cmpi slt, %rem3A_504, %lt3A_507 : i32
        %lt3A_509 = arith.constant 0 : i32
        %lt3A_510 = arith.cmpi slt, %select_n3A_503, %lt3A_509 : i32
        %ne3A_511 = arith.xori %lt3A_508, %lt3A_510 : i1
        %and3A_512 = arith.andi %ne3A_511, %ne3A_506 : i1
        %add3A_513 = arith.addi %rem3A_504, %select_n3A_503 : i32
        %select_n3A_514 = arith.select %and3A_512, %add3A_513, %rem3A_504 : i32
        %dma_wait3A_515 = arith.constant 3 : i32
        %dma_wait3A_516 = arith.constant 0 : i32
        %dma_wait3A_517 = arith.constant 0 : i32
        %dma_wait3A_518 = tpu.memref_slice %arg13[%select_n3A_514, %dma_wait3A_516, %dma_wait3A_517] : memref<3x112x128xf32, #tpu.memory_space<vmem>> -> memref<1x112x128xf32, #tpu.memory_space<vmem>>
        %dma_wait3A_519 = tpu.memref_squeeze %dma_wait3A_518 : memref<1x112x128xf32, #tpu.memory_space<vmem>> -> memref<112x128xf32, #tpu.memory_space<vmem>>
        %dma_wait3A_520 = arith.constant 0 : i32
        %dma_wait3A_521 = tpu.memref_slice %arg12[%sub3A_114, %dma_wait3A_515, %dma_wait3A_520] : memref<2x4x112xi32, #tpu.memory_space<vmem>> -> memref<1x1x112xi32, #tpu.memory_space<vmem>>
        %dma_wait3A_522 = tpu.memref_squeeze %dma_wait3A_521 : memref<1x1x112xi32, #tpu.memory_space<vmem>> -> memref<112xi32, #tpu.memory_space<vmem>>
        %dma_wait3A_523 = arith.constant 0 : i32
        %dma_wait3A_524 = arith.constant 0 : i32
        %dma_wait3A_525 = tpu.memref_slice %arg9[%dma_wait3A_523, %dma_wait3A_524] : memref<10240x128xf32, #tpu.memory_space<vmem_shared>> -> memref<10240x128xf32, #tpu.memory_space<vmem_shared>>
        tpu.wait_indirect_dma semaphore(%arg16 : memref<!tpu.dma_semaphore, #tpu.memory_space<semaphore_mem>>) src(%dma_wait3A_519 : memref<112x128xf32, #tpu.memory_space<vmem>>) dst(%dma_wait3A_525 : memref<10240x128xf32, #tpu.memory_space<vmem_shared>>)
        %dma_wait3A_526 = arith.constant 3 : i32
        %dma_wait3A_527 = arith.constant 0 : i32
        %dma_wait3A_528 = tpu.memref_slice %arg12[%sub3A_114, %dma_wait3A_526, %dma_wait3A_527] : memref<2x4x112xi32, #tpu.memory_space<vmem>> -> memref<1x1x112xi32, #tpu.memory_space<vmem>>
        %dma_wait3A_529 = tpu.memref_squeeze %dma_wait3A_528 : memref<1x1x112xi32, #tpu.memory_space<vmem>> -> memref<112xi32, #tpu.memory_space<vmem>>
        %dma_wait3A_530 = arith.constant 0 : i32
        %dma_wait3A_531 = tpu.memref_slice %arg10[%dma_wait3A_530] : memref<10240xf32, #tpu.memory_space<vmem_shared>> -> memref<10240xf32, #tpu.memory_space<vmem_shared>>
        tpu.wait_indirect_dma semaphore(%arg16 : memref<!tpu.dma_semaphore, #tpu.memory_space<semaphore_mem>>) src(%arg14 : memref<112xf32, #tpu.memory_space<vmem>>) dst(%dma_wait3A_531 : memref<10240xf32, #tpu.memory_space<vmem_shared>>)
      } else {
      }
      %lt3A_137 = arith.constant 22 : i32
      %lt3A_138 = arith.cmpi slt, %scan3A_104, %lt3A_137 : i32
      %convert_element_type3A_139 = arith.extui %lt3A_138 : i1 to i32
      %cond3A_140 = arith.constant 0 : i32
      %cond3A_141 = arith.cmpi ne, %convert_element_type3A_139, %cond3A_140 : i32
      scf.if %cond3A_141 {
        %add3A_497 = arith.constant 1 : i32
        %add3A_498 = arith.addi %scan3A_104, %add3A_497 : i32
        %mul3A_499 = arith.constant 4 : i32
        %mul3A_500 = arith.muli %add3A_498, %mul3A_499 : i32
        %dma_start3A_501 = arith.constant 0 : i32
        %dma_start3A_502 = arith.constant 0 : i32
        %dma_start3A_503 = tpu.memref_slice %arg11[%sub3A_114, %dma_start3A_501, %dma_start3A_502] : memref<2x4x112xi32, #tpu.memory_space<vmem>> -> memref<1x4x112xi32, #tpu.memory_space<vmem>>
        %dma_start3A_504 = tpu.memref_squeeze %dma_start3A_503 : memref<1x4x112xi32, #tpu.memory_space<vmem>> -> memref<4x112xi32, #tpu.memory_space<vmem>>
        %dma_start3A_505 = arith.constant 0 : i32
        %dma_start3A_506 = tpu.memref_slice %arg3[%add3A, %mul3A_500, %dma_start3A_505] : memref<32x92x112xi32, #tpu.memory_space<hbm>> -> memref<1x4x112xi32, #tpu.memory_space<hbm>>
        %dma_start3A_507 = tpu.memref_squeeze %dma_start3A_506 : memref<1x4x112xi32, #tpu.memory_space<hbm>> -> memref<4x112xi32, #tpu.memory_space<hbm>>
        %dma_start3A_508 = arith.constant 0 : i32
        %dma_start3A_509 = arith.constant 0 : i32
        %dma_start3A_510 = tpu.memref_slice %arg11[%sub3A_114, %dma_start3A_508, %dma_start3A_509] : memref<2x4x112xi32, #tpu.memory_space<vmem>> -> memref<1x4x112xi32, #tpu.memory_space<vmem>>
        %dma_start3A_511 = tpu.memref_squeeze %dma_start3A_510 : memref<1x4x112xi32, #tpu.memory_space<vmem>> -> memref<4x112xi32, #tpu.memory_space<vmem>>
        %dma_start3A_512 = arith.constant 0 : i32
        %dma_start3A_513 = tpu.memref_slice %arg3[%add3A, %mul3A_500, %dma_start3A_512] : memref<32x92x112xi32, #tpu.memory_space<hbm>> -> memref<1x4x112xi32, #tpu.memory_space<hbm>>
        %dma_start3A_514 = tpu.memref_squeeze %dma_start3A_513 : memref<1x4x112xi32, #tpu.memory_space<hbm>> -> memref<4x112xi32, #tpu.memory_space<hbm>>
        tpu.enqueue_dma source(%dma_start3A_514 : memref<4x112xi32, #tpu.memory_space<hbm>>) target(%dma_start3A_511 : memref<4x112xi32, #tpu.memory_space<vmem>>) target_semaphore(%arg17 : memref<!tpu.dma_semaphore, #tpu.memory_space<semaphore_mem>>)
        %add3A_515 = arith.constant 1 : i32
        %add3A_516 = arith.addi %scan3A_104, %add3A_515 : i32
        %mul3A_517 = arith.constant 4 : i32
        %mul3A_518 = arith.muli %add3A_516, %mul3A_517 : i32
        %dma_start3A_519 = arith.constant 0 : i32
        %dma_start3A_520 = arith.constant 0 : i32
        %dma_start3A_521 = tpu.memref_slice %arg12[%sub3A_114, %dma_start3A_519, %dma_start3A_520] : memref<2x4x112xi32, #tpu.memory_space<vmem>> -> memref<1x4x112xi32, #tpu.memory_space<vmem>>
        %dma_start3A_522 = tpu.memref_squeeze %dma_start3A_521 : memref<1x4x112xi32, #tpu.memory_space<vmem>> -> memref<4x112xi32, #tpu.memory_space<vmem>>
        %dma_start3A_523 = arith.constant 0 : i32
        %dma_start3A_524 = tpu.memref_slice %arg4[%add3A, %mul3A_518, %dma_start3A_523] : memref<32x92x112xi32, #tpu.memory_space<hbm>> -> memref<1x4x112xi32, #tpu.memory_space<hbm>>
        %dma_start3A_525 = tpu.memref_squeeze %dma_start3A_524 : memref<1x4x112xi32, #tpu.memory_space<hbm>> -> memref<4x112xi32, #tpu.memory_space<hbm>>
        %dma_start3A_526 = arith.constant 0 : i32
        %dma_start3A_527 = arith.constant 0 : i32
        %dma_start3A_528 = tpu.memref_slice %arg12[%sub3A_114, %dma_start3A_526, %dma_start3A_527] : memref<2x4x112xi32, #tpu.memory_space<vmem>> -> memref<1x4x112xi32, #tpu.memory_space<vmem>>
        %dma_start3A_529 = tpu.memref_squeeze %dma_start3A_528 : memref<1x4x112xi32, #tpu.memory_space<vmem>> -> memref<4x112xi32, #tpu.memory_space<vmem>>
        %dma_start3A_530 = arith.constant 0 : i32
        %dma_start3A_531 = tpu.memref_slice %arg4[%add3A, %mul3A_518, %dma_start3A_530] : memref<32x92x112xi32, #tpu.memory_space<hbm>> -> memref<1x4x112xi32, #tpu.memory_space<hbm>>
        %dma_start3A_532 = tpu.memref_squeeze %dma_start3A_531 : memref<1x4x112xi32, #tpu.memory_space<hbm>> -> memref<4x112xi32, #tpu.memory_space<hbm>>
        tpu.enqueue_dma source(%dma_start3A_532 : memref<4x112xi32, #tpu.memory_space<hbm>>) target(%dma_start3A_529 : memref<4x112xi32, #tpu.memory_space<vmem>>) target_semaphore(%arg17 : memref<!tpu.dma_semaphore, #tpu.memory_space<semaphore_mem>>)
      } else {
      }
      %add3A_142 = arith.constant 0 : i32
      %add3A_143 = arith.addi %mul3A_116, %add3A_142 : i32
      %add3A_144 = arith.constant 2 : i32
      %add3A_145 = arith.addi %add3A_143, %add3A_144 : i32
      %jit3A_146 = arith.constant 3 : i32
      %eq3A_147 = arith.constant 0 : i32
      %eq3A_148 = arith.cmpi eq, %jit3A_146, %eq3A_147 : i32
      %jit3A_149 = arith.constant 1 : i32
      %select_n3A_150 = arith.select %eq3A_148, %jit3A_149, %jit3A_146 : i32
      %rem3A_151 = arith.remsi %add3A_145, %select_n3A_150 : i32
      %ne3A_152 = arith.constant 0 : i32
      %ne3A_153 = arith.cmpi ne, %rem3A_151, %ne3A_152 : i32
      %lt3A_154 = arith.constant 0 : i32
      %lt3A_155 = arith.cmpi slt, %rem3A_151, %lt3A_154 : i32
      %lt3A_156 = arith.constant 0 : i32
      %lt3A_157 = arith.cmpi slt, %select_n3A_150, %lt3A_156 : i32
      %ne3A_158 = arith.xori %lt3A_155, %lt3A_157 : i1
      %and3A_159 = arith.andi %ne3A_158, %ne3A_153 : i1
      %add3A_160 = arith.addi %rem3A_151, %select_n3A_150 : i32
      %select_n3A_161 = arith.select %and3A_159, %add3A_160, %rem3A_151 : i32
      %dma_start3A_162 = arith.constant 2 : i32
      %dma_start3A_163 = arith.constant 0 : i32
      %dma_start3A_164 = arith.constant 0 : i32
      %dma_start3A_165 = tpu.memref_slice %arg13[%select_n3A_161, %dma_start3A_163, %dma_start3A_164] : memref<3x112x128xf32, #tpu.memory_space<vmem>> -> memref<1x112x128xf32, #tpu.memory_space<vmem>>
      %dma_start3A_166 = tpu.memref_squeeze %dma_start3A_165 : memref<1x112x128xf32, #tpu.memory_space<vmem>> -> memref<112x128xf32, #tpu.memory_space<vmem>>
      %dma_start3A_167 = arith.constant 0 : i32
      %dma_start3A_168 = tpu.memref_slice %arg11[%select_n3A_113, %dma_start3A_162, %dma_start3A_167] : memref<2x4x112xi32, #tpu.memory_space<vmem>> -> memref<1x1x112xi32, #tpu.memory_space<vmem>>
      %dma_start3A_169 = tpu.memref_squeeze %dma_start3A_168 : memref<1x1x112xi32, #tpu.memory_space<vmem>> -> memref<112xi32, #tpu.memory_space<vmem>>
      %dma_start3A_170 = arith.constant 0 : i32
      %dma_start3A_171 = arith.constant 0 : i32
      %dma_start3A_172 = tpu.memref_slice %arg2[%dma_start3A_170, %dma_start3A_171] : memref<10000x128xf32, #tpu.memory_space<hbm>> -> memref<10000x128xf32, #tpu.memory_space<hbm>>
      tpu.enqueue_indirect_dma source(%dma_start3A_172 : memref<10000x128xf32, #tpu.memory_space<hbm>>) target(%dma_start3A_166 : memref<112x128xf32, #tpu.memory_space<vmem>>) offsets(%dma_start3A_169 : memref<112xi32, #tpu.memory_space<vmem>>) semaphore(%arg15 : memref<!tpu.dma_semaphore, #tpu.memory_space<semaphore_mem>>)
      %dma_wait3A_173 = arith.constant 0 : i32
      %dma_wait3A_174 = arith.constant 0 : i32
      %dma_wait3A_175 = arith.constant 0 : i32
      %dma_wait3A_176 = tpu.memref_slice %arg13[%select_n3A_134, %dma_wait3A_174, %dma_wait3A_175] : memref<3x112x128xf32, #tpu.memory_space<vmem>> -> memref<1x112x128xf32, #tpu.memory_space<vmem>>
      %dma_wait3A_177 = tpu.memref_squeeze %dma_wait3A_176 : memref<1x112x128xf32, #tpu.memory_space<vmem>> -> memref<112x128xf32, #tpu.memory_space<vmem>>
      %dma_wait3A_178 = arith.constant 0 : i32
      %dma_wait3A_179 = tpu.memref_slice %arg11[%select_n3A_113, %dma_wait3A_173, %dma_wait3A_178] : memref<2x4x112xi32, #tpu.memory_space<vmem>> -> memref<1x1x112xi32, #tpu.memory_space<vmem>>
      %dma_wait3A_180 = tpu.memref_squeeze %dma_wait3A_179 : memref<1x1x112xi32, #tpu.memory_space<vmem>> -> memref<112xi32, #tpu.memory_space<vmem>>
      %dma_wait3A_181 = arith.constant 0 : i32
      %dma_wait3A_182 = arith.constant 0 : i32
      %dma_wait3A_183 = tpu.memref_slice %arg2[%dma_wait3A_181, %dma_wait3A_182] : memref<10000x128xf32, #tpu.memory_space<hbm>> -> memref<10000x128xf32, #tpu.memory_space<hbm>>
      tpu.wait_indirect_dma semaphore(%arg15 : memref<!tpu.dma_semaphore, #tpu.memory_space<semaphore_mem>>) src(%dma_wait3A_183 : memref<10000x128xf32, #tpu.memory_space<hbm>>) dst(%dma_wait3A_177 : memref<112x128xf32, #tpu.memory_space<vmem>>)
      %dma_start3A_184 = arith.constant 0 : i32
      %dma_start3A_185 = arith.constant 0 : i32
      %dma_start3A_186 = arith.constant 0 : i32
      %dma_start3A_187 = tpu.memref_slice %arg13[%select_n3A_134, %dma_start3A_185, %dma_start3A_186] : memref<3x112x128xf32, #tpu.memory_space<vmem>> -> memref<1x112x128xf32, #tpu.memory_space<vmem>>
      %dma_start3A_188 = tpu.memref_squeeze %dma_start3A_187 : memref<1x112x128xf32, #tpu.memory_space<vmem>> -> memref<112x128xf32, #tpu.memory_space<vmem>>
      %dma_start3A_189 = arith.constant 0 : i32
      %dma_start3A_190 = tpu.memref_slice %arg12[%select_n3A_113, %dma_start3A_184, %dma_start3A_189] : memref<2x4x112xi32, #tpu.memory_space<vmem>> -> memref<1x1x112xi32, #tpu.memory_space<vmem>>
      %dma_start3A_191 = tpu.memref_squeeze %dma_start3A_190 : memref<1x1x112xi32, #tpu.memory_space<vmem>> -> memref<112xi32, #tpu.memory_space<vmem>>
      %dma_start3A_192 = arith.constant 0 : i32
      %dma_start3A_193 = arith.constant 0 : i32
      %dma_start3A_194 = tpu.memref_slice %arg9[%dma_start3A_192, %dma_start3A_193] : memref<10240x128xf32, #tpu.memory_space<vmem_shared>> -> memref<10240x128xf32, #tpu.memory_space<vmem_shared>>
      tpu.enqueue_indirect_dma source(%dma_start3A_188 : memref<112x128xf32, #tpu.memory_space<vmem>>) target(%dma_start3A_194 : memref<10240x128xf32, #tpu.memory_space<vmem_shared>>) offsets(%dma_start3A_191 : memref<112xi32, #tpu.memory_space<vmem>>) semaphore(%arg16 : memref<!tpu.dma_semaphore, #tpu.memory_space<semaphore_mem>>) {add = true}
      %dma_start3A_195 = arith.constant 0 : i32
      %dma_start3A_196 = arith.constant 0 : i32
      %dma_start3A_197 = tpu.memref_slice %arg12[%select_n3A_113, %dma_start3A_195, %dma_start3A_196] : memref<2x4x112xi32, #tpu.memory_space<vmem>> -> memref<1x1x112xi32, #tpu.memory_space<vmem>>
      %dma_start3A_198 = tpu.memref_squeeze %dma_start3A_197 : memref<1x1x112xi32, #tpu.memory_space<vmem>> -> memref<112xi32, #tpu.memory_space<vmem>>
      %dma_start3A_199 = arith.constant 0 : i32
      %dma_start3A_200 = tpu.memref_slice %arg10[%dma_start3A_199] : memref<10240xf32, #tpu.memory_space<vmem_shared>> -> memref<10240xf32, #tpu.memory_space<vmem_shared>>
      tpu.enqueue_indirect_dma source(%arg14 : memref<112xf32, #tpu.memory_space<vmem>>) target(%dma_start3A_200 : memref<10240xf32, #tpu.memory_space<vmem_shared>>) offsets(%dma_start3A_198 : memref<112xi32, #tpu.memory_space<vmem>>) semaphore(%arg16 : memref<!tpu.dma_semaphore, #tpu.memory_space<semaphore_mem>>) {add = true}
      %mul3A_201 = arith.constant 4 : i32
      %mul3A_202 = arith.muli %scan3A_104, %mul3A_201 : i32
      %add3A_203 = arith.constant 1 : i32
      %add3A_204 = arith.addi %mul3A_202, %add3A_203 : i32
      %jit3A_205 = arith.constant 3 : i32
      %eq3A_206 = arith.constant 0 : i32
      %eq3A_207 = arith.cmpi eq, %jit3A_205, %eq3A_206 : i32
      %jit3A_208 = arith.constant 1 : i32
      %select_n3A_209 = arith.select %eq3A_207, %jit3A_208, %jit3A_205 : i32
      %rem3A_210 = arith.remsi %add3A_204, %select_n3A_209 : i32
      %ne3A_211 = arith.constant 0 : i32
      %ne3A_212 = arith.cmpi ne, %rem3A_210, %ne3A_211 : i32
      %lt3A_213 = arith.constant 0 : i32
      %lt3A_214 = arith.cmpi slt, %rem3A_210, %lt3A_213 : i32
      %lt3A_215 = arith.constant 0 : i32
      %lt3A_216 = arith.cmpi slt, %select_n3A_209, %lt3A_215 : i32
      %ne3A_217 = arith.xori %lt3A_214, %lt3A_216 : i1
      %and3A_218 = arith.andi %ne3A_217, %ne3A_212 : i1
      %add3A_219 = arith.addi %rem3A_210, %select_n3A_209 : i32
      %select_n3A_220 = arith.select %and3A_218, %add3A_219, %rem3A_210 : i32
      %add3A_221 = arith.constant 1 : i32
      %add3A_222 = arith.addi %mul3A_202, %add3A_221 : i32
      %add3A_223 = arith.constant 2 : i32
      %add3A_224 = arith.addi %add3A_222, %add3A_223 : i32
      %jit3A_225 = arith.constant 3 : i32
      %eq3A_226 = arith.constant 0 : i32
      %eq3A_227 = arith.cmpi eq, %jit3A_225, %eq3A_226 : i32
      %jit3A_228 = arith.constant 1 : i32
      %select_n3A_229 = arith.select %eq3A_227, %jit3A_228, %jit3A_225 : i32
      %rem3A_230 = arith.remsi %add3A_224, %select_n3A_229 : i32
      %ne3A_231 = arith.constant 0 : i32
      %ne3A_232 = arith.cmpi ne, %rem3A_230, %ne3A_231 : i32
      %lt3A_233 = arith.constant 0 : i32
      %lt3A_234 = arith.cmpi slt, %rem3A_230, %lt3A_233 : i32
      %lt3A_235 = arith.constant 0 : i32
      %lt3A_236 = arith.cmpi slt, %select_n3A_229, %lt3A_235 : i32
      %ne3A_237 = arith.xori %lt3A_234, %lt3A_236 : i1
      %and3A_238 = arith.andi %ne3A_237, %ne3A_232 : i1
      %add3A_239 = arith.addi %rem3A_230, %select_n3A_229 : i32
      %select_n3A_240 = arith.select %and3A_238, %add3A_239, %rem3A_230 : i32
      %dma_wait3A_241 = arith.constant 0 : i32
      %dma_wait3A_242 = arith.constant 0 : i32
      %dma_wait3A_243 = arith.constant 0 : i32
      %dma_wait3A_244 = tpu.memref_slice %arg13[%select_n3A_240, %dma_wait3A_242, %dma_wait3A_243] : memref<3x112x128xf32, #tpu.memory_space<vmem>> -> memref<1x112x128xf32, #tpu.memory_space<vmem>>
      %dma_wait3A_245 = tpu.memref_squeeze %dma_wait3A_244 : memref<1x112x128xf32, #tpu.memory_space<vmem>> -> memref<112x128xf32, #tpu.memory_space<vmem>>
      %dma_wait3A_246 = arith.constant 0 : i32
      %dma_wait3A_247 = tpu.memref_slice %arg12[%select_n3A_113, %dma_wait3A_241, %dma_wait3A_246] : memref<2x4x112xi32, #tpu.memory_space<vmem>> -> memref<1x1x112xi32, #tpu.memory_space<vmem>>
      %dma_wait3A_248 = tpu.memref_squeeze %dma_wait3A_247 : memref<1x1x112xi32, #tpu.memory_space<vmem>> -> memref<112xi32, #tpu.memory_space<vmem>>
      %dma_wait3A_249 = arith.constant 0 : i32
      %dma_wait3A_250 = arith.constant 0 : i32
      %dma_wait3A_251 = tpu.memref_slice %arg9[%dma_wait3A_249, %dma_wait3A_250] : memref<10240x128xf32, #tpu.memory_space<vmem_shared>> -> memref<10240x128xf32, #tpu.memory_space<vmem_shared>>
      tpu.wait_indirect_dma semaphore(%arg16 : memref<!tpu.dma_semaphore, #tpu.memory_space<semaphore_mem>>) src(%dma_wait3A_245 : memref<112x128xf32, #tpu.memory_space<vmem>>) dst(%dma_wait3A_251 : memref<10240x128xf32, #tpu.memory_space<vmem_shared>>)
      %dma_wait3A_252 = arith.constant 0 : i32
      %dma_wait3A_253 = arith.constant 0 : i32
      %dma_wait3A_254 = tpu.memref_slice %arg12[%select_n3A_113, %dma_wait3A_252, %dma_wait3A_253] : memref<2x4x112xi32, #tpu.memory_space<vmem>> -> memref<1x1x112xi32, #tpu.memory_space<vmem>>
      %dma_wait3A_255 = tpu.memref_squeeze %dma_wait3A_254 : memref<1x1x112xi32, #tpu.memory_space<vmem>> -> memref<112xi32, #tpu.memory_space<vmem>>
      %dma_wait3A_256 = arith.constant 0 : i32
      %dma_wait3A_257 = tpu.memref_slice %arg10[%dma_wait3A_256] : memref<10240xf32, #tpu.memory_space<vmem_shared>> -> memref<10240xf32, #tpu.memory_space<vmem_shared>>
      tpu.wait_indirect_dma semaphore(%arg16 : memref<!tpu.dma_semaphore, #tpu.memory_space<semaphore_mem>>) src(%arg14 : memref<112xf32, #tpu.memory_space<vmem>>) dst(%dma_wait3A_257 : memref<10240xf32, #tpu.memory_space<vmem_shared>>)
      %add3A_258 = arith.constant 1 : i32
      %add3A_259 = arith.addi %mul3A_202, %add3A_258 : i32
      %add3A_260 = arith.constant 2 : i32
      %add3A_261 = arith.addi %add3A_259, %add3A_260 : i32
      %jit3A_262 = arith.constant 3 : i32
      %eq3A_263 = arith.constant 0 : i32
      %eq3A_264 = arith.cmpi eq, %jit3A_262, %eq3A_263 : i32
      %jit3A_265 = arith.constant 1 : i32
      %select_n3A_266 = arith.select %eq3A_264, %jit3A_265, %jit3A_262 : i32
      %rem3A_267 = arith.remsi %add3A_261, %select_n3A_266 : i32
      %ne3A_268 = arith.constant 0 : i32
      %ne3A_269 = arith.cmpi ne, %rem3A_267, %ne3A_268 : i32
      %lt3A_270 = arith.constant 0 : i32
      %lt3A_271 = arith.cmpi slt, %rem3A_267, %lt3A_270 : i32
      %lt3A_272 = arith.constant 0 : i32
      %lt3A_273 = arith.cmpi slt, %select_n3A_266, %lt3A_272 : i32
      %ne3A_274 = arith.xori %lt3A_271, %lt3A_273 : i1
      %and3A_275 = arith.andi %ne3A_274, %ne3A_269 : i1
      %add3A_276 = arith.addi %rem3A_267, %select_n3A_266 : i32
      %select_n3A_277 = arith.select %and3A_275, %add3A_276, %rem3A_267 : i32
      %dma_start3A_278 = arith.constant 3 : i32
      %dma_start3A_279 = arith.constant 0 : i32
      %dma_start3A_280 = arith.constant 0 : i32
      %dma_start3A_281 = tpu.memref_slice %arg13[%select_n3A_277, %dma_start3A_279, %dma_start3A_280] : memref<3x112x128xf32, #tpu.memory_space<vmem>> -> memref<1x112x128xf32, #tpu.memory_space<vmem>>
      %dma_start3A_282 = tpu.memref_squeeze %dma_start3A_281 : memref<1x112x128xf32, #tpu.memory_space<vmem>> -> memref<112x128xf32, #tpu.memory_space<vmem>>
      %dma_start3A_283 = arith.constant 0 : i32
      %dma_start3A_284 = tpu.memref_slice %arg11[%select_n3A_113, %dma_start3A_278, %dma_start3A_283] : memref<2x4x112xi32, #tpu.memory_space<vmem>> -> memref<1x1x112xi32, #tpu.memory_space<vmem>>
      %dma_start3A_285 = tpu.memref_squeeze %dma_start3A_284 : memref<1x1x112xi32, #tpu.memory_space<vmem>> -> memref<112xi32, #tpu.memory_space<vmem>>
      %dma_start3A_286 = arith.constant 0 : i32
      %dma_start3A_287 = arith.constant 0 : i32
      %dma_start3A_288 = tpu.memref_slice %arg2[%dma_start3A_286, %dma_start3A_287] : memref<10000x128xf32, #tpu.memory_space<hbm>> -> memref<10000x128xf32, #tpu.memory_space<hbm>>
      tpu.enqueue_indirect_dma source(%dma_start3A_288 : memref<10000x128xf32, #tpu.memory_space<hbm>>) target(%dma_start3A_282 : memref<112x128xf32, #tpu.memory_space<vmem>>) offsets(%dma_start3A_285 : memref<112xi32, #tpu.memory_space<vmem>>) semaphore(%arg15 : memref<!tpu.dma_semaphore, #tpu.memory_space<semaphore_mem>>)
      %dma_wait3A_289 = arith.constant 1 : i32
      %dma_wait3A_290 = arith.constant 0 : i32
      %dma_wait3A_291 = arith.constant 0 : i32
      %dma_wait3A_292 = tpu.memref_slice %arg13[%select_n3A_220, %dma_wait3A_290, %dma_wait3A_291] : memref<3x112x128xf32, #tpu.memory_space<vmem>> -> memref<1x112x128xf32, #tpu.memory_space<vmem>>
      %dma_wait3A_293 = tpu.memref_squeeze %dma_wait3A_292 : memref<1x112x128xf32, #tpu.memory_space<vmem>> -> memref<112x128xf32, #tpu.memory_space<vmem>>
      %dma_wait3A_294 = arith.constant 0 : i32
      %dma_wait3A_295 = tpu.memref_slice %arg11[%select_n3A_113, %dma_wait3A_289, %dma_wait3A_294] : memref<2x4x112xi32, #tpu.memory_space<vmem>> -> memref<1x1x112xi32, #tpu.memory_space<vmem>>
      %dma_wait3A_296 = tpu.memref_squeeze %dma_wait3A_295 : memref<1x1x112xi32, #tpu.memory_space<vmem>> -> memref<112xi32, #tpu.memory_space<vmem>>
      %dma_wait3A_297 = arith.constant 0 : i32
      %dma_wait3A_298 = arith.constant 0 : i32
      %dma_wait3A_299 = tpu.memref_slice %arg2[%dma_wait3A_297, %dma_wait3A_298] : memref<10000x128xf32, #tpu.memory_space<hbm>> -> memref<10000x128xf32, #tpu.memory_space<hbm>>
      tpu.wait_indirect_dma semaphore(%arg15 : memref<!tpu.dma_semaphore, #tpu.memory_space<semaphore_mem>>) src(%dma_wait3A_299 : memref<10000x128xf32, #tpu.memory_space<hbm>>) dst(%dma_wait3A_293 : memref<112x128xf32, #tpu.memory_space<vmem>>)
      %dma_start3A_300 = arith.constant 1 : i32
      %dma_start3A_301 = arith.constant 0 : i32
      %dma_start3A_302 = arith.constant 0 : i32
      %dma_start3A_303 = tpu.memref_slice %arg13[%select_n3A_220, %dma_start3A_301, %dma_start3A_302] : memref<3x112x128xf32, #tpu.memory_space<vmem>> -> memref<1x112x128xf32, #tpu.memory_space<vmem>>
      %dma_start3A_304 = tpu.memref_squeeze %dma_start3A_303 : memref<1x112x128xf32, #tpu.memory_space<vmem>> -> memref<112x128xf32, #tpu.memory_space<vmem>>
      %dma_start3A_305 = arith.constant 0 : i32
      %dma_start3A_306 = tpu.memref_slice %arg12[%select_n3A_113, %dma_start3A_300, %dma_start3A_305] : memref<2x4x112xi32, #tpu.memory_space<vmem>> -> memref<1x1x112xi32, #tpu.memory_space<vmem>>
      %dma_start3A_307 = tpu.memref_squeeze %dma_start3A_306 : memref<1x1x112xi32, #tpu.memory_space<vmem>> -> memref<112xi32, #tpu.memory_space<vmem>>
      %dma_start3A_308 = arith.constant 0 : i32
      %dma_start3A_309 = arith.constant 0 : i32
      %dma_start3A_310 = tpu.memref_slice %arg9[%dma_start3A_308, %dma_start3A_309] : memref<10240x128xf32, #tpu.memory_space<vmem_shared>> -> memref<10240x128xf32, #tpu.memory_space<vmem_shared>>
      tpu.enqueue_indirect_dma source(%dma_start3A_304 : memref<112x128xf32, #tpu.memory_space<vmem>>) target(%dma_start3A_310 : memref<10240x128xf32, #tpu.memory_space<vmem_shared>>) offsets(%dma_start3A_307 : memref<112xi32, #tpu.memory_space<vmem>>) semaphore(%arg16 : memref<!tpu.dma_semaphore, #tpu.memory_space<semaphore_mem>>) {add = true}
      %dma_start3A_311 = arith.constant 1 : i32
      %dma_start3A_312 = arith.constant 0 : i32
      %dma_start3A_313 = tpu.memref_slice %arg12[%select_n3A_113, %dma_start3A_311, %dma_start3A_312] : memref<2x4x112xi32, #tpu.memory_space<vmem>> -> memref<1x1x112xi32, #tpu.memory_space<vmem>>
      %dma_start3A_314 = tpu.memref_squeeze %dma_start3A_313 : memref<1x1x112xi32, #tpu.memory_space<vmem>> -> memref<112xi32, #tpu.memory_space<vmem>>
      %dma_start3A_315 = arith.constant 0 : i32
      %dma_start3A_316 = tpu.memref_slice %arg10[%dma_start3A_315] : memref<10240xf32, #tpu.memory_space<vmem_shared>> -> memref<10240xf32, #tpu.memory_space<vmem_shared>>
      tpu.enqueue_indirect_dma source(%arg14 : memref<112xf32, #tpu.memory_space<vmem>>) target(%dma_start3A_316 : memref<10240xf32, #tpu.memory_space<vmem_shared>>) offsets(%dma_start3A_314 : memref<112xi32, #tpu.memory_space<vmem>>) semaphore(%arg16 : memref<!tpu.dma_semaphore, #tpu.memory_space<semaphore_mem>>) {add = true}
      %mul3A_317 = arith.constant 4 : i32
      %mul3A_318 = arith.muli %scan3A_104, %mul3A_317 : i32
      %add3A_319 = arith.constant 2 : i32
      %add3A_320 = arith.addi %mul3A_318, %add3A_319 : i32
      %jit3A_321 = arith.constant 3 : i32
      %eq3A_322 = arith.constant 0 : i32
      %eq3A_323 = arith.cmpi eq, %jit3A_321, %eq3A_322 : i32
      %jit3A_324 = arith.constant 1 : i32
      %select_n3A_325 = arith.select %eq3A_323, %jit3A_324, %jit3A_321 : i32
      %rem3A_326 = arith.remsi %add3A_320, %select_n3A_325 : i32
      %ne3A_327 = arith.constant 0 : i32
      %ne3A_328 = arith.cmpi ne, %rem3A_326, %ne3A_327 : i32
      %lt3A_329 = arith.constant 0 : i32
      %lt3A_330 = arith.cmpi slt, %rem3A_326, %lt3A_329 : i32
      %lt3A_331 = arith.constant 0 : i32
      %lt3A_332 = arith.cmpi slt, %select_n3A_325, %lt3A_331 : i32
      %ne3A_333 = arith.xori %lt3A_330, %lt3A_332 : i1
      %and3A_334 = arith.andi %ne3A_333, %ne3A_328 : i1
      %add3A_335 = arith.addi %rem3A_326, %select_n3A_325 : i32
      %select_n3A_336 = arith.select %and3A_334, %add3A_335, %rem3A_326 : i32
      %add3A_337 = arith.constant 2 : i32
      %add3A_338 = arith.addi %mul3A_318, %add3A_337 : i32
      %add3A_339 = arith.constant 2 : i32
      %add3A_340 = arith.addi %add3A_338, %add3A_339 : i32
      %jit3A_341 = arith.constant 3 : i32
      %eq3A_342 = arith.constant 0 : i32
      %eq3A_343 = arith.cmpi eq, %jit3A_341, %eq3A_342 : i32
      %jit3A_344 = arith.constant 1 : i32
      %select_n3A_345 = arith.select %eq3A_343, %jit3A_344, %jit3A_341 : i32
      %rem3A_346 = arith.remsi %add3A_340, %select_n3A_345 : i32
      %ne3A_347 = arith.constant 0 : i32
      %ne3A_348 = arith.cmpi ne, %rem3A_346, %ne3A_347 : i32
      %lt3A_349 = arith.constant 0 : i32
      %lt3A_350 = arith.cmpi slt, %rem3A_346, %lt3A_349 : i32
      %lt3A_351 = arith.constant 0 : i32
      %lt3A_352 = arith.cmpi slt, %select_n3A_345, %lt3A_351 : i32
      %ne3A_353 = arith.xori %lt3A_350, %lt3A_352 : i1
      %and3A_354 = arith.andi %ne3A_353, %ne3A_348 : i1
      %add3A_355 = arith.addi %rem3A_346, %select_n3A_345 : i32
      %select_n3A_356 = arith.select %and3A_354, %add3A_355, %rem3A_346 : i32
      %dma_wait3A_357 = arith.constant 1 : i32
      %dma_wait3A_358 = arith.constant 0 : i32
      %dma_wait3A_359 = arith.constant 0 : i32
      %dma_wait3A_360 = tpu.memref_slice %arg13[%select_n3A_356, %dma_wait3A_358, %dma_wait3A_359] : memref<3x112x128xf32, #tpu.memory_space<vmem>> -> memref<1x112x128xf32, #tpu.memory_space<vmem>>
      %dma_wait3A_361 = tpu.memref_squeeze %dma_wait3A_360 : memref<1x112x128xf32, #tpu.memory_space<vmem>> -> memref<112x128xf32, #tpu.memory_space<vmem>>
      %dma_wait3A_362 = arith.constant 0 : i32
      %dma_wait3A_363 = tpu.memref_slice %arg12[%select_n3A_113, %dma_wait3A_357, %dma_wait3A_362] : memref<2x4x112xi32, #tpu.memory_space<vmem>> -> memref<1x1x112xi32, #tpu.memory_space<vmem>>
      %dma_wait3A_364 = tpu.memref_squeeze %dma_wait3A_363 : memref<1x1x112xi32, #tpu.memory_space<vmem>> -> memref<112xi32, #tpu.memory_space<vmem>>
      %dma_wait3A_365 = arith.constant 0 : i32
      %dma_wait3A_366 = arith.constant 0 : i32
      %dma_wait3A_367 = tpu.memref_slice %arg9[%dma_wait3A_365, %dma_wait3A_366] : memref<10240x128xf32, #tpu.memory_space<vmem_shared>> -> memref<10240x128xf32, #tpu.memory_space<vmem_shared>>
      tpu.wait_indirect_dma semaphore(%arg16 : memref<!tpu.dma_semaphore, #tpu.memory_space<semaphore_mem>>) src(%dma_wait3A_361 : memref<112x128xf32, #tpu.memory_space<vmem>>) dst(%dma_wait3A_367 : memref<10240x128xf32, #tpu.memory_space<vmem_shared>>)
      %dma_wait3A_368 = arith.constant 1 : i32
      %dma_wait3A_369 = arith.constant 0 : i32
      %dma_wait3A_370 = tpu.memref_slice %arg12[%select_n3A_113, %dma_wait3A_368, %dma_wait3A_369] : memref<2x4x112xi32, #tpu.memory_space<vmem>> -> memref<1x1x112xi32, #tpu.memory_space<vmem>>
      %dma_wait3A_371 = tpu.memref_squeeze %dma_wait3A_370 : memref<1x1x112xi32, #tpu.memory_space<vmem>> -> memref<112xi32, #tpu.memory_space<vmem>>
      %dma_wait3A_372 = arith.constant 0 : i32
      %dma_wait3A_373 = tpu.memref_slice %arg10[%dma_wait3A_372] : memref<10240xf32, #tpu.memory_space<vmem_shared>> -> memref<10240xf32, #tpu.memory_space<vmem_shared>>
      tpu.wait_indirect_dma semaphore(%arg16 : memref<!tpu.dma_semaphore, #tpu.memory_space<semaphore_mem>>) src(%arg14 : memref<112xf32, #tpu.memory_space<vmem>>) dst(%dma_wait3A_373 : memref<10240xf32, #tpu.memory_space<vmem_shared>>)
      %lt3A_374 = arith.constant 22 : i32
      %lt3A_375 = arith.cmpi slt, %scan3A_104, %lt3A_374 : i32
      %convert_element_type3A_376 = arith.extui %lt3A_375 : i1 to i32
      %cond3A_377 = arith.constant 0 : i32
      %cond3A_378 = arith.cmpi ne, %convert_element_type3A_376, %cond3A_377 : i32
      scf.if %cond3A_378 {
        %add3A_497 = arith.constant 1 : i32
        %add3A_498 = arith.addi %scan3A_104, %add3A_497 : i32
        %mul3A_499 = arith.constant 4 : i32
        %mul3A_500 = arith.muli %add3A_498, %mul3A_499 : i32
        %dma_wait3A_501 = arith.constant 0 : i32
        %dma_wait3A_502 = arith.constant 0 : i32
        %dma_wait3A_503 = tpu.memref_slice %arg11[%sub3A_114, %dma_wait3A_501, %dma_wait3A_502] : memref<2x4x112xi32, #tpu.memory_space<vmem>> -> memref<1x4x112xi32, #tpu.memory_space<vmem>>
        %dma_wait3A_504 = tpu.memref_squeeze %dma_wait3A_503 : memref<1x4x112xi32, #tpu.memory_space<vmem>> -> memref<4x112xi32, #tpu.memory_space<vmem>>
        %dma_wait3A_505 = arith.constant 0 : i32
        %dma_wait3A_506 = tpu.memref_slice %arg3[%add3A, %mul3A_500, %dma_wait3A_505] : memref<32x92x112xi32, #tpu.memory_space<hbm>> -> memref<1x4x112xi32, #tpu.memory_space<hbm>>
        %dma_wait3A_507 = tpu.memref_squeeze %dma_wait3A_506 : memref<1x4x112xi32, #tpu.memory_space<hbm>> -> memref<4x112xi32, #tpu.memory_space<hbm>>
        %dma_wait3A_508 = arith.constant 0 : i32
        %dma_wait3A_509 = arith.constant 0 : i32
        %dma_wait3A_510 = tpu.memref_slice %arg11[%sub3A_114, %dma_wait3A_508, %dma_wait3A_509] : memref<2x4x112xi32, #tpu.memory_space<vmem>> -> memref<1x4x112xi32, #tpu.memory_space<vmem>>
        %dma_wait3A_511 = tpu.memref_squeeze %dma_wait3A_510 : memref<1x4x112xi32, #tpu.memory_space<vmem>> -> memref<4x112xi32, #tpu.memory_space<vmem>>
        %dma_wait3A_512 = arith.constant 0 : i32
        %dma_wait3A_513 = tpu.memref_slice %arg3[%add3A, %mul3A_500, %dma_wait3A_512] : memref<32x92x112xi32, #tpu.memory_space<hbm>> -> memref<1x4x112xi32, #tpu.memory_space<hbm>>
        %dma_wait3A_514 = tpu.memref_squeeze %dma_wait3A_513 : memref<1x4x112xi32, #tpu.memory_space<hbm>> -> memref<4x112xi32, #tpu.memory_space<hbm>>
        tpu.wait_dma2 semaphore(%arg17 : memref<!tpu.dma_semaphore, #tpu.memory_space<semaphore_mem>>) src(%dma_wait3A_514 : memref<4x112xi32, #tpu.memory_space<hbm>>) dst(%dma_wait3A_511 : memref<4x112xi32, #tpu.memory_space<vmem>>)
        %add3A_515 = arith.constant 1 : i32
        %add3A_516 = arith.addi %scan3A_104, %add3A_515 : i32
        %mul3A_517 = arith.constant 4 : i32
        %mul3A_518 = arith.muli %add3A_516, %mul3A_517 : i32
        %dma_wait3A_519 = arith.constant 0 : i32
        %dma_wait3A_520 = arith.constant 0 : i32
        %dma_wait3A_521 = tpu.memref_slice %arg12[%sub3A_114, %dma_wait3A_519, %dma_wait3A_520] : memref<2x4x112xi32, #tpu.memory_space<vmem>> -> memref<1x4x112xi32, #tpu.memory_space<vmem>>
        %dma_wait3A_522 = tpu.memref_squeeze %dma_wait3A_521 : memref<1x4x112xi32, #tpu.memory_space<vmem>> -> memref<4x112xi32, #tpu.memory_space<vmem>>
        %dma_wait3A_523 = arith.constant 0 : i32
        %dma_wait3A_524 = tpu.memref_slice %arg4[%add3A, %mul3A_518, %dma_wait3A_523] : memref<32x92x112xi32, #tpu.memory_space<hbm>> -> memref<1x4x112xi32, #tpu.memory_space<hbm>>
        %dma_wait3A_525 = tpu.memref_squeeze %dma_wait3A_524 : memref<1x4x112xi32, #tpu.memory_space<hbm>> -> memref<4x112xi32, #tpu.memory_space<hbm>>
        %dma_wait3A_526 = arith.constant 0 : i32
        %dma_wait3A_527 = arith.constant 0 : i32
        %dma_wait3A_528 = tpu.memref_slice %arg12[%sub3A_114, %dma_wait3A_526, %dma_wait3A_527] : memref<2x4x112xi32, #tpu.memory_space<vmem>> -> memref<1x4x112xi32, #tpu.memory_space<vmem>>
        %dma_wait3A_529 = tpu.memref_squeeze %dma_wait3A_528 : memref<1x4x112xi32, #tpu.memory_space<vmem>> -> memref<4x112xi32, #tpu.memory_space<vmem>>
        %dma_wait3A_530 = arith.constant 0 : i32
        %dma_wait3A_531 = tpu.memref_slice %arg4[%add3A, %mul3A_518, %dma_wait3A_530] : memref<32x92x112xi32, #tpu.memory_space<hbm>> -> memref<1x4x112xi32, #tpu.memory_space<hbm>>
        %dma_wait3A_532 = tpu.memref_squeeze %dma_wait3A_531 : memref<1x4x112xi32, #tpu.memory_space<hbm>> -> memref<4x112xi32, #tpu.memory_space<hbm>>
        tpu.wait_dma2 semaphore(%arg17 : memref<!tpu.dma_semaphore, #tpu.memory_space<semaphore_mem>>) src(%dma_wait3A_532 : memref<4x112xi32, #tpu.memory_space<hbm>>) dst(%dma_wait3A_529 : memref<4x112xi32, #tpu.memory_space<vmem>>)
        %add3A_533 = arith.constant 2 : i32
        %add3A_534 = arith.addi %mul3A_318, %add3A_533 : i32
        %add3A_535 = arith.constant 2 : i32
        %add3A_536 = arith.addi %add3A_534, %add3A_535 : i32
        %jit3A_537 = arith.constant 3 : i32
        %eq3A_538 = arith.constant 0 : i32
        %eq3A_539 = arith.cmpi eq, %jit3A_537, %eq3A_538 : i32
        %jit3A_540 = arith.constant 1 : i32
        %select_n3A_541 = arith.select %eq3A_539, %jit3A_540, %jit3A_537 : i32
        %rem3A_542 = arith.remsi %add3A_536, %select_n3A_541 : i32
        %ne3A_543 = arith.constant 0 : i32
        %ne3A_544 = arith.cmpi ne, %rem3A_542, %ne3A_543 : i32
        %lt3A_545 = arith.constant 0 : i32
        %lt3A_546 = arith.cmpi slt, %rem3A_542, %lt3A_545 : i32
        %lt3A_547 = arith.constant 0 : i32
        %lt3A_548 = arith.cmpi slt, %select_n3A_541, %lt3A_547 : i32
        %ne3A_549 = arith.xori %lt3A_546, %lt3A_548 : i1
        %and3A_550 = arith.andi %ne3A_549, %ne3A_544 : i1
        %add3A_551 = arith.addi %rem3A_542, %select_n3A_541 : i32
        %select_n3A_552 = arith.select %and3A_550, %add3A_551, %rem3A_542 : i32
        %dma_start3A_553 = arith.constant 0 : i32
        %dma_start3A_554 = arith.constant 0 : i32
        %dma_start3A_555 = arith.constant 0 : i32
        %dma_start3A_556 = tpu.memref_slice %arg13[%select_n3A_552, %dma_start3A_554, %dma_start3A_555] : memref<3x112x128xf32, #tpu.memory_space<vmem>> -> memref<1x112x128xf32, #tpu.memory_space<vmem>>
        %dma_start3A_557 = tpu.memref_squeeze %dma_start3A_556 : memref<1x112x128xf32, #tpu.memory_space<vmem>> -> memref<112x128xf32, #tpu.memory_space<vmem>>
        %dma_start3A_558 = arith.constant 0 : i32
        %dma_start3A_559 = tpu.memref_slice %arg11[%sub3A_114, %dma_start3A_553, %dma_start3A_558] : memref<2x4x112xi32, #tpu.memory_space<vmem>> -> memref<1x1x112xi32, #tpu.memory_space<vmem>>
        %dma_start3A_560 = tpu.memref_squeeze %dma_start3A_559 : memref<1x1x112xi32, #tpu.memory_space<vmem>> -> memref<112xi32, #tpu.memory_space<vmem>>
        %dma_start3A_561 = arith.constant 0 : i32
        %dma_start3A_562 = arith.constant 0 : i32
        %dma_start3A_563 = tpu.memref_slice %arg2[%dma_start3A_561, %dma_start3A_562] : memref<10000x128xf32, #tpu.memory_space<hbm>> -> memref<10000x128xf32, #tpu.memory_space<hbm>>
        tpu.enqueue_indirect_dma source(%dma_start3A_563 : memref<10000x128xf32, #tpu.memory_space<hbm>>) target(%dma_start3A_557 : memref<112x128xf32, #tpu.memory_space<vmem>>) offsets(%dma_start3A_560 : memref<112xi32, #tpu.memory_space<vmem>>) semaphore(%arg15 : memref<!tpu.dma_semaphore, #tpu.memory_space<semaphore_mem>>)
      } else {
      }
      %dma_wait3A_379 = arith.constant 2 : i32
      %dma_wait3A_380 = arith.constant 0 : i32
      %dma_wait3A_381 = arith.constant 0 : i32
      %dma_wait3A_382 = tpu.memref_slice %arg13[%select_n3A_336, %dma_wait3A_380, %dma_wait3A_381] : memref<3x112x128xf32, #tpu.memory_space<vmem>> -> memref<1x112x128xf32, #tpu.memory_space<vmem>>
      %dma_wait3A_383 = tpu.memref_squeeze %dma_wait3A_382 : memref<1x112x128xf32, #tpu.memory_space<vmem>> -> memref<112x128xf32, #tpu.memory_space<vmem>>
      %dma_wait3A_384 = arith.constant 0 : i32
      %dma_wait3A_385 = tpu.memref_slice %arg11[%select_n3A_113, %dma_wait3A_379, %dma_wait3A_384] : memref<2x4x112xi32, #tpu.memory_space<vmem>> -> memref<1x1x112xi32, #tpu.memory_space<vmem>>
      %dma_wait3A_386 = tpu.memref_squeeze %dma_wait3A_385 : memref<1x1x112xi32, #tpu.memory_space<vmem>> -> memref<112xi32, #tpu.memory_space<vmem>>
      %dma_wait3A_387 = arith.constant 0 : i32
      %dma_wait3A_388 = arith.constant 0 : i32
      %dma_wait3A_389 = tpu.memref_slice %arg2[%dma_wait3A_387, %dma_wait3A_388] : memref<10000x128xf32, #tpu.memory_space<hbm>> -> memref<10000x128xf32, #tpu.memory_space<hbm>>
      tpu.wait_indirect_dma semaphore(%arg15 : memref<!tpu.dma_semaphore, #tpu.memory_space<semaphore_mem>>) src(%dma_wait3A_389 : memref<10000x128xf32, #tpu.memory_space<hbm>>) dst(%dma_wait3A_383 : memref<112x128xf32, #tpu.memory_space<vmem>>)
      %dma_start3A_390 = arith.constant 2 : i32
      %dma_start3A_391 = arith.constant 0 : i32
      %dma_start3A_392 = arith.constant 0 : i32
      %dma_start3A_393 = tpu.memref_slice %arg13[%select_n3A_336, %dma_start3A_391, %dma_start3A_392] : memref<3x112x128xf32, #tpu.memory_space<vmem>> -> memref<1x112x128xf32, #tpu.memory_space<vmem>>
      %dma_start3A_394 = tpu.memref_squeeze %dma_start3A_393 : memref<1x112x128xf32, #tpu.memory_space<vmem>> -> memref<112x128xf32, #tpu.memory_space<vmem>>
      %dma_start3A_395 = arith.constant 0 : i32
      %dma_start3A_396 = tpu.memref_slice %arg12[%select_n3A_113, %dma_start3A_390, %dma_start3A_395] : memref<2x4x112xi32, #tpu.memory_space<vmem>> -> memref<1x1x112xi32, #tpu.memory_space<vmem>>
      %dma_start3A_397 = tpu.memref_squeeze %dma_start3A_396 : memref<1x1x112xi32, #tpu.memory_space<vmem>> -> memref<112xi32, #tpu.memory_space<vmem>>
      %dma_start3A_398 = arith.constant 0 : i32
      %dma_start3A_399 = arith.constant 0 : i32
      %dma_start3A_400 = tpu.memref_slice %arg9[%dma_start3A_398, %dma_start3A_399] : memref<10240x128xf32, #tpu.memory_space<vmem_shared>> -> memref<10240x128xf32, #tpu.memory_space<vmem_shared>>
      tpu.enqueue_indirect_dma source(%dma_start3A_394 : memref<112x128xf32, #tpu.memory_space<vmem>>) target(%dma_start3A_400 : memref<10240x128xf32, #tpu.memory_space<vmem_shared>>) offsets(%dma_start3A_397 : memref<112xi32, #tpu.memory_space<vmem>>) semaphore(%arg16 : memref<!tpu.dma_semaphore, #tpu.memory_space<semaphore_mem>>) {add = true}
      %dma_start3A_401 = arith.constant 2 : i32
      %dma_start3A_402 = arith.constant 0 : i32
      %dma_start3A_403 = tpu.memref_slice %arg12[%select_n3A_113, %dma_start3A_401, %dma_start3A_402] : memref<2x4x112xi32, #tpu.memory_space<vmem>> -> memref<1x1x112xi32, #tpu.memory_space<vmem>>
      %dma_start3A_404 = tpu.memref_squeeze %dma_start3A_403 : memref<1x1x112xi32, #tpu.memory_space<vmem>> -> memref<112xi32, #tpu.memory_space<vmem>>
      %dma_start3A_405 = arith.constant 0 : i32
      %dma_start3A_406 = tpu.memref_slice %arg10[%dma_start3A_405] : memref<10240xf32, #tpu.memory_space<vmem_shared>> -> memref<10240xf32, #tpu.memory_space<vmem_shared>>
      tpu.enqueue_indirect_dma source(%arg14 : memref<112xf32, #tpu.memory_space<vmem>>) target(%dma_start3A_406 : memref<10240xf32, #tpu.memory_space<vmem_shared>>) offsets(%dma_start3A_404 : memref<112xi32, #tpu.memory_space<vmem>>) semaphore(%arg16 : memref<!tpu.dma_semaphore, #tpu.memory_space<semaphore_mem>>) {add = true}
      %mul3A_407 = arith.constant 4 : i32
      %mul3A_408 = arith.muli %scan3A_104, %mul3A_407 : i32
      %add3A_409 = arith.constant 3 : i32
      %add3A_410 = arith.addi %mul3A_408, %add3A_409 : i32
      %jit3A_411 = arith.constant 3 : i32
      %eq3A_412 = arith.constant 0 : i32
      %eq3A_413 = arith.cmpi eq, %jit3A_411, %eq3A_412 : i32
      %jit3A_414 = arith.constant 1 : i32
      %select_n3A_415 = arith.select %eq3A_413, %jit3A_414, %jit3A_411 : i32
      %rem3A_416 = arith.remsi %add3A_410, %select_n3A_415 : i32
      %ne3A_417 = arith.constant 0 : i32
      %ne3A_418 = arith.cmpi ne, %rem3A_416, %ne3A_417 : i32
      %lt3A_419 = arith.constant 0 : i32
      %lt3A_420 = arith.cmpi slt, %rem3A_416, %lt3A_419 : i32
      %lt3A_421 = arith.constant 0 : i32
      %lt3A_422 = arith.cmpi slt, %select_n3A_415, %lt3A_421 : i32
      %ne3A_423 = arith.xori %lt3A_420, %lt3A_422 : i1
      %and3A_424 = arith.andi %ne3A_423, %ne3A_418 : i1
      %add3A_425 = arith.addi %rem3A_416, %select_n3A_415 : i32
      %select_n3A_426 = arith.select %and3A_424, %add3A_425, %rem3A_416 : i32
      %add3A_427 = arith.constant 3 : i32
      %add3A_428 = arith.addi %mul3A_408, %add3A_427 : i32
      %add3A_429 = arith.constant 2 : i32
      %add3A_430 = arith.addi %add3A_428, %add3A_429 : i32
      %jit3A_431 = arith.constant 3 : i32
      %eq3A_432 = arith.constant 0 : i32
      %eq3A_433 = arith.cmpi eq, %jit3A_431, %eq3A_432 : i32
      %jit3A_434 = arith.constant 1 : i32
      %select_n3A_435 = arith.select %eq3A_433, %jit3A_434, %jit3A_431 : i32
      %rem3A_436 = arith.remsi %add3A_430, %select_n3A_435 : i32
      %ne3A_437 = arith.constant 0 : i32
      %ne3A_438 = arith.cmpi ne, %rem3A_436, %ne3A_437 : i32
      %lt3A_439 = arith.constant 0 : i32
      %lt3A_440 = arith.cmpi slt, %rem3A_436, %lt3A_439 : i32
      %lt3A_441 = arith.constant 0 : i32
      %lt3A_442 = arith.cmpi slt, %select_n3A_435, %lt3A_441 : i32
      %ne3A_443 = arith.xori %lt3A_440, %lt3A_442 : i1
      %and3A_444 = arith.andi %ne3A_443, %ne3A_438 : i1
      %add3A_445 = arith.addi %rem3A_436, %select_n3A_435 : i32
      %select_n3A_446 = arith.select %and3A_444, %add3A_445, %rem3A_436 : i32
      %dma_wait3A_447 = arith.constant 2 : i32
      %dma_wait3A_448 = arith.constant 0 : i32
      %dma_wait3A_449 = arith.constant 0 : i32
      %dma_wait3A_450 = tpu.memref_slice %arg13[%select_n3A_446, %dma_wait3A_448, %dma_wait3A_449] : memref<3x112x128xf32, #tpu.memory_space<vmem>> -> memref<1x112x128xf32, #tpu.memory_space<vmem>>
      %dma_wait3A_451 = tpu.memref_squeeze %dma_wait3A_450 : memref<1x112x128xf32, #tpu.memory_space<vmem>> -> memref<112x128xf32, #tpu.memory_space<vmem>>
      %dma_wait3A_452 = arith.constant 0 : i32
      %dma_wait3A_453 = tpu.memref_slice %arg12[%select_n3A_113, %dma_wait3A_447, %dma_wait3A_452] : memref<2x4x112xi32, #tpu.memory_space<vmem>> -> memref<1x1x112xi32, #tpu.memory_space<vmem>>
      %dma_wait3A_454 = tpu.memref_squeeze %dma_wait3A_453 : memref<1x1x112xi32, #tpu.memory_space<vmem>> -> memref<112xi32, #tpu.memory_space<vmem>>
      %dma_wait3A_455 = arith.constant 0 : i32
      %dma_wait3A_456 = arith.constant 0 : i32
      %dma_wait3A_457 = tpu.memref_slice %arg9[%dma_wait3A_455, %dma_wait3A_456] : memref<10240x128xf32, #tpu.memory_space<vmem_shared>> -> memref<10240x128xf32, #tpu.memory_space<vmem_shared>>
      tpu.wait_indirect_dma semaphore(%arg16 : memref<!tpu.dma_semaphore, #tpu.memory_space<semaphore_mem>>) src(%dma_wait3A_451 : memref<112x128xf32, #tpu.memory_space<vmem>>) dst(%dma_wait3A_457 : memref<10240x128xf32, #tpu.memory_space<vmem_shared>>)
      %dma_wait3A_458 = arith.constant 2 : i32
      %dma_wait3A_459 = arith.constant 0 : i32
      %dma_wait3A_460 = tpu.memref_slice %arg12[%select_n3A_113, %dma_wait3A_458, %dma_wait3A_459] : memref<2x4x112xi32, #tpu.memory_space<vmem>> -> memref<1x1x112xi32, #tpu.memory_space<vmem>>
      %dma_wait3A_461 = tpu.memref_squeeze %dma_wait3A_460 : memref<1x1x112xi32, #tpu.memory_space<vmem>> -> memref<112xi32, #tpu.memory_space<vmem>>
      %dma_wait3A_462 = arith.constant 0 : i32
      %dma_wait3A_463 = tpu.memref_slice %arg10[%dma_wait3A_462] : memref<10240xf32, #tpu.memory_space<vmem_shared>> -> memref<10240xf32, #tpu.memory_space<vmem_shared>>
      tpu.wait_indirect_dma semaphore(%arg16 : memref<!tpu.dma_semaphore, #tpu.memory_space<semaphore_mem>>) src(%arg14 : memref<112xf32, #tpu.memory_space<vmem>>) dst(%dma_wait3A_463 : memref<10240xf32, #tpu.memory_space<vmem_shared>>)
      %lt3A_464 = arith.constant 22 : i32
      %lt3A_465 = arith.cmpi slt, %scan3A_104, %lt3A_464 : i32
      %convert_element_type3A_466 = arith.extui %lt3A_465 : i1 to i32
      %cond3A_467 = arith.constant 0 : i32
      %cond3A_468 = arith.cmpi ne, %convert_element_type3A_466, %cond3A_467 : i32
      scf.if %cond3A_468 {
        %add3A_497 = arith.constant 3 : i32
        %add3A_498 = arith.addi %mul3A_408, %add3A_497 : i32
        %add3A_499 = arith.constant 2 : i32
        %add3A_500 = arith.addi %add3A_498, %add3A_499 : i32
        %jit3A_501 = arith.constant 3 : i32
        %eq3A_502 = arith.constant 0 : i32
        %eq3A_503 = arith.cmpi eq, %jit3A_501, %eq3A_502 : i32
        %jit3A_504 = arith.constant 1 : i32
        %select_n3A_505 = arith.select %eq3A_503, %jit3A_504, %jit3A_501 : i32
        %rem3A_506 = arith.remsi %add3A_500, %select_n3A_505 : i32
        %ne3A_507 = arith.constant 0 : i32
        %ne3A_508 = arith.cmpi ne, %rem3A_506, %ne3A_507 : i32
        %lt3A_509 = arith.constant 0 : i32
        %lt3A_510 = arith.cmpi slt, %rem3A_506, %lt3A_509 : i32
        %lt3A_511 = arith.constant 0 : i32
        %lt3A_512 = arith.cmpi slt, %select_n3A_505, %lt3A_511 : i32
        %ne3A_513 = arith.xori %lt3A_510, %lt3A_512 : i1
        %and3A_514 = arith.andi %ne3A_513, %ne3A_508 : i1
        %add3A_515 = arith.addi %rem3A_506, %select_n3A_505 : i32
        %select_n3A_516 = arith.select %and3A_514, %add3A_515, %rem3A_506 : i32
        %dma_start3A_517 = arith.constant 1 : i32
        %dma_start3A_518 = arith.constant 0 : i32
        %dma_start3A_519 = arith.constant 0 : i32
        %dma_start3A_520 = tpu.memref_slice %arg13[%select_n3A_516, %dma_start3A_518, %dma_start3A_519] : memref<3x112x128xf32, #tpu.memory_space<vmem>> -> memref<1x112x128xf32, #tpu.memory_space<vmem>>
        %dma_start3A_521 = tpu.memref_squeeze %dma_start3A_520 : memref<1x112x128xf32, #tpu.memory_space<vmem>> -> memref<112x128xf32, #tpu.memory_space<vmem>>
        %dma_start3A_522 = arith.constant 0 : i32
        %dma_start3A_523 = tpu.memref_slice %arg11[%sub3A_114, %dma_start3A_517, %dma_start3A_522] : memref<2x4x112xi32, #tpu.memory_space<vmem>> -> memref<1x1x112xi32, #tpu.memory_space<vmem>>
        %dma_start3A_524 = tpu.memref_squeeze %dma_start3A_523 : memref<1x1x112xi32, #tpu.memory_space<vmem>> -> memref<112xi32, #tpu.memory_space<vmem>>
        %dma_start3A_525 = arith.constant 0 : i32
        %dma_start3A_526 = arith.constant 0 : i32
        %dma_start3A_527 = tpu.memref_slice %arg2[%dma_start3A_525, %dma_start3A_526] : memref<10000x128xf32, #tpu.memory_space<hbm>> -> memref<10000x128xf32, #tpu.memory_space<hbm>>
        tpu.enqueue_indirect_dma source(%dma_start3A_527 : memref<10000x128xf32, #tpu.memory_space<hbm>>) target(%dma_start3A_521 : memref<112x128xf32, #tpu.memory_space<vmem>>) offsets(%dma_start3A_524 : memref<112xi32, #tpu.memory_space<vmem>>) semaphore(%arg15 : memref<!tpu.dma_semaphore, #tpu.memory_space<semaphore_mem>>)
      } else {
      }
      %dma_wait3A_469 = arith.constant 3 : i32
      %dma_wait3A_470 = arith.constant 0 : i32
      %dma_wait3A_471 = arith.constant 0 : i32
      %dma_wait3A_472 = tpu.memref_slice %arg13[%select_n3A_426, %dma_wait3A_470, %dma_wait3A_471] : memref<3x112x128xf32, #tpu.memory_space<vmem>> -> memref<1x112x128xf32, #tpu.memory_space<vmem>>
      %dma_wait3A_473 = tpu.memref_squeeze %dma_wait3A_472 : memref<1x112x128xf32, #tpu.memory_space<vmem>> -> memref<112x128xf32, #tpu.memory_space<vmem>>
      %dma_wait3A_474 = arith.constant 0 : i32
      %dma_wait3A_475 = tpu.memref_slice %arg11[%select_n3A_113, %dma_wait3A_469, %dma_wait3A_474] : memref<2x4x112xi32, #tpu.memory_space<vmem>> -> memref<1x1x112xi32, #tpu.memory_space<vmem>>
      %dma_wait3A_476 = tpu.memref_squeeze %dma_wait3A_475 : memref<1x1x112xi32, #tpu.memory_space<vmem>> -> memref<112xi32, #tpu.memory_space<vmem>>
      %dma_wait3A_477 = arith.constant 0 : i32
      %dma_wait3A_478 = arith.constant 0 : i32
      %dma_wait3A_479 = tpu.memref_slice %arg2[%dma_wait3A_477, %dma_wait3A_478] : memref<10000x128xf32, #tpu.memory_space<hbm>> -> memref<10000x128xf32, #tpu.memory_space<hbm>>
      tpu.wait_indirect_dma semaphore(%arg15 : memref<!tpu.dma_semaphore, #tpu.memory_space<semaphore_mem>>) src(%dma_wait3A_479 : memref<10000x128xf32, #tpu.memory_space<hbm>>) dst(%dma_wait3A_473 : memref<112x128xf32, #tpu.memory_space<vmem>>)
      %dma_start3A_480 = arith.constant 3 : i32
      %dma_start3A_481 = arith.constant 0 : i32
      %dma_start3A_482 = arith.constant 0 : i32
      %dma_start3A_483 = tpu.memref_slice %arg13[%select_n3A_426, %dma_start3A_481, %dma_start3A_482] : memref<3x112x128xf32, #tpu.memory_space<vmem>> -> memref<1x112x128xf32, #tpu.memory_space<vmem>>
      %dma_start3A_484 = tpu.memref_squeeze %dma_start3A_483 : memref<1x112x128xf32, #tpu.memory_space<vmem>> -> memref<112x128xf32, #tpu.memory_space<vmem>>
      %dma_start3A_485 = arith.constant 0 : i32
      %dma_start3A_486 = tpu.memref_slice %arg12[%select_n3A_113, %dma_start3A_480, %dma_start3A_485] : memref<2x4x112xi32, #tpu.memory_space<vmem>> -> memref<1x1x112xi32, #tpu.memory_space<vmem>>
      %dma_start3A_487 = tpu.memref_squeeze %dma_start3A_486 : memref<1x1x112xi32, #tpu.memory_space<vmem>> -> memref<112xi32, #tpu.memory_space<vmem>>
      %dma_start3A_488 = arith.constant 0 : i32
      %dma_start3A_489 = arith.constant 0 : i32
      %dma_start3A_490 = tpu.memref_slice %arg9[%dma_start3A_488, %dma_start3A_489] : memref<10240x128xf32, #tpu.memory_space<vmem_shared>> -> memref<10240x128xf32, #tpu.memory_space<vmem_shared>>
      tpu.enqueue_indirect_dma source(%dma_start3A_484 : memref<112x128xf32, #tpu.memory_space<vmem>>) target(%dma_start3A_490 : memref<10240x128xf32, #tpu.memory_space<vmem_shared>>) offsets(%dma_start3A_487 : memref<112xi32, #tpu.memory_space<vmem>>) semaphore(%arg16 : memref<!tpu.dma_semaphore, #tpu.memory_space<semaphore_mem>>) {add = true}
      %dma_start3A_491 = arith.constant 3 : i32
      %dma_start3A_492 = arith.constant 0 : i32
      %dma_start3A_493 = tpu.memref_slice %arg12[%select_n3A_113, %dma_start3A_491, %dma_start3A_492] : memref<2x4x112xi32, #tpu.memory_space<vmem>> -> memref<1x1x112xi32, #tpu.memory_space<vmem>>
      %dma_start3A_494 = tpu.memref_squeeze %dma_start3A_493 : memref<1x1x112xi32, #tpu.memory_space<vmem>> -> memref<112xi32, #tpu.memory_space<vmem>>
      %dma_start3A_495 = arith.constant 0 : i32
      %dma_start3A_496 = tpu.memref_slice %arg10[%dma_start3A_495] : memref<10240xf32, #tpu.memory_space<vmem_shared>> -> memref<10240xf32, #tpu.memory_space<vmem_shared>>
      tpu.enqueue_indirect_dma source(%arg14 : memref<112xf32, #tpu.memory_space<vmem>>) target(%dma_start3A_496 : memref<10240xf32, #tpu.memory_space<vmem_shared>>) offsets(%dma_start3A_494 : memref<112xi32, #tpu.memory_space<vmem>>) semaphore(%arg16 : memref<!tpu.dma_semaphore, #tpu.memory_space<semaphore_mem>>) {add = true}
    }
    %scan3A_75 = arith.constant 23 : i32
    %dma_wait3A = arith.constant 1 : i32
    %dma_wait3A_76 = arith.constant 0 : i32
    %dma_wait3A_77 = arith.constant 3 : i32
    %dma_wait3A_78 = arith.constant 0 : i32
    %dma_wait3A_79 = arith.constant 0 : i32
    %dma_wait3A_80 = tpu.memref_slice %arg13[%dma_wait3A, %dma_wait3A_78, %dma_wait3A_79] : memref<3x112x128xf32, #tpu.memory_space<vmem>> -> memref<1x112x128xf32, #tpu.memory_space<vmem>>
    %dma_wait3A_81 = tpu.memref_squeeze %dma_wait3A_80 : memref<1x112x128xf32, #tpu.memory_space<vmem>> -> memref<112x128xf32, #tpu.memory_space<vmem>>
    %dma_wait3A_82 = arith.constant 0 : i32
    %dma_wait3A_83 = tpu.memref_slice %arg12[%dma_wait3A_76, %dma_wait3A_77, %dma_wait3A_82] : memref<2x4x112xi32, #tpu.memory_space<vmem>> -> memref<1x1x112xi32, #tpu.memory_space<vmem>>
    %dma_wait3A_84 = tpu.memref_squeeze %dma_wait3A_83 : memref<1x1x112xi32, #tpu.memory_space<vmem>> -> memref<112xi32, #tpu.memory_space<vmem>>
    %dma_wait3A_85 = arith.constant 0 : i32
    %dma_wait3A_86 = arith.constant 0 : i32
    %dma_wait3A_87 = tpu.memref_slice %arg9[%dma_wait3A_85, %dma_wait3A_86] : memref<10240x128xf32, #tpu.memory_space<vmem_shared>> -> memref<10240x128xf32, #tpu.memory_space<vmem_shared>>
    tpu.wait_indirect_dma semaphore(%arg16 : memref<!tpu.dma_semaphore, #tpu.memory_space<semaphore_mem>>) src(%dma_wait3A_81 : memref<112x128xf32, #tpu.memory_space<vmem>>) dst(%dma_wait3A_87 : memref<10240x128xf32, #tpu.memory_space<vmem_shared>>)
    %dma_wait3A_88 = arith.constant 0 : i32
    %dma_wait3A_89 = arith.constant 3 : i32
    %dma_wait3A_90 = arith.constant 0 : i32
    %dma_wait3A_91 = tpu.memref_slice %arg12[%dma_wait3A_88, %dma_wait3A_89, %dma_wait3A_90] : memref<2x4x112xi32, #tpu.memory_space<vmem>> -> memref<1x1x112xi32, #tpu.memory_space<vmem>>
    %dma_wait3A_92 = tpu.memref_squeeze %dma_wait3A_91 : memref<1x1x112xi32, #tpu.memory_space<vmem>> -> memref<112xi32, #tpu.memory_space<vmem>>
    %dma_wait3A_93 = arith.constant 0 : i32
    %dma_wait3A_94 = tpu.memref_slice %arg10[%dma_wait3A_93] : memref<10240xf32, #tpu.memory_space<vmem_shared>> -> memref<10240xf32, #tpu.memory_space<vmem_shared>>
    tpu.wait_indirect_dma semaphore(%arg16 : memref<!tpu.dma_semaphore, #tpu.memory_space<semaphore_mem>>) src(%arg14 : memref<112xf32, #tpu.memory_space<vmem>>) dst(%dma_wait3A_94 : memref<10240xf32, #tpu.memory_space<vmem_shared>>)
    %barrier3A_95 = arith.constant 0 : index
    tpu.barrier barrier_id(%barrier3A_95)
    %mul3A_96 = arith.constant 640 : i32
    %mul3A_97 = arith.muli %arg1, %mul3A_96 : i32
    %mul3A_98 = arith.constant 640 : i32
    %mul3A_99 = arith.muli %arg1, %mul3A_98 : i32
    "tpu.region"() ({
      %run_scoped3A_104 = tpu.sem_alloc : memref<!tpu.dma_semaphore, #tpu.memory_space<semaphore_mem>>
      %dma_start3A_105 = arith.constant 0 : i32
      %dma_start3A_106 = tpu.memref_slice %arg7[%arg0, %mul3A_99, %dma_start3A_105] : memref<2x10240x128xf32, #tpu.memory_space<hbm>> -> memref<1x640x128xf32, #tpu.memory_space<hbm>>
      %dma_start3A_107 = tpu.memref_squeeze %dma_start3A_106 : memref<1x640x128xf32, #tpu.memory_space<hbm>> -> memref<640x128xf32, #tpu.memory_space<hbm>>
      %dma_start3A_108 = arith.constant 0 : i32
      %dma_start3A_109 = tpu.memref_slice %arg9[%mul3A_97, %dma_start3A_108] : memref<10240x128xf32, #tpu.memory_space<vmem_shared>> -> memref<640x128xf32, #tpu.memory_space<vmem_shared>>
      tpu.enqueue_dma source(%dma_start3A_109 : memref<640x128xf32, #tpu.memory_space<vmem_shared>>) target(%dma_start3A_107 : memref<640x128xf32, #tpu.memory_space<hbm>>) target_semaphore(%run_scoped3A_104 : memref<!tpu.dma_semaphore, #tpu.memory_space<semaphore_mem>>)
      %dma_wait3A_110 = arith.constant 0 : i32
      %dma_wait3A_111 = tpu.memref_slice %arg7[%arg0, %mul3A_99, %dma_wait3A_110] : memref<2x10240x128xf32, #tpu.memory_space<hbm>> -> memref<1x640x128xf32, #tpu.memory_space<hbm>>
      %dma_wait3A_112 = tpu.memref_squeeze %dma_wait3A_111 : memref<1x640x128xf32, #tpu.memory_space<hbm>> -> memref<640x128xf32, #tpu.memory_space<hbm>>
      %dma_wait3A_113 = arith.constant 0 : i32
      %dma_wait3A_114 = tpu.memref_slice %arg9[%mul3A_97, %dma_wait3A_113] : memref<10240x128xf32, #tpu.memory_space<vmem_shared>> -> memref<640x128xf32, #tpu.memory_space<vmem_shared>>
      tpu.wait_dma2 semaphore(%run_scoped3A_104 : memref<!tpu.dma_semaphore, #tpu.memory_space<semaphore_mem>>) src(%dma_wait3A_114 : memref<640x128xf32, #tpu.memory_space<vmem_shared>>) dst(%dma_wait3A_112 : memref<640x128xf32, #tpu.memory_space<hbm>>)
      tpu.yield
    }) : () -> ()
    %mul3A_100 = arith.constant 640 : i32
    %mul3A_101 = arith.muli %arg1, %mul3A_100 : i32
    %mul3A_102 = arith.constant 640 : i32
    %mul3A_103 = arith.muli %arg1, %mul3A_102 : i32
    "tpu.region"() ({
      %run_scoped3A_104 = tpu.sem_alloc : memref<!tpu.dma_semaphore, #tpu.memory_space<semaphore_mem>>
      %dma_start3A_105 = tpu.memref_slice %arg8[%arg0, %mul3A_103] : memref<2x10240xf32, #tpu.memory_space<hbm>> -> memref<1x640xf32, #tpu.memory_space<hbm>>
      %dma_start3A_106 = tpu.memref_squeeze %dma_start3A_105 : memref<1x640xf32, #tpu.memory_space<hbm>> -> memref<640xf32, #tpu.memory_space<hbm>>
      %dma_start3A_107 = tpu.memref_slice %arg10[%mul3A_101] : memref<10240xf32, #tpu.memory_space<vmem_shared>> -> memref<640xf32, #tpu.memory_space<vmem_shared>>
      tpu.enqueue_dma source(%dma_start3A_107 : memref<640xf32, #tpu.memory_space<vmem_shared>>) target(%dma_start3A_106 : memref<640xf32, #tpu.memory_space<hbm>>) target_semaphore(%run_scoped3A_104 : memref<!tpu.dma_semaphore, #tpu.memory_space<semaphore_mem>>)
      %dma_wait3A_108 = tpu.memref_slice %arg8[%arg0, %mul3A_103] : memref<2x10240xf32, #tpu.memory_space<hbm>> -> memref<1x640xf32, #tpu.memory_space<hbm>>
      %dma_wait3A_109 = tpu.memref_squeeze %dma_wait3A_108 : memref<1x640xf32, #tpu.memory_space<hbm>> -> memref<640xf32, #tpu.memory_space<hbm>>
      %dma_wait3A_110 = tpu.memref_slice %arg10[%mul3A_101] : memref<10240xf32, #tpu.memory_space<vmem_shared>> -> memref<640xf32, #tpu.memory_space<vmem_shared>>
      tpu.wait_dma2 semaphore(%run_scoped3A_104 : memref<!tpu.dma_semaphore, #tpu.memory_space<semaphore_mem>>) src(%dma_wait3A_110 : memref<640xf32, #tpu.memory_space<vmem_shared>>) dst(%dma_wait3A_109 : memref<640xf32, #tpu.memory_space<hbm>>)
      tpu.yield
    }) : () -> ()
    return
  }
}

#map = affine_map<(d0, d1) -> (0, 0)>
#map1 = affine_map<(d0, d1) -> (0, 0, 0)>
#map2 = affine_map<(d0, d1) -> (0)>
module attributes {stable_mosaic.version = 14 : i64} {
  func.func @seg_sum(%arg0: i32, %arg1: i32, %arg2: memref<10000x128xf32, #tpu.memory_space<hbm>>, %arg3: memref<32x92x112xi32, #tpu.memory_space<hbm>>, %arg4: memref<32x92x112xi32, #tpu.memory_space<hbm>>, %arg5: memref<640x128xf32, #tpu.memory_space<hbm>>, %arg6: memref<640xf32, #tpu.memory_space<hbm>>, %arg7: memref<2x10240x128xf32, #tpu.memory_space<hbm>>, %arg8: memref<2x10240xf32, #tpu.memory_space<hbm>>, %arg9: memref<10240x128xf32, #tpu.memory_space<vmem_shared>>, %arg10: memref<10240xf32, #tpu.memory_space<vmem_shared>>, %arg11: memref<2x4x112xi32, #tpu.memory_space<vmem>>, %arg12: memref<2x4x112xi32, #tpu.memory_space<vmem>>, %arg13: memref<3x112x128xf32, #tpu.memory_space<vmem>>, %arg14: memref<112xf32, #tpu.memory_space<vmem>>, %arg15: memref<!tpu.dma_semaphore, #tpu.memory_space<semaphore_mem>>, %arg16: memref<!tpu.dma_semaphore, #tpu.memory_space<semaphore_mem>>, %arg17: memref<!tpu.dma_semaphore, #tpu.memory_space<semaphore_mem>>) attributes {dimension_semantics = [#tpu.dimension_semantics<core_parallel>, #tpu.dimension_semantics<subcore_parallel>], iteration_bounds = array<i64: 2, 16>, scalar_prefetch = 0 : i64, scratch_operands = 9 : i64, tpu.core_type = #tpu.core_type<sc_vector_subcore>, window_params = [{transform_indices = #map}, {transform_indices = #map1}, {transform_indices = #map1}, {transform_indices = #map}, {transform_indices = #map2}, {transform_indices = #map1}, {transform_indices = #map}]} {
    %mul3A = arith.constant 16 : i32
    %mul3A_0 = arith.muli %arg0, %mul3A : i32
    %add3A = arith.addi %mul3A_0, %arg1 : i32
    %mul3A_1 = arith.constant 640 : i32
    %mul3A_2 = arith.muli %arg1, %mul3A_1 : i32
    "tpu.region"() ({
      %run_scoped3A_104 = tpu.sem_alloc : memref<!tpu.dma_semaphore, #tpu.memory_space<semaphore_mem>>
      %dma_start3A_105 = arith.constant 0 : i32
      %dma_start3A_106 = tpu.memref_slice %arg9[%mul3A_2, %dma_start3A_105] : memref<10240x128xf32, #tpu.memory_space<vmem_shared>> -> memref<640x128xf32, #tpu.memory_space<vmem_shared>>
      tpu.enqueue_dma source(%arg5 : memref<640x128xf32, #tpu.memory_space<hbm>>) target(%dma_start3A_106 : memref<640x128xf32, #tpu.memory_space<vmem_shared>>) target_semaphore(%run_scoped3A_104 : memref<!tpu.dma_semaphore, #tpu.memory_space<semaphore_mem>>)
      %dma_wait3A_107 = arith.constant 0 : i32
      %dma_wait3A_108 = tpu.memref_slice %arg9[%mul3A_2, %dma_wait3A_107] : memref<10240x128xf32, #tpu.memory_space<vmem_shared>> -> memref<640x128xf32, #tpu.memory_space<vmem_shared>>
      tpu.wait_dma2 semaphore(%run_scoped3A_104 : memref<!tpu.dma_semaphore, #tpu.memory_space<semaphore_mem>>) src(%arg5 : memref<640x128xf32, #tpu.memory_space<hbm>>) dst(%dma_wait3A_108 : memref<640x128xf32, #tpu.memory_space<vmem_shared>>)
      tpu.yield
    }) : () -> ()
    %mul3A_3 = arith.constant 640 : i32
    %mul3A_4 = arith.muli %arg1, %mul3A_3 : i32
    "tpu.region"() ({
      %run_scoped3A_104 = tpu.sem_alloc : memref<!tpu.dma_semaphore, #tpu.memory_space<semaphore_mem>>
      %dma_start3A_105 = tpu.memref_slice %arg10[%mul3A_4] : memref<10240xf32, #tpu.memory_space<vmem_shared>> -> memref<640xf32, #tpu.memory_space<vmem_shared>>
      tpu.enqueue_dma source(%arg6 : memref<640xf32, #tpu.memory_space<hbm>>) target(%dma_start3A_105 : memref<640xf32, #tpu.memory_space<vmem_shared>>) target_semaphore(%run_scoped3A_104 : memref<!tpu.dma_semaphore, #tpu.memory_space<semaphore_mem>>)
      %dma_wait3A_106 = tpu.memref_slice %arg10[%mul3A_4] : memref<10240xf32, #tpu.memory_space<vmem_shared>> -> memref<640xf32, #tpu.memory_space<vmem_shared>>
      tpu.wait_dma2 semaphore(%run_scoped3A_104 : memref<!tpu.dma_semaphore, #tpu.memory_space<semaphore_mem>>) src(%arg6 : memref<640xf32, #tpu.memory_space<hbm>>) dst(%dma_wait3A_106 : memref<640xf32, #tpu.memory_space<vmem_shared>>)
      tpu.yield
    }) : () -> ()
    %broadcast_in_dim3A = arith.constant 1.000000e+00 : f32
    %broadcast_in_dim3A_5 = vector.broadcast %broadcast_in_dim3A : f32 to vector<16xf32>
    %swap3A = arith.constant 0 : index
    %swap3A_6 = tpu.vector_load %arg14[%swap3A] {strides = array<i32>} : memref<112xf32, #tpu.memory_space<vmem>>, vector<16xf32>,
    %swap3A_7 = vector.shape_cast %swap3A_6 : vector<16xf32> to vector<16xf32>
    %swap3A_8 = vector.shape_cast %broadcast_in_dim3A_5 : vector<16xf32> to vector<16xf32>
    tpu.vector_store %arg14[%swap3A], %swap3A_8 {strides = array<i32>} : memref<112xf32, #tpu.memory_space<vmem>>, vector<16xf32>,
    %broadcast_in_dim3A_9 = arith.constant 1.000000e+00 : f32
    %broadcast_in_dim3A_10 = vector.broadcast %broadcast_in_dim3A_9 : f32 to vector<16xf32>
    %swap3A_11 = arith.constant 16 : index
    %swap3A_12 = tpu.vector_load %arg14[%swap3A_11] {strides = array<i32>} : memref<112xf32, #tpu.memory_space<vmem>>, vector<16xf32>,
    %swap3A_13 = vector.shape_cast %swap3A_12 : vector<16xf32> to vector<16xf32>
    %swap3A_14 = vector.shape_cast %broadcast_in_dim3A_10 : vector<16xf32> to vector<16xf32>
    tpu.vector_store %arg14[%swap3A_11], %swap3A_14 {strides = array<i32>} : memref<112xf32, #tpu.memory_space<vmem>>, vector<16xf32>,
    %broadcast_in_dim3A_15 = arith.constant 1.000000e+00 : f32
    %broadcast_in_dim3A_16 = vector.broadcast %broadcast_in_dim3A_15 : f32 to vector<16xf32>
    %swap3A_17 = arith.constant 32 : index
    %swap3A_18 = tpu.vector_load %arg14[%swap3A_17] {strides = array<i32>} : memref<112xf32, #tpu.memory_space<vmem>>, vector<16xf32>,
    %swap3A_19 = vector.shape_cast %swap3A_18 : vector<16xf32> to vector<16xf32>
    %swap3A_20 = vector.shape_cast %broadcast_in_dim3A_16 : vector<16xf32> to vector<16xf32>
    tpu.vector_store %arg14[%swap3A_17], %swap3A_20 {strides = array<i32>} : memref<112xf32, #tpu.memory_space<vmem>>, vector<16xf32>,
    %broadcast_in_dim3A_21 = arith.constant 1.000000e+00 : f32
    %broadcast_in_dim3A_22 = vector.broadcast %broadcast_in_dim3A_21 : f32 to vector<16xf32>
    %swap3A_23 = arith.constant 48 : index
    %swap3A_24 = tpu.vector_load %arg14[%swap3A_23] {strides = array<i32>} : memref<112xf32, #tpu.memory_space<vmem>>, vector<16xf32>,
    %swap3A_25 = vector.shape_cast %swap3A_24 : vector<16xf32> to vector<16xf32>
    %swap3A_26 = vector.shape_cast %broadcast_in_dim3A_22 : vector<16xf32> to vector<16xf32>
    tpu.vector_store %arg14[%swap3A_23], %swap3A_26 {strides = array<i32>} : memref<112xf32, #tpu.memory_space<vmem>>, vector<16xf32>,
    %broadcast_in_dim3A_27 = arith.constant 1.000000e+00 : f32
    %broadcast_in_dim3A_28 = vector.broadcast %broadcast_in_dim3A_27 : f32 to vector<16xf32>
    %swap3A_29 = arith.constant 64 : index
    %swap3A_30 = tpu.vector_load %arg14[%swap3A_29] {strides = array<i32>} : memref<112xf32, #tpu.memory_space<vmem>>, vector<16xf32>,
    %swap3A_31 = vector.shape_cast %swap3A_30 : vector<16xf32> to vector<16xf32>
    %swap3A_32 = vector.shape_cast %broadcast_in_dim3A_28 : vector<16xf32> to vector<16xf32>
    tpu.vector_store %arg14[%swap3A_29], %swap3A_32 {strides = array<i32>} : memref<112xf32, #tpu.memory_space<vmem>>, vector<16xf32>,
    %broadcast_in_dim3A_33 = arith.constant 1.000000e+00 : f32
    %broadcast_in_dim3A_34 = vector.broadcast %broadcast_in_dim3A_33 : f32 to vector<16xf32>
    %swap3A_35 = arith.constant 80 : index
    %swap3A_36 = tpu.vector_load %arg14[%swap3A_35] {strides = array<i32>} : memref<112xf32, #tpu.memory_space<vmem>>, vector<16xf32>,
    %swap3A_37 = vector.shape_cast %swap3A_36 : vector<16xf32> to vector<16xf32>
    %swap3A_38 = vector.shape_cast %broadcast_in_dim3A_34 : vector<16xf32> to vector<16xf32>
    tpu.vector_store %arg14[%swap3A_35], %swap3A_38 {strides = array<i32>} : memref<112xf32, #tpu.memory_space<vmem>>, vector<16xf32>,
    %broadcast_in_dim3A_39 = arith.constant 1.000000e+00 : f32
    %broadcast_in_dim3A_40 = vector.broadcast %broadcast_in_dim3A_39 : f32 to vector<16xf32>
    %swap3A_41 = arith.constant 96 : index
    %swap3A_42 = tpu.vector_load %arg14[%swap3A_41] {strides = array<i32>} : memref<112xf32, #tpu.memory_space<vmem>>, vector<16xf32>,
    %swap3A_43 = vector.shape_cast %swap3A_42 : vector<16xf32> to vector<16xf32>
    %swap3A_44 = vector.shape_cast %broadcast_in_dim3A_40 : vector<16xf32> to vector<16xf32>
    tpu.vector_store %arg14[%swap3A_41], %swap3A_44 {strides = array<i32>} : memref<112xf32, #tpu.memory_space<vmem>>, vector<16xf32>,
    %run_scoped3A = arith.constant 0 : i32
    "tpu.region"() ({
      %run_scoped3A_104 = tpu.sem_alloc : memref<!tpu.dma_semaphore, #tpu.memory_space<semaphore_mem>>
      %dma_start3A_105 = arith.constant 0 : i32
      %dma_start3A_106 = arith.constant 0 : i32
      %dma_start3A_107 = tpu.memref_slice %arg11[%run_scoped3A, %dma_start3A_105, %dma_start3A_106] : memref<2x4x112xi32, #tpu.memory_space<vmem>> -> memref<1x4x112xi32, #tpu.memory_space<vmem>>
      %dma_start3A_108 = tpu.memref_squeeze %dma_start3A_107 : memref<1x4x112xi32, #tpu.memory_space<vmem>> -> memref<4x112xi32, #tpu.memory_space<vmem>>
      %dma_start3A_109 = arith.constant 0 : i32
      %dma_start3A_110 = arith.constant 0 : i32
      %dma_start3A_111 = tpu.memref_slice %arg3[%add3A, %dma_start3A_109, %dma_start3A_110] : memref<32x92x112xi32, #tpu.memory_space<hbm>> -> memref<1x4x112xi32, #tpu.memory_space<hbm>>
      %dma_start3A_112 = tpu.memref_squeeze %dma_start3A_111 : memref<1x4x112xi32, #tpu.memory_space<hbm>> -> memref<4x112xi32, #tpu.memory_space<hbm>>
      %dma_start3A_113 = arith.constant 0 : i32
      %dma_start3A_114 = arith.constant 0 : i32
      %dma_start3A_115 = tpu.memref_slice %arg11[%run_scoped3A, %dma_start3A_113, %dma_start3A_114] : memref<2x4x112xi32, #tpu.memory_space<vmem>> -> memref<1x4x112xi32, #tpu.memory_space<vmem>>
      %dma_start3A_116 = tpu.memref_squeeze %dma_start3A_115 : memref<1x4x112xi32, #tpu.memory_space<vmem>> -> memref<4x112xi32, #tpu.memory_space<vmem>>
      %dma_start3A_117 = arith.constant 0 : i32
      %dma_start3A_118 = arith.constant 0 : i32
      %dma_start3A_119 = tpu.memref_slice %arg3[%add3A, %dma_start3A_117, %dma_start3A_118] : memref<32x92x112xi32, #tpu.memory_space<hbm>> -> memref<1x4x112xi32, #tpu.memory_space<hbm>>
      %dma_start3A_120 = tpu.memref_squeeze %dma_start3A_119 : memref<1x4x112xi32, #tpu.memory_space<hbm>> -> memref<4x112xi32, #tpu.memory_space<hbm>>
      tpu.enqueue_dma source(%dma_start3A_120 : memref<4x112xi32, #tpu.memory_space<hbm>>) target(%dma_start3A_116 : memref<4x112xi32, #tpu.memory_space<vmem>>) target_semaphore(%run_scoped3A_104 : memref<!tpu.dma_semaphore, #tpu.memory_space<semaphore_mem>>)
      %dma_wait3A_121 = arith.constant 0 : i32
      %dma_wait3A_122 = arith.constant 0 : i32
      %dma_wait3A_123 = tpu.memref_slice %arg11[%run_scoped3A, %dma_wait3A_121, %dma_wait3A_122] : memref<2x4x112xi32, #tpu.memory_space<vmem>> -> memref<1x4x112xi32, #tpu.memory_space<vmem>>
      %dma_wait3A_124 = tpu.memref_squeeze %dma_wait3A_123 : memref<1x4x112xi32, #tpu.memory_space<vmem>> -> memref<4x112xi32, #tpu.memory_space<vmem>>
      %dma_wait3A_125 = arith.constant 0 : i32
      %dma_wait3A_126 = arith.constant 0 : i32
      %dma_wait3A_127 = tpu.memref_slice %arg3[%add3A, %dma_wait3A_125, %dma_wait3A_126] : memref<32x92x112xi32, #tpu.memory_space<hbm>> -> memref<1x4x112xi32, #tpu.memory_space<hbm>>
      %dma_wait3A_128 = tpu.memref_squeeze %dma_wait3A_127 : memref<1x4x112xi32, #tpu.memory_space<hbm>> -> memref<4x112xi32, #tpu.memory_space<hbm>>
      %dma_wait3A_129 = arith.constant 0 : i32
      %dma_wait3A_130 = arith.constant 0 : i32
      %dma_wait3A_131 = tpu.memref_slice %arg11[%run_scoped3A, %dma_wait3A_129, %dma_wait3A_130] : memref<2x4x112xi32, #tpu.memory_space<vmem>> -> memref<1x4x112xi32, #tpu.memory_space<vmem>>
      %dma_wait3A_132 = tpu.memref_squeeze %dma_wait3A_131 : memref<1x4x112xi32, #tpu.memory_space<vmem>> -> memref<4x112xi32, #tpu.memory_space<vmem>>
      %dma_wait3A_133 = arith.constant 0 : i32
      %dma_wait3A_134 = arith.constant 0 : i32
      %dma_wait3A_135 = tpu.memref_slice %arg3[%add3A, %dma_wait3A_133, %dma_wait3A_134] : memref<32x92x112xi32, #tpu.memory_space<hbm>> -> memref<1x4x112xi32, #tpu.memory_space<hbm>>
      %dma_wait3A_136 = tpu.memref_squeeze %dma_wait3A_135 : memref<1x4x112xi32, #tpu.memory_space<hbm>> -> memref<4x112xi32, #tpu.memory_space<hbm>>
      tpu.wait_dma2 semaphore(%run_scoped3A_104 : memref<!tpu.dma_semaphore, #tpu.memory_space<semaphore_mem>>) src(%dma_wait3A_136 : memref<4x112xi32, #tpu.memory_space<hbm>>) dst(%dma_wait3A_132 : memref<4x112xi32, #tpu.memory_space<vmem>>)
      tpu.yield
    }) : () -> ()
    %run_scoped3A_45 = arith.constant 0 : i32
    "tpu.region"() ({
      %run_scoped3A_104 = tpu.sem_alloc : memref<!tpu.dma_semaphore, #tpu.memory_space<semaphore_mem>>
      %dma_start3A_105 = arith.constant 0 : i32
      %dma_start3A_106 = arith.constant 0 : i32
      %dma_start3A_107 = tpu.memref_slice %arg12[%run_scoped3A_45, %dma_start3A_105, %dma_start3A_106] : memref<2x4x112xi32, #tpu.memory_space<vmem>> -> memref<1x4x112xi32, #tpu.memory_space<vmem>>
      %dma_start3A_108 = tpu.memref_squeeze %dma_start3A_107 : memref<1x4x112xi32, #tpu.memory_space<vmem>> -> memref<4x112xi32, #tpu.memory_space<vmem>>
      %dma_start3A_109 = arith.constant 0 : i32
      %dma_start3A_110 = arith.constant 0 : i32
      %dma_start3A_111 = tpu.memref_slice %arg4[%add3A, %dma_start3A_109, %dma_start3A_110] : memref<32x92x112xi32, #tpu.memory_space<hbm>> -> memref<1x4x112xi32, #tpu.memory_space<hbm>>
      %dma_start3A_112 = tpu.memref_squeeze %dma_start3A_111 : memref<1x4x112xi32, #tpu.memory_space<hbm>> -> memref<4x112xi32, #tpu.memory_space<hbm>>
      %dma_start3A_113 = arith.constant 0 : i32
      %dma_start3A_114 = arith.constant 0 : i32
      %dma_start3A_115 = tpu.memref_slice %arg12[%run_scoped3A_45, %dma_start3A_113, %dma_start3A_114] : memref<2x4x112xi32, #tpu.memory_space<vmem>> -> memref<1x4x112xi32, #tpu.memory_space<vmem>>
      %dma_start3A_116 = tpu.memref_squeeze %dma_start3A_115 : memref<1x4x112xi32, #tpu.memory_space<vmem>> -> memref<4x112xi32, #tpu.memory_space<vmem>>
      %dma_start3A_117 = arith.constant 0 : i32
      %dma_start3A_118 = arith.constant 0 : i32
      %dma_start3A_119 = tpu.memref_slice %arg4[%add3A, %dma_start3A_117, %dma_start3A_118] : memref<32x92x112xi32, #tpu.memory_space<hbm>> -> memref<1x4x112xi32, #tpu.memory_space<hbm>>
      %dma_start3A_120 = tpu.memref_squeeze %dma_start3A_119 : memref<1x4x112xi32, #tpu.memory_space<hbm>> -> memref<4x112xi32, #tpu.memory_space<hbm>>
      tpu.enqueue_dma source(%dma_start3A_120 : memref<4x112xi32, #tpu.memory_space<hbm>>) target(%dma_start3A_116 : memref<4x112xi32, #tpu.memory_space<vmem>>) target_semaphore(%run_scoped3A_104 : memref<!tpu.dma_semaphore, #tpu.memory_space<semaphore_mem>>)
      %dma_wait3A_121 = arith.constant 0 : i32
      %dma_wait3A_122 = arith.constant 0 : i32
      %dma_wait3A_123 = tpu.memref_slice %arg12[%run_scoped3A_45, %dma_wait3A_121, %dma_wait3A_122] : memref<2x4x112xi32, #tpu.memory_space<vmem>> -> memref<1x4x112xi32, #tpu.memory_space<vmem>>
      %dma_wait3A_124 = tpu.memref_squeeze %dma_wait3A_123 : memref<1x4x112xi32, #tpu.memory_space<vmem>> -> memref<4x112xi32, #tpu.memory_space<vmem>>
      %dma_wait3A_125 = arith.constant 0 : i32
      %dma_wait3A_126 = arith.constant 0 : i32
      %dma_wait3A_127 = tpu.memref_slice %arg4[%add3A, %dma_wait3A_125, %dma_wait3A_126] : memref<32x92x112xi32, #tpu.memory_space<hbm>> -> memref<1x4x112xi32, #tpu.memory_space<hbm>>
      %dma_wait3A_128 = tpu.memref_squeeze %dma_wait3A_127 : memref<1x4x112xi32, #tpu.memory_space<hbm>> -> memref<4x112xi32, #tpu.memory_space<hbm>>
      %dma_wait3A_129 = arith.constant 0 : i32
      %dma_wait3A_130 = arith.constant 0 : i32
      %dma_wait3A_131 = tpu.memref_slice %arg12[%run_scoped3A_45, %dma_wait3A_129, %dma_wait3A_130] : memref<2x4x112xi32, #tpu.memory_space<vmem>> -> memref<1x4x112xi32, #tpu.memory_space<vmem>>
      %dma_wait3A_132 = tpu.memref_squeeze %dma_wait3A_131 : memref<1x4x112xi32, #tpu.memory_space<vmem>> -> memref<4x112xi32, #tpu.memory_space<vmem>>
      %dma_wait3A_133 = arith.constant 0 : i32
      %dma_wait3A_134 = arith.constant 0 : i32
      %dma_wait3A_135 = tpu.memref_slice %arg4[%add3A, %dma_wait3A_133, %dma_wait3A_134] : memref<32x92x112xi32, #tpu.memory_space<hbm>> -> memref<1x4x112xi32, #tpu.memory_space<hbm>>
      %dma_wait3A_136 = tpu.memref_squeeze %dma_wait3A_135 : memref<1x4x112xi32, #tpu.memory_space<hbm>> -> memref<4x112xi32, #tpu.memory_space<hbm>>
      tpu.wait_dma2 semaphore(%run_scoped3A_104 : memref<!tpu.dma_semaphore, #tpu.memory_space<semaphore_mem>>) src(%dma_wait3A_136 : memref<4x112xi32, #tpu.memory_space<hbm>>) dst(%dma_wait3A_132 : memref<4x112xi32, #tpu.memory_space<vmem>>)
      tpu.yield
    }) : () -> ()
    %barrier3A = arith.constant 0 : index
    tpu.barrier barrier_id(%barrier3A)
    %dma_start3A = arith.constant 0 : i32
    %dma_start3A_46 = arith.constant 0 : i32
    %dma_start3A_47 = arith.constant 0 : i32
    %dma_start3A_48 = arith.constant 0 : i32
    %dma_start3A_49 = arith.constant 0 : i32
    %dma_start3A_50 = tpu.memref_slice %arg13[%dma_start3A_47, %dma_start3A_48, %dma_start3A_49] : memref<3x112x128xf32, #tpu.memory_space<vmem>> -> memref<1x112x128xf32, #tpu.memory_space<vmem>>
    %dma_start3A_51 = tpu.memref_squeeze %dma_start3A_50 : memref<1x112x128xf32, #tpu.memory_space<vmem>> -> memref<112x128xf32, #tpu.memory_space<vmem>>
    %dma_start3A_52 = arith.constant 0 : i32
    %dma_start3A_53 = tpu.memref_slice %arg11[%dma_start3A, %dma_start3A_46, %dma_start3A_52] : memref<2x4x112xi32, #tpu.memory_space<vmem>> -> memref<1x1x112xi32, #tpu.memory_space<vmem>>
    %dma_start3A_54 = tpu.memref_squeeze %dma_start3A_53 : memref<1x1x112xi32, #tpu.memory_space<vmem>> -> memref<112xi32, #tpu.memory_space<vmem>>
    %dma_start3A_55 = arith.constant 0 : i32
    %dma_start3A_56 = arith.constant 0 : i32
    %dma_start3A_57 = tpu.memref_slice %arg2[%dma_start3A_55, %dma_start3A_56] : memref<10000x128xf32, #tpu.memory_space<hbm>> -> memref<10000x128xf32, #tpu.memory_space<hbm>>
    tpu.enqueue_indirect_dma source(%dma_start3A_57 : memref<10000x128xf32, #tpu.memory_space<hbm>>) target(%dma_start3A_51 : memref<112x128xf32, #tpu.memory_space<vmem>>) offsets(%dma_start3A_54 : memref<112xi32, #tpu.memory_space<vmem>>) semaphore(%arg15 : memref<!tpu.dma_semaphore, #tpu.memory_space<semaphore_mem>>)
    %dma_start3A_58 = arith.constant 0 : i32
    %dma_start3A_59 = arith.constant 1 : i32
    %dma_start3A_60 = arith.constant 1 : i32
    %dma_start3A_61 = arith.constant 0 : i32
    %dma_start3A_62 = arith.constant 0 : i32
    %dma_start3A_63 = tpu.memref_slice %arg13[%dma_start3A_60, %dma_start3A_61, %dma_start3A_62] : memref<3x112x128xf32, #tpu.memory_space<vmem>> -> memref<1x112x128xf32, #tpu.memory_space<vmem>>
    %dma_start3A_64 = tpu.memref_squeeze %dma_start3A_63 : memref<1x112x128xf32, #tpu.memory_space<vmem>> -> memref<112x128xf32, #tpu.memory_space<vmem>>
    %dma_start3A_65 = arith.constant 0 : i32
    %dma_start3A_66 = tpu.memref_slice %arg11[%dma_start3A_58, %dma_start3A_59, %dma_start3A_65] : memref<2x4x112xi32, #tpu.memory_space<vmem>> -> memref<1x1x112xi32, #tpu.memory_space<vmem>>
    %dma_start3A_67 = tpu.memref_squeeze %dma_start3A_66 : memref<1x1x112xi32, #tpu.memory_space<vmem>> -> memref<112xi32, #tpu.memory_space<vmem>>
    %dma_start3A_68 = arith.constant 0 : i32
    %dma_start3A_69 = arith.constant 0 : i32
    %dma_start3A_70 = tpu.memref_slice %arg2[%dma_start3A_68, %dma_start3A_69] : memref<10000x128xf32, #tpu.memory_space<hbm>> -> memref<10000x128xf32, #tpu.memory_space<hbm>>
    tpu.enqueue_indirect_dma source(%dma_start3A_70 : memref<10000x128xf32, #tpu.memory_space<hbm>>) target(%dma_start3A_64 : memref<112x128xf32, #tpu.memory_space<vmem>>) offsets(%dma_start3A_67 : memref<112xi32, #tpu.memory_space<vmem>>) semaphore(%arg15 : memref<!tpu.dma_semaphore, #tpu.memory_space<semaphore_mem>>)
    %scan3A = arith.constant 0 : i32
    %scan3A_71 = arith.constant 0 : i32
    %scan3A_72 = arith.constant 23 : i32
    %scan3A_73 = arith.addi %scan3A_71, %scan3A_72 : i32
    %scan3A_74 = arith.constant 1 : i32
    scf.for %scan3A_104 = %scan3A_71 to %scan3A_73 step %scan3A_74  : i32 {
      %jit3A = arith.constant 2 : i32
      %eq3A = arith.constant 0 : i32
      %eq3A_105 = arith.cmpi eq, %jit3A, %eq3A : i32
      %jit3A_106 = arith.constant 1 : i32
      %select_n3A = arith.select %eq3A_105, %jit3A_106, %jit3A : i32
      %rem3A = arith.remsi %scan3A_104, %select_n3A : i32
      %ne3A = arith.constant 0 : i32
      %ne3A_107 = arith.cmpi ne, %rem3A, %ne3A : i32
      %lt3A = arith.constant 0 : i32
      %lt3A_108 = arith.cmpi slt, %rem3A, %lt3A : i32
      %lt3A_109 = arith.constant 0 : i32
      %lt3A_110 = arith.cmpi slt, %select_n3A, %lt3A_109 : i32
      %ne3A_111 = arith.xori %lt3A_108, %lt3A_110 : i1
      %and3A = arith.andi %ne3A_111, %ne3A_107 : i1
      %add3A_112 = arith.addi %rem3A, %select_n3A : i32
      %select_n3A_113 = arith.select %and3A, %add3A_112, %rem3A : i32
      %sub3A = arith.constant 1 : i32
      %sub3A_114 = arith.subi %sub3A, %select_n3A_113 : i32
      %mul3A_115 = arith.constant 4 : i32
      %mul3A_116 = arith.muli %scan3A_104, %mul3A_115 : i32
      %add3A_117 = arith.constant 0 : i32
      %add3A_118 = arith.addi %mul3A_116, %add3A_117 : i32
      %jit3A_119 = arith.constant 3 : i32
      %eq3A_120 = arith.constant 0 : i32
      %eq3A_121 = arith.cmpi eq, %jit3A_119, %eq3A_120 : i32
      %jit3A_122 = arith.constant 1 : i32
      %select_n3A_123 = arith.select %eq3A_121, %jit3A_122, %jit3A_119 : i32
      %rem3A_124 = arith.remsi %add3A_118, %select_n3A_123 : i32
      %ne3A_125 = arith.constant 0 : i32
      %ne3A_126 = arith.cmpi ne, %rem3A_124, %ne3A_125 : i32
      %lt3A_127 = arith.constant 0 : i32
      %lt3A_128 = arith.cmpi slt, %rem3A_124, %lt3A_127 : i32
      %lt3A_129 = arith.constant 0 : i32
      %lt3A_130 = arith.cmpi slt, %select_n3A_123, %lt3A_129 : i32
      %ne3A_131 = arith.xori %lt3A_128, %lt3A_130 : i1
      %and3A_132 = arith.andi %ne3A_131, %ne3A_126 : i1
      %add3A_133 = arith.addi %rem3A_124, %select_n3A_123 : i32
      %select_n3A_134 = arith.select %and3A_132, %add3A_133, %rem3A_124 : i32
      %gt3A = arith.constant 0 : i32
      %gt3A_135 = arith.cmpi sgt, %scan3A_104, %gt3A : i32
      %convert_element_type3A = arith.extui %gt3A_135 : i1 to i32
      %cond3A = arith.constant 0 : i32
      %cond3A_136 = arith.cmpi ne, %convert_element_type3A, %cond3A : i32
      scf.if %cond3A_136 {
        %add3A_497 = arith.constant 2 : i32
        %add3A_498 = arith.addi %mul3A_116, %add3A_497 : i32
        %jit3A_499 = arith.constant 3 : i32
        %eq3A_500 = arith.constant 0 : i32
        %eq3A_501 = arith.cmpi eq, %jit3A_499, %eq3A_500 : i32
        %jit3A_502 = arith.constant 1 : i32
        %select_n3A_503 = arith.select %eq3A_501, %jit3A_502, %jit3A_499 : i32
        %rem3A_504 = arith.remsi %add3A_498, %select_n3A_503 : i32
        %ne3A_505 = arith.constant 0 : i32
        %ne3A_506 = arith.cmpi ne, %rem3A_504, %ne3A_505 : i32
        %lt3A_507 = arith.constant 0 : i32
        %lt3A_508 = arith.cmpi slt, %rem3A_504, %lt3A_507 : i32
        %lt3A_509 = arith.constant 0 : i32
        %lt3A_510 = arith.cmpi slt, %select_n3A_503, %lt3A_509 : i32
        %ne3A_511 = arith.xori %lt3A_508, %lt3A_510 : i1
        %and3A_512 = arith.andi %ne3A_511, %ne3A_506 : i1
        %add3A_513 = arith.addi %rem3A_504, %select_n3A_503 : i32
        %select_n3A_514 = arith.select %and3A_512, %add3A_513, %rem3A_504 : i32
        %dma_wait3A_515 = arith.constant 3 : i32
        %dma_wait3A_516 = arith.constant 0 : i32
        %dma_wait3A_517 = arith.constant 0 : i32
        %dma_wait3A_518 = tpu.memref_slice %arg13[%select_n3A_514, %dma_wait3A_516, %dma_wait3A_517] : memref<3x112x128xf32, #tpu.memory_space<vmem>> -> memref<1x112x128xf32, #tpu.memory_space<vmem>>
        %dma_wait3A_519 = tpu.memref_squeeze %dma_wait3A_518 : memref<1x112x128xf32, #tpu.memory_space<vmem>> -> memref<112x128xf32, #tpu.memory_space<vmem>>
        %dma_wait3A_520 = arith.constant 0 : i32
        %dma_wait3A_521 = tpu.memref_slice %arg12[%sub3A_114, %dma_wait3A_515, %dma_wait3A_520] : memref<2x4x112xi32, #tpu.memory_space<vmem>> -> memref<1x1x112xi32, #tpu.memory_space<vmem>>
        %dma_wait3A_522 = tpu.memref_squeeze %dma_wait3A_521 : memref<1x1x112xi32, #tpu.memory_space<vmem>> -> memref<112xi32, #tpu.memory_space<vmem>>
        %dma_wait3A_523 = arith.constant 0 : i32
        %dma_wait3A_524 = arith.constant 0 : i32
        %dma_wait3A_525 = tpu.memref_slice %arg9[%dma_wait3A_523, %dma_wait3A_524] : memref<10240x128xf32, #tpu.memory_space<vmem_shared>> -> memref<10240x128xf32, #tpu.memory_space<vmem_shared>>
        tpu.wait_indirect_dma semaphore(%arg16 : memref<!tpu.dma_semaphore, #tpu.memory_space<semaphore_mem>>) src(%dma_wait3A_519 : memref<112x128xf32, #tpu.memory_space<vmem>>) dst(%dma_wait3A_525 : memref<10240x128xf32, #tpu.memory_space<vmem_shared>>)
        %dma_wait3A_526 = arith.constant 3 : i32
        %dma_wait3A_527 = arith.constant 0 : i32
        %dma_wait3A_528 = tpu.memref_slice %arg12[%sub3A_114, %dma_wait3A_526, %dma_wait3A_527] : memref<2x4x112xi32, #tpu.memory_space<vmem>> -> memref<1x1x112xi32, #tpu.memory_space<vmem>>
        %dma_wait3A_529 = tpu.memref_squeeze %dma_wait3A_528 : memref<1x1x112xi32, #tpu.memory_space<vmem>> -> memref<112xi32, #tpu.memory_space<vmem>>
        %dma_wait3A_530 = arith.constant 0 : i32
        %dma_wait3A_531 = tpu.memref_slice %arg10[%dma_wait3A_530] : memref<10240xf32, #tpu.memory_space<vmem_shared>> -> memref<10240xf32, #tpu.memory_space<vmem_shared>>
        tpu.wait_indirect_dma semaphore(%arg16 : memref<!tpu.dma_semaphore, #tpu.memory_space<semaphore_mem>>) src(%arg14 : memref<112xf32, #tpu.memory_space<vmem>>) dst(%dma_wait3A_531 : memref<10240xf32, #tpu.memory_space<vmem_shared>>)
      } else {
      }
      %lt3A_137 = arith.constant 22 : i32
      %lt3A_138 = arith.cmpi slt, %scan3A_104, %lt3A_137 : i32
      %convert_element_type3A_139 = arith.extui %lt3A_138 : i1 to i32
      %cond3A_140 = arith.constant 0 : i32
      %cond3A_141 = arith.cmpi ne, %convert_element_type3A_139, %cond3A_140 : i32
      scf.if %cond3A_141 {
        %add3A_497 = arith.constant 1 : i32
        %add3A_498 = arith.addi %scan3A_104, %add3A_497 : i32
        %mul3A_499 = arith.constant 4 : i32
        %mul3A_500 = arith.muli %add3A_498, %mul3A_499 : i32
        %dma_start3A_501 = arith.constant 0 : i32
        %dma_start3A_502 = arith.constant 0 : i32
        %dma_start3A_503 = tpu.memref_slice %arg11[%sub3A_114, %dma_start3A_501, %dma_start3A_502] : memref<2x4x112xi32, #tpu.memory_space<vmem>> -> memref<1x4x112xi32, #tpu.memory_space<vmem>>
        %dma_start3A_504 = tpu.memref_squeeze %dma_start3A_503 : memref<1x4x112xi32, #tpu.memory_space<vmem>> -> memref<4x112xi32, #tpu.memory_space<vmem>>
        %dma_start3A_505 = arith.constant 0 : i32
        %dma_start3A_506 = tpu.memref_slice %arg3[%add3A, %mul3A_500, %dma_start3A_505] : memref<32x92x112xi32, #tpu.memory_space<hbm>> -> memref<1x4x112xi32, #tpu.memory_space<hbm>>
        %dma_start3A_507 = tpu.memref_squeeze %dma_start3A_506 : memref<1x4x112xi32, #tpu.memory_space<hbm>> -> memref<4x112xi32, #tpu.memory_space<hbm>>
        %dma_start3A_508 = arith.constant 0 : i32
        %dma_start3A_509 = arith.constant 0 : i32
        %dma_start3A_510 = tpu.memref_slice %arg11[%sub3A_114, %dma_start3A_508, %dma_start3A_509] : memref<2x4x112xi32, #tpu.memory_space<vmem>> -> memref<1x4x112xi32, #tpu.memory_space<vmem>>
        %dma_start3A_511 = tpu.memref_squeeze %dma_start3A_510 : memref<1x4x112xi32, #tpu.memory_space<vmem>> -> memref<4x112xi32, #tpu.memory_space<vmem>>
        %dma_start3A_512 = arith.constant 0 : i32
        %dma_start3A_513 = tpu.memref_slice %arg3[%add3A, %mul3A_500, %dma_start3A_512] : memref<32x92x112xi32, #tpu.memory_space<hbm>> -> memref<1x4x112xi32, #tpu.memory_space<hbm>>
        %dma_start3A_514 = tpu.memref_squeeze %dma_start3A_513 : memref<1x4x112xi32, #tpu.memory_space<hbm>> -> memref<4x112xi32, #tpu.memory_space<hbm>>
        tpu.enqueue_dma source(%dma_start3A_514 : memref<4x112xi32, #tpu.memory_space<hbm>>) target(%dma_start3A_511 : memref<4x112xi32, #tpu.memory_space<vmem>>) target_semaphore(%arg17 : memref<!tpu.dma_semaphore, #tpu.memory_space<semaphore_mem>>)
        %add3A_515 = arith.constant 1 : i32
        %add3A_516 = arith.addi %scan3A_104, %add3A_515 : i32
        %mul3A_517 = arith.constant 4 : i32
        %mul3A_518 = arith.muli %add3A_516, %mul3A_517 : i32
        %dma_start3A_519 = arith.constant 0 : i32
        %dma_start3A_520 = arith.constant 0 : i32
        %dma_start3A_521 = tpu.memref_slice %arg12[%sub3A_114, %dma_start3A_519, %dma_start3A_520] : memref<2x4x112xi32, #tpu.memory_space<vmem>> -> memref<1x4x112xi32, #tpu.memory_space<vmem>>
        %dma_start3A_522 = tpu.memref_squeeze %dma_start3A_521 : memref<1x4x112xi32, #tpu.memory_space<vmem>> -> memref<4x112xi32, #tpu.memory_space<vmem>>
        %dma_start3A_523 = arith.constant 0 : i32
        %dma_start3A_524 = tpu.memref_slice %arg4[%add3A, %mul3A_518, %dma_start3A_523] : memref<32x92x112xi32, #tpu.memory_space<hbm>> -> memref<1x4x112xi32, #tpu.memory_space<hbm>>
        %dma_start3A_525 = tpu.memref_squeeze %dma_start3A_524 : memref<1x4x112xi32, #tpu.memory_space<hbm>> -> memref<4x112xi32, #tpu.memory_space<hbm>>
        %dma_start3A_526 = arith.constant 0 : i32
        %dma_start3A_527 = arith.constant 0 : i32
        %dma_start3A_528 = tpu.memref_slice %arg12[%sub3A_114, %dma_start3A_526, %dma_start3A_527] : memref<2x4x112xi32, #tpu.memory_space<vmem>> -> memref<1x4x112xi32, #tpu.memory_space<vmem>>
        %dma_start3A_529 = tpu.memref_squeeze %dma_start3A_528 : memref<1x4x112xi32, #tpu.memory_space<vmem>> -> memref<4x112xi32, #tpu.memory_space<vmem>>
        %dma_start3A_530 = arith.constant 0 : i32
        %dma_start3A_531 = tpu.memref_slice %arg4[%add3A, %mul3A_518, %dma_start3A_530] : memref<32x92x112xi32, #tpu.memory_space<hbm>> -> memref<1x4x112xi32, #tpu.memory_space<hbm>>
        %dma_start3A_532 = tpu.memref_squeeze %dma_start3A_531 : memref<1x4x112xi32, #tpu.memory_space<hbm>> -> memref<4x112xi32, #tpu.memory_space<hbm>>
        tpu.enqueue_dma source(%dma_start3A_532 : memref<4x112xi32, #tpu.memory_space<hbm>>) target(%dma_start3A_529 : memref<4x112xi32, #tpu.memory_space<vmem>>) target_semaphore(%arg17 : memref<!tpu.dma_semaphore, #tpu.memory_space<semaphore_mem>>)
      } else {
      }
      %add3A_142 = arith.constant 0 : i32
      %add3A_143 = arith.addi %mul3A_116, %add3A_142 : i32
      %add3A_144 = arith.constant 2 : i32
      %add3A_145 = arith.addi %add3A_143, %add3A_144 : i32
      %jit3A_146 = arith.constant 3 : i32
      %eq3A_147 = arith.constant 0 : i32
      %eq3A_148 = arith.cmpi eq, %jit3A_146, %eq3A_147 : i32
      %jit3A_149 = arith.constant 1 : i32
      %select_n3A_150 = arith.select %eq3A_148, %jit3A_149, %jit3A_146 : i32
      %rem3A_151 = arith.remsi %add3A_145, %select_n3A_150 : i32
      %ne3A_152 = arith.constant 0 : i32
      %ne3A_153 = arith.cmpi ne, %rem3A_151, %ne3A_152 : i32
      %lt3A_154 = arith.constant 0 : i32
      %lt3A_155 = arith.cmpi slt, %rem3A_151, %lt3A_154 : i32
      %lt3A_156 = arith.constant 0 : i32
      %lt3A_157 = arith.cmpi slt, %select_n3A_150, %lt3A_156 : i32
      %ne3A_158 = arith.xori %lt3A_155, %lt3A_157 : i1
      %and3A_159 = arith.andi %ne3A_158, %ne3A_153 : i1
      %add3A_160 = arith.addi %rem3A_151, %select_n3A_150 : i32
      %select_n3A_161 = arith.select %and3A_159, %add3A_160, %rem3A_151 : i32
      %dma_start3A_162 = arith.constant 2 : i32
      %dma_start3A_163 = arith.constant 0 : i32
      %dma_start3A_164 = arith.constant 0 : i32
      %dma_start3A_165 = tpu.memref_slice %arg13[%select_n3A_161, %dma_start3A_163, %dma_start3A_164] : memref<3x112x128xf32, #tpu.memory_space<vmem>> -> memref<1x112x128xf32, #tpu.memory_space<vmem>>
      %dma_start3A_166 = tpu.memref_squeeze %dma_start3A_165 : memref<1x112x128xf32, #tpu.memory_space<vmem>> -> memref<112x128xf32, #tpu.memory_space<vmem>>
      %dma_start3A_167 = arith.constant 0 : i32
      %dma_start3A_168 = tpu.memref_slice %arg11[%select_n3A_113, %dma_start3A_162, %dma_start3A_167] : memref<2x4x112xi32, #tpu.memory_space<vmem>> -> memref<1x1x112xi32, #tpu.memory_space<vmem>>
      %dma_start3A_169 = tpu.memref_squeeze %dma_start3A_168 : memref<1x1x112xi32, #tpu.memory_space<vmem>> -> memref<112xi32, #tpu.memory_space<vmem>>
      %dma_start3A_170 = arith.constant 0 : i32
      %dma_start3A_171 = arith.constant 0 : i32
      %dma_start3A_172 = tpu.memref_slice %arg2[%dma_start3A_170, %dma_start3A_171] : memref<10000x128xf32, #tpu.memory_space<hbm>> -> memref<10000x128xf32, #tpu.memory_space<hbm>>
      tpu.enqueue_indirect_dma source(%dma_start3A_172 : memref<10000x128xf32, #tpu.memory_space<hbm>>) target(%dma_start3A_166 : memref<112x128xf32, #tpu.memory_space<vmem>>) offsets(%dma_start3A_169 : memref<112xi32, #tpu.memory_space<vmem>>) semaphore(%arg15 : memref<!tpu.dma_semaphore, #tpu.memory_space<semaphore_mem>>)
      %dma_wait3A_173 = arith.constant 0 : i32
      %dma_wait3A_174 = arith.constant 0 : i32
      %dma_wait3A_175 = arith.constant 0 : i32
      %dma_wait3A_176 = tpu.memref_slice %arg13[%select_n3A_134, %dma_wait3A_174, %dma_wait3A_175] : memref<3x112x128xf32, #tpu.memory_space<vmem>> -> memref<1x112x128xf32, #tpu.memory_space<vmem>>
      %dma_wait3A_177 = tpu.memref_squeeze %dma_wait3A_176 : memref<1x112x128xf32, #tpu.memory_space<vmem>> -> memref<112x128xf32, #tpu.memory_space<vmem>>
      %dma_wait3A_178 = arith.constant 0 : i32
      %dma_wait3A_179 = tpu.memref_slice %arg11[%select_n3A_113, %dma_wait3A_173, %dma_wait3A_178] : memref<2x4x112xi32, #tpu.memory_space<vmem>> -> memref<1x1x112xi32, #tpu.memory_space<vmem>>
      %dma_wait3A_180 = tpu.memref_squeeze %dma_wait3A_179 : memref<1x1x112xi32, #tpu.memory_space<vmem>> -> memref<112xi32, #tpu.memory_space<vmem>>
      %dma_wait3A_181 = arith.constant 0 : i32
      %dma_wait3A_182 = arith.constant 0 : i32
      %dma_wait3A_183 = tpu.memref_slice %arg2[%dma_wait3A_181, %dma_wait3A_182] : memref<10000x128xf32, #tpu.memory_space<hbm>> -> memref<10000x128xf32, #tpu.memory_space<hbm>>
      tpu.wait_indirect_dma semaphore(%arg15 : memref<!tpu.dma_semaphore, #tpu.memory_space<semaphore_mem>>) src(%dma_wait3A_183 : memref<10000x128xf32, #tpu.memory_space<hbm>>) dst(%dma_wait3A_177 : memref<112x128xf32, #tpu.memory_space<vmem>>)
      %dma_start3A_184 = arith.constant 0 : i32
      %dma_start3A_185 = arith.constant 0 : i32
      %dma_start3A_186 = arith.constant 0 : i32
      %dma_start3A_187 = tpu.memref_slice %arg13[%select_n3A_134, %dma_start3A_185, %dma_start3A_186] : memref<3x112x128xf32, #tpu.memory_space<vmem>> -> memref<1x112x128xf32, #tpu.memory_space<vmem>>
      %dma_start3A_188 = tpu.memref_squeeze %dma_start3A_187 : memref<1x112x128xf32, #tpu.memory_space<vmem>> -> memref<112x128xf32, #tpu.memory_space<vmem>>
      %dma_start3A_189 = arith.constant 0 : i32
      %dma_start3A_190 = tpu.memref_slice %arg12[%select_n3A_113, %dma_start3A_184, %dma_start3A_189] : memref<2x4x112xi32, #tpu.memory_space<vmem>> -> memref<1x1x112xi32, #tpu.memory_space<vmem>>
      %dma_start3A_191 = tpu.memref_squeeze %dma_start3A_190 : memref<1x1x112xi32, #tpu.memory_space<vmem>> -> memref<112xi32, #tpu.memory_space<vmem>>
      %dma_start3A_192 = arith.constant 0 : i32
      %dma_start3A_193 = arith.constant 0 : i32
      %dma_start3A_194 = tpu.memref_slice %arg9[%dma_start3A_192, %dma_start3A_193] : memref<10240x128xf32, #tpu.memory_space<vmem_shared>> -> memref<10240x128xf32, #tpu.memory_space<vmem_shared>>
      tpu.enqueue_indirect_dma source(%dma_start3A_188 : memref<112x128xf32, #tpu.memory_space<vmem>>) target(%dma_start3A_194 : memref<10240x128xf32, #tpu.memory_space<vmem_shared>>) offsets(%dma_start3A_191 : memref<112xi32, #tpu.memory_space<vmem>>) semaphore(%arg16 : memref<!tpu.dma_semaphore, #tpu.memory_space<semaphore_mem>>) {add = true}
      %dma_start3A_195 = arith.constant 0 : i32
      %dma_start3A_196 = arith.constant 0 : i32
      %dma_start3A_197 = tpu.memref_slice %arg12[%select_n3A_113, %dma_start3A_195, %dma_start3A_196] : memref<2x4x112xi32, #tpu.memory_space<vmem>> -> memref<1x1x112xi32, #tpu.memory_space<vmem>>
      %dma_start3A_198 = tpu.memref_squeeze %dma_start3A_197 : memref<1x1x112xi32, #tpu.memory_space<vmem>> -> memref<112xi32, #tpu.memory_space<vmem>>
      %dma_start3A_199 = arith.constant 0 : i32
      %dma_start3A_200 = tpu.memref_slice %arg10[%dma_start3A_199] : memref<10240xf32, #tpu.memory_space<vmem_shared>> -> memref<10240xf32, #tpu.memory_space<vmem_shared>>
      tpu.enqueue_indirect_dma source(%arg14 : memref<112xf32, #tpu.memory_space<vmem>>) target(%dma_start3A_200 : memref<10240xf32, #tpu.memory_space<vmem_shared>>) offsets(%dma_start3A_198 : memref<112xi32, #tpu.memory_space<vmem>>) semaphore(%arg16 : memref<!tpu.dma_semaphore, #tpu.memory_space<semaphore_mem>>) {add = true}
      %mul3A_201 = arith.constant 4 : i32
      %mul3A_202 = arith.muli %scan3A_104, %mul3A_201 : i32
      %add3A_203 = arith.constant 1 : i32
      %add3A_204 = arith.addi %mul3A_202, %add3A_203 : i32
      %jit3A_205 = arith.constant 3 : i32
      %eq3A_206 = arith.constant 0 : i32
      %eq3A_207 = arith.cmpi eq, %jit3A_205, %eq3A_206 : i32
      %jit3A_208 = arith.constant 1 : i32
      %select_n3A_209 = arith.select %eq3A_207, %jit3A_208, %jit3A_205 : i32
      %rem3A_210 = arith.remsi %add3A_204, %select_n3A_209 : i32
      %ne3A_211 = arith.constant 0 : i32
      %ne3A_212 = arith.cmpi ne, %rem3A_210, %ne3A_211 : i32
      %lt3A_213 = arith.constant 0 : i32
      %lt3A_214 = arith.cmpi slt, %rem3A_210, %lt3A_213 : i32
      %lt3A_215 = arith.constant 0 : i32
      %lt3A_216 = arith.cmpi slt, %select_n3A_209, %lt3A_215 : i32
      %ne3A_217 = arith.xori %lt3A_214, %lt3A_216 : i1
      %and3A_218 = arith.andi %ne3A_217, %ne3A_212 : i1
      %add3A_219 = arith.addi %rem3A_210, %select_n3A_209 : i32
      %select_n3A_220 = arith.select %and3A_218, %add3A_219, %rem3A_210 : i32
      %add3A_221 = arith.constant 1 : i32
      %add3A_222 = arith.addi %mul3A_202, %add3A_221 : i32
      %add3A_223 = arith.constant 2 : i32
      %add3A_224 = arith.addi %add3A_222, %add3A_223 : i32
      %jit3A_225 = arith.constant 3 : i32
      %eq3A_226 = arith.constant 0 : i32
      %eq3A_227 = arith.cmpi eq, %jit3A_225, %eq3A_226 : i32
      %jit3A_228 = arith.constant 1 : i32
      %select_n3A_229 = arith.select %eq3A_227, %jit3A_228, %jit3A_225 : i32
      %rem3A_230 = arith.remsi %add3A_224, %select_n3A_229 : i32
      %ne3A_231 = arith.constant 0 : i32
      %ne3A_232 = arith.cmpi ne, %rem3A_230, %ne3A_231 : i32
      %lt3A_233 = arith.constant 0 : i32
      %lt3A_234 = arith.cmpi slt, %rem3A_230, %lt3A_233 : i32
      %lt3A_235 = arith.constant 0 : i32
      %lt3A_236 = arith.cmpi slt, %select_n3A_229, %lt3A_235 : i32
      %ne3A_237 = arith.xori %lt3A_234, %lt3A_236 : i1
      %and3A_238 = arith.andi %ne3A_237, %ne3A_232 : i1
      %add3A_239 = arith.addi %rem3A_230, %select_n3A_229 : i32
      %select_n3A_240 = arith.select %and3A_238, %add3A_239, %rem3A_230 : i32
      %dma_wait3A_241 = arith.constant 0 : i32
      %dma_wait3A_242 = arith.constant 0 : i32
      %dma_wait3A_243 = arith.constant 0 : i32
      %dma_wait3A_244 = tpu.memref_slice %arg13[%select_n3A_240, %dma_wait3A_242, %dma_wait3A_243] : memref<3x112x128xf32, #tpu.memory_space<vmem>> -> memref<1x112x128xf32, #tpu.memory_space<vmem>>
      %dma_wait3A_245 = tpu.memref_squeeze %dma_wait3A_244 : memref<1x112x128xf32, #tpu.memory_space<vmem>> -> memref<112x128xf32, #tpu.memory_space<vmem>>
      %dma_wait3A_246 = arith.constant 0 : i32
      %dma_wait3A_247 = tpu.memref_slice %arg12[%select_n3A_113, %dma_wait3A_241, %dma_wait3A_246] : memref<2x4x112xi32, #tpu.memory_space<vmem>> -> memref<1x1x112xi32, #tpu.memory_space<vmem>>
      %dma_wait3A_248 = tpu.memref_squeeze %dma_wait3A_247 : memref<1x1x112xi32, #tpu.memory_space<vmem>> -> memref<112xi32, #tpu.memory_space<vmem>>
      %dma_wait3A_249 = arith.constant 0 : i32
      %dma_wait3A_250 = arith.constant 0 : i32
      %dma_wait3A_251 = tpu.memref_slice %arg9[%dma_wait3A_249, %dma_wait3A_250] : memref<10240x128xf32, #tpu.memory_space<vmem_shared>> -> memref<10240x128xf32, #tpu.memory_space<vmem_shared>>
      tpu.wait_indirect_dma semaphore(%arg16 : memref<!tpu.dma_semaphore, #tpu.memory_space<semaphore_mem>>) src(%dma_wait3A_245 : memref<112x128xf32, #tpu.memory_space<vmem>>) dst(%dma_wait3A_251 : memref<10240x128xf32, #tpu.memory_space<vmem_shared>>)
      %dma_wait3A_252 = arith.constant 0 : i32
      %dma_wait3A_253 = arith.constant 0 : i32
      %dma_wait3A_254 = tpu.memref_slice %arg12[%select_n3A_113, %dma_wait3A_252, %dma_wait3A_253] : memref<2x4x112xi32, #tpu.memory_space<vmem>> -> memref<1x1x112xi32, #tpu.memory_space<vmem>>
      %dma_wait3A_255 = tpu.memref_squeeze %dma_wait3A_254 : memref<1x1x112xi32, #tpu.memory_space<vmem>> -> memref<112xi32, #tpu.memory_space<vmem>>
      %dma_wait3A_256 = arith.constant 0 : i32
      %dma_wait3A_257 = tpu.memref_slice %arg10[%dma_wait3A_256] : memref<10240xf32, #tpu.memory_space<vmem_shared>> -> memref<10240xf32, #tpu.memory_space<vmem_shared>>
      tpu.wait_indirect_dma semaphore(%arg16 : memref<!tpu.dma_semaphore, #tpu.memory_space<semaphore_mem>>) src(%arg14 : memref<112xf32, #tpu.memory_space<vmem>>) dst(%dma_wait3A_257 : memref<10240xf32, #tpu.memory_space<vmem_shared>>)
      %add3A_258 = arith.constant 1 : i32
      %add3A_259 = arith.addi %mul3A_202, %add3A_258 : i32
      %add3A_260 = arith.constant 2 : i32
      %add3A_261 = arith.addi %add3A_259, %add3A_260 : i32
      %jit3A_262 = arith.constant 3 : i32
      %eq3A_263 = arith.constant 0 : i32
      %eq3A_264 = arith.cmpi eq, %jit3A_262, %eq3A_263 : i32
      %jit3A_265 = arith.constant 1 : i32
      %select_n3A_266 = arith.select %eq3A_264, %jit3A_265, %jit3A_262 : i32
      %rem3A_267 = arith.remsi %add3A_261, %select_n3A_266 : i32
      %ne3A_268 = arith.constant 0 : i32
      %ne3A_269 = arith.cmpi ne, %rem3A_267, %ne3A_268 : i32
      %lt3A_270 = arith.constant 0 : i32
      %lt3A_271 = arith.cmpi slt, %rem3A_267, %lt3A_270 : i32
      %lt3A_272 = arith.constant 0 : i32
      %lt3A_273 = arith.cmpi slt, %select_n3A_266, %lt3A_272 : i32
      %ne3A_274 = arith.xori %lt3A_271, %lt3A_273 : i1
      %and3A_275 = arith.andi %ne3A_274, %ne3A_269 : i1
      %add3A_276 = arith.addi %rem3A_267, %select_n3A_266 : i32
      %select_n3A_277 = arith.select %and3A_275, %add3A_276, %rem3A_267 : i32
      %dma_start3A_278 = arith.constant 3 : i32
      %dma_start3A_279 = arith.constant 0 : i32
      %dma_start3A_280 = arith.constant 0 : i32
      %dma_start3A_281 = tpu.memref_slice %arg13[%select_n3A_277, %dma_start3A_279, %dma_start3A_280] : memref<3x112x128xf32, #tpu.memory_space<vmem>> -> memref<1x112x128xf32, #tpu.memory_space<vmem>>
      %dma_start3A_282 = tpu.memref_squeeze %dma_start3A_281 : memref<1x112x128xf32, #tpu.memory_space<vmem>> -> memref<112x128xf32, #tpu.memory_space<vmem>>
      %dma_start3A_283 = arith.constant 0 : i32
      %dma_start3A_284 = tpu.memref_slice %arg11[%select_n3A_113, %dma_start3A_278, %dma_start3A_283] : memref<2x4x112xi32, #tpu.memory_space<vmem>> -> memref<1x1x112xi32, #tpu.memory_space<vmem>>
      %dma_start3A_285 = tpu.memref_squeeze %dma_start3A_284 : memref<1x1x112xi32, #tpu.memory_space<vmem>> -> memref<112xi32, #tpu.memory_space<vmem>>
      %dma_start3A_286 = arith.constant 0 : i32
      %dma_start3A_287 = arith.constant 0 : i32
      %dma_start3A_288 = tpu.memref_slice %arg2[%dma_start3A_286, %dma_start3A_287] : memref<10000x128xf32, #tpu.memory_space<hbm>> -> memref<10000x128xf32, #tpu.memory_space<hbm>>
      tpu.enqueue_indirect_dma source(%dma_start3A_288 : memref<10000x128xf32, #tpu.memory_space<hbm>>) target(%dma_start3A_282 : memref<112x128xf32, #tpu.memory_space<vmem>>) offsets(%dma_start3A_285 : memref<112xi32, #tpu.memory_space<vmem>>) semaphore(%arg15 : memref<!tpu.dma_semaphore, #tpu.memory_space<semaphore_mem>>)
      %dma_wait3A_289 = arith.constant 1 : i32
      %dma_wait3A_290 = arith.constant 0 : i32
      %dma_wait3A_291 = arith.constant 0 : i32
      %dma_wait3A_292 = tpu.memref_slice %arg13[%select_n3A_220, %dma_wait3A_290, %dma_wait3A_291] : memref<3x112x128xf32, #tpu.memory_space<vmem>> -> memref<1x112x128xf32, #tpu.memory_space<vmem>>
      %dma_wait3A_293 = tpu.memref_squeeze %dma_wait3A_292 : memref<1x112x128xf32, #tpu.memory_space<vmem>> -> memref<112x128xf32, #tpu.memory_space<vmem>>
      %dma_wait3A_294 = arith.constant 0 : i32
      %dma_wait3A_295 = tpu.memref_slice %arg11[%select_n3A_113, %dma_wait3A_289, %dma_wait3A_294] : memref<2x4x112xi32, #tpu.memory_space<vmem>> -> memref<1x1x112xi32, #tpu.memory_space<vmem>>
      %dma_wait3A_296 = tpu.memref_squeeze %dma_wait3A_295 : memref<1x1x112xi32, #tpu.memory_space<vmem>> -> memref<112xi32, #tpu.memory_space<vmem>>
      %dma_wait3A_297 = arith.constant 0 : i32
      %dma_wait3A_298 = arith.constant 0 : i32
      %dma_wait3A_299 = tpu.memref_slice %arg2[%dma_wait3A_297, %dma_wait3A_298] : memref<10000x128xf32, #tpu.memory_space<hbm>> -> memref<10000x128xf32, #tpu.memory_space<hbm>>
      tpu.wait_indirect_dma semaphore(%arg15 : memref<!tpu.dma_semaphore, #tpu.memory_space<semaphore_mem>>) src(%dma_wait3A_299 : memref<10000x128xf32, #tpu.memory_space<hbm>>) dst(%dma_wait3A_293 : memref<112x128xf32, #tpu.memory_space<vmem>>)
      %dma_start3A_300 = arith.constant 1 : i32
      %dma_start3A_301 = arith.constant 0 : i32
      %dma_start3A_302 = arith.constant 0 : i32
      %dma_start3A_303 = tpu.memref_slice %arg13[%select_n3A_220, %dma_start3A_301, %dma_start3A_302] : memref<3x112x128xf32, #tpu.memory_space<vmem>> -> memref<1x112x128xf32, #tpu.memory_space<vmem>>
      %dma_start3A_304 = tpu.memref_squeeze %dma_start3A_303 : memref<1x112x128xf32, #tpu.memory_space<vmem>> -> memref<112x128xf32, #tpu.memory_space<vmem>>
      %dma_start3A_305 = arith.constant 0 : i32
      %dma_start3A_306 = tpu.memref_slice %arg12[%select_n3A_113, %dma_start3A_300, %dma_start3A_305] : memref<2x4x112xi32, #tpu.memory_space<vmem>> -> memref<1x1x112xi32, #tpu.memory_space<vmem>>
      %dma_start3A_307 = tpu.memref_squeeze %dma_start3A_306 : memref<1x1x112xi32, #tpu.memory_space<vmem>> -> memref<112xi32, #tpu.memory_space<vmem>>
      %dma_start3A_308 = arith.constant 0 : i32
      %dma_start3A_309 = arith.constant 0 : i32
      %dma_start3A_310 = tpu.memref_slice %arg9[%dma_start3A_308, %dma_start3A_309] : memref<10240x128xf32, #tpu.memory_space<vmem_shared>> -> memref<10240x128xf32, #tpu.memory_space<vmem_shared>>
      tpu.enqueue_indirect_dma source(%dma_start3A_304 : memref<112x128xf32, #tpu.memory_space<vmem>>) target(%dma_start3A_310 : memref<10240x128xf32, #tpu.memory_space<vmem_shared>>) offsets(%dma_start3A_307 : memref<112xi32, #tpu.memory_space<vmem>>) semaphore(%arg16 : memref<!tpu.dma_semaphore, #tpu.memory_space<semaphore_mem>>) {add = true}
      %dma_start3A_311 = arith.constant 1 : i32
      %dma_start3A_312 = arith.constant 0 : i32
      %dma_start3A_313 = tpu.memref_slice %arg12[%select_n3A_113, %dma_start3A_311, %dma_start3A_312] : memref<2x4x112xi32, #tpu.memory_space<vmem>> -> memref<1x1x112xi32, #tpu.memory_space<vmem>>
      %dma_start3A_314 = tpu.memref_squeeze %dma_start3A_313 : memref<1x1x112xi32, #tpu.memory_space<vmem>> -> memref<112xi32, #tpu.memory_space<vmem>>
      %dma_start3A_315 = arith.constant 0 : i32
      %dma_start3A_316 = tpu.memref_slice %arg10[%dma_start3A_315] : memref<10240xf32, #tpu.memory_space<vmem_shared>> -> memref<10240xf32, #tpu.memory_space<vmem_shared>>
      tpu.enqueue_indirect_dma source(%arg14 : memref<112xf32, #tpu.memory_space<vmem>>) target(%dma_start3A_316 : memref<10240xf32, #tpu.memory_space<vmem_shared>>) offsets(%dma_start3A_314 : memref<112xi32, #tpu.memory_space<vmem>>) semaphore(%arg16 : memref<!tpu.dma_semaphore, #tpu.memory_space<semaphore_mem>>) {add = true}
      %mul3A_317 = arith.constant 4 : i32
      %mul3A_318 = arith.muli %scan3A_104, %mul3A_317 : i32
      %add3A_319 = arith.constant 2 : i32
      %add3A_320 = arith.addi %mul3A_318, %add3A_319 : i32
      %jit3A_321 = arith.constant 3 : i32
      %eq3A_322 = arith.constant 0 : i32
      %eq3A_323 = arith.cmpi eq, %jit3A_321, %eq3A_322 : i32
      %jit3A_324 = arith.constant 1 : i32
      %select_n3A_325 = arith.select %eq3A_323, %jit3A_324, %jit3A_321 : i32
      %rem3A_326 = arith.remsi %add3A_320, %select_n3A_325 : i32
      %ne3A_327 = arith.constant 0 : i32
      %ne3A_328 = arith.cmpi ne, %rem3A_326, %ne3A_327 : i32
      %lt3A_329 = arith.constant 0 : i32
      %lt3A_330 = arith.cmpi slt, %rem3A_326, %lt3A_329 : i32
      %lt3A_331 = arith.constant 0 : i32
      %lt3A_332 = arith.cmpi slt, %select_n3A_325, %lt3A_331 : i32
      %ne3A_333 = arith.xori %lt3A_330, %lt3A_332 : i1
      %and3A_334 = arith.andi %ne3A_333, %ne3A_328 : i1
      %add3A_335 = arith.addi %rem3A_326, %select_n3A_325 : i32
      %select_n3A_336 = arith.select %and3A_334, %add3A_335, %rem3A_326 : i32
      %add3A_337 = arith.constant 2 : i32
      %add3A_338 = arith.addi %mul3A_318, %add3A_337 : i32
      %add3A_339 = arith.constant 2 : i32
      %add3A_340 = arith.addi %add3A_338, %add3A_339 : i32
      %jit3A_341 = arith.constant 3 : i32
      %eq3A_342 = arith.constant 0 : i32
      %eq3A_343 = arith.cmpi eq, %jit3A_341, %eq3A_342 : i32
      %jit3A_344 = arith.constant 1 : i32
      %select_n3A_345 = arith.select %eq3A_343, %jit3A_344, %jit3A_341 : i32
      %rem3A_346 = arith.remsi %add3A_340, %select_n3A_345 : i32
      %ne3A_347 = arith.constant 0 : i32
      %ne3A_348 = arith.cmpi ne, %rem3A_346, %ne3A_347 : i32
      %lt3A_349 = arith.constant 0 : i32
      %lt3A_350 = arith.cmpi slt, %rem3A_346, %lt3A_349 : i32
      %lt3A_351 = arith.constant 0 : i32
      %lt3A_352 = arith.cmpi slt, %select_n3A_345, %lt3A_351 : i32
      %ne3A_353 = arith.xori %lt3A_350, %lt3A_352 : i1
      %and3A_354 = arith.andi %ne3A_353, %ne3A_348 : i1
      %add3A_355 = arith.addi %rem3A_346, %select_n3A_345 : i32
      %select_n3A_356 = arith.select %and3A_354, %add3A_355, %rem3A_346 : i32
      %dma_wait3A_357 = arith.constant 1 : i32
      %dma_wait3A_358 = arith.constant 0 : i32
      %dma_wait3A_359 = arith.constant 0 : i32
      %dma_wait3A_360 = tpu.memref_slice %arg13[%select_n3A_356, %dma_wait3A_358, %dma_wait3A_359] : memref<3x112x128xf32, #tpu.memory_space<vmem>> -> memref<1x112x128xf32, #tpu.memory_space<vmem>>
      %dma_wait3A_361 = tpu.memref_squeeze %dma_wait3A_360 : memref<1x112x128xf32, #tpu.memory_space<vmem>> -> memref<112x128xf32, #tpu.memory_space<vmem>>
      %dma_wait3A_362 = arith.constant 0 : i32
      %dma_wait3A_363 = tpu.memref_slice %arg12[%select_n3A_113, %dma_wait3A_357, %dma_wait3A_362] : memref<2x4x112xi32, #tpu.memory_space<vmem>> -> memref<1x1x112xi32, #tpu.memory_space<vmem>>
      %dma_wait3A_364 = tpu.memref_squeeze %dma_wait3A_363 : memref<1x1x112xi32, #tpu.memory_space<vmem>> -> memref<112xi32, #tpu.memory_space<vmem>>
      %dma_wait3A_365 = arith.constant 0 : i32
      %dma_wait3A_366 = arith.constant 0 : i32
      %dma_wait3A_367 = tpu.memref_slice %arg9[%dma_wait3A_365, %dma_wait3A_366] : memref<10240x128xf32, #tpu.memory_space<vmem_shared>> -> memref<10240x128xf32, #tpu.memory_space<vmem_shared>>
      tpu.wait_indirect_dma semaphore(%arg16 : memref<!tpu.dma_semaphore, #tpu.memory_space<semaphore_mem>>) src(%dma_wait3A_361 : memref<112x128xf32, #tpu.memory_space<vmem>>) dst(%dma_wait3A_367 : memref<10240x128xf32, #tpu.memory_space<vmem_shared>>)
      %dma_wait3A_368 = arith.constant 1 : i32
      %dma_wait3A_369 = arith.constant 0 : i32
      %dma_wait3A_370 = tpu.memref_slice %arg12[%select_n3A_113, %dma_wait3A_368, %dma_wait3A_369] : memref<2x4x112xi32, #tpu.memory_space<vmem>> -> memref<1x1x112xi32, #tpu.memory_space<vmem>>
      %dma_wait3A_371 = tpu.memref_squeeze %dma_wait3A_370 : memref<1x1x112xi32, #tpu.memory_space<vmem>> -> memref<112xi32, #tpu.memory_space<vmem>>
      %dma_wait3A_372 = arith.constant 0 : i32
      %dma_wait3A_373 = tpu.memref_slice %arg10[%dma_wait3A_372] : memref<10240xf32, #tpu.memory_space<vmem_shared>> -> memref<10240xf32, #tpu.memory_space<vmem_shared>>
      tpu.wait_indirect_dma semaphore(%arg16 : memref<!tpu.dma_semaphore, #tpu.memory_space<semaphore_mem>>) src(%arg14 : memref<112xf32, #tpu.memory_space<vmem>>) dst(%dma_wait3A_373 : memref<10240xf32, #tpu.memory_space<vmem_shared>>)
      %lt3A_374 = arith.constant 22 : i32
      %lt3A_375 = arith.cmpi slt, %scan3A_104, %lt3A_374 : i32
      %convert_element_type3A_376 = arith.extui %lt3A_375 : i1 to i32
      %cond3A_377 = arith.constant 0 : i32
      %cond3A_378 = arith.cmpi ne, %convert_element_type3A_376, %cond3A_377 : i32
      scf.if %cond3A_378 {
        %add3A_497 = arith.constant 1 : i32
        %add3A_498 = arith.addi %scan3A_104, %add3A_497 : i32
        %mul3A_499 = arith.constant 4 : i32
        %mul3A_500 = arith.muli %add3A_498, %mul3A_499 : i32
        %dma_wait3A_501 = arith.constant 0 : i32
        %dma_wait3A_502 = arith.constant 0 : i32
        %dma_wait3A_503 = tpu.memref_slice %arg11[%sub3A_114, %dma_wait3A_501, %dma_wait3A_502] : memref<2x4x112xi32, #tpu.memory_space<vmem>> -> memref<1x4x112xi32, #tpu.memory_space<vmem>>
        %dma_wait3A_504 = tpu.memref_squeeze %dma_wait3A_503 : memref<1x4x112xi32, #tpu.memory_space<vmem>> -> memref<4x112xi32, #tpu.memory_space<vmem>>
        %dma_wait3A_505 = arith.constant 0 : i32
        %dma_wait3A_506 = tpu.memref_slice %arg3[%add3A, %mul3A_500, %dma_wait3A_505] : memref<32x92x112xi32, #tpu.memory_space<hbm>> -> memref<1x4x112xi32, #tpu.memory_space<hbm>>
        %dma_wait3A_507 = tpu.memref_squeeze %dma_wait3A_506 : memref<1x4x112xi32, #tpu.memory_space<hbm>> -> memref<4x112xi32, #tpu.memory_space<hbm>>
        %dma_wait3A_508 = arith.constant 0 : i32
        %dma_wait3A_509 = arith.constant 0 : i32
        %dma_wait3A_510 = tpu.memref_slice %arg11[%sub3A_114, %dma_wait3A_508, %dma_wait3A_509] : memref<2x4x112xi32, #tpu.memory_space<vmem>> -> memref<1x4x112xi32, #tpu.memory_space<vmem>>
        %dma_wait3A_511 = tpu.memref_squeeze %dma_wait3A_510 : memref<1x4x112xi32, #tpu.memory_space<vmem>> -> memref<4x112xi32, #tpu.memory_space<vmem>>
        %dma_wait3A_512 = arith.constant 0 : i32
        %dma_wait3A_513 = tpu.memref_slice %arg3[%add3A, %mul3A_500, %dma_wait3A_512] : memref<32x92x112xi32, #tpu.memory_space<hbm>> -> memref<1x4x112xi32, #tpu.memory_space<hbm>>
        %dma_wait3A_514 = tpu.memref_squeeze %dma_wait3A_513 : memref<1x4x112xi32, #tpu.memory_space<hbm>> -> memref<4x112xi32, #tpu.memory_space<hbm>>
        tpu.wait_dma2 semaphore(%arg17 : memref<!tpu.dma_semaphore, #tpu.memory_space<semaphore_mem>>) src(%dma_wait3A_514 : memref<4x112xi32, #tpu.memory_space<hbm>>) dst(%dma_wait3A_511 : memref<4x112xi32, #tpu.memory_space<vmem>>)
        %add3A_515 = arith.constant 1 : i32
        %add3A_516 = arith.addi %scan3A_104, %add3A_515 : i32
        %mul3A_517 = arith.constant 4 : i32
        %mul3A_518 = arith.muli %add3A_516, %mul3A_517 : i32
        %dma_wait3A_519 = arith.constant 0 : i32
        %dma_wait3A_520 = arith.constant 0 : i32
        %dma_wait3A_521 = tpu.memref_slice %arg12[%sub3A_114, %dma_wait3A_519, %dma_wait3A_520] : memref<2x4x112xi32, #tpu.memory_space<vmem>> -> memref<1x4x112xi32, #tpu.memory_space<vmem>>
        %dma_wait3A_522 = tpu.memref_squeeze %dma_wait3A_521 : memref<1x4x112xi32, #tpu.memory_space<vmem>> -> memref<4x112xi32, #tpu.memory_space<vmem>>
        %dma_wait3A_523 = arith.constant 0 : i32
        %dma_wait3A_524 = tpu.memref_slice %arg4[%add3A, %mul3A_518, %dma_wait3A_523] : memref<32x92x112xi32, #tpu.memory_space<hbm>> -> memref<1x4x112xi32, #tpu.memory_space<hbm>>
        %dma_wait3A_525 = tpu.memref_squeeze %dma_wait3A_524 : memref<1x4x112xi32, #tpu.memory_space<hbm>> -> memref<4x112xi32, #tpu.memory_space<hbm>>
        %dma_wait3A_526 = arith.constant 0 : i32
        %dma_wait3A_527 = arith.constant 0 : i32
        %dma_wait3A_528 = tpu.memref_slice %arg12[%sub3A_114, %dma_wait3A_526, %dma_wait3A_527] : memref<2x4x112xi32, #tpu.memory_space<vmem>> -> memref<1x4x112xi32, #tpu.memory_space<vmem>>
        %dma_wait3A_529 = tpu.memref_squeeze %dma_wait3A_528 : memref<1x4x112xi32, #tpu.memory_space<vmem>> -> memref<4x112xi32, #tpu.memory_space<vmem>>
        %dma_wait3A_530 = arith.constant 0 : i32
        %dma_wait3A_531 = tpu.memref_slice %arg4[%add3A, %mul3A_518, %dma_wait3A_530] : memref<32x92x112xi32, #tpu.memory_space<hbm>> -> memref<1x4x112xi32, #tpu.memory_space<hbm>>
        %dma_wait3A_532 = tpu.memref_squeeze %dma_wait3A_531 : memref<1x4x112xi32, #tpu.memory_space<hbm>> -> memref<4x112xi32, #tpu.memory_space<hbm>>
        tpu.wait_dma2 semaphore(%arg17 : memref<!tpu.dma_semaphore, #tpu.memory_space<semaphore_mem>>) src(%dma_wait3A_532 : memref<4x112xi32, #tpu.memory_space<hbm>>) dst(%dma_wait3A_529 : memref<4x112xi32, #tpu.memory_space<vmem>>)
        %add3A_533 = arith.constant 2 : i32
        %add3A_534 = arith.addi %mul3A_318, %add3A_533 : i32
        %add3A_535 = arith.constant 2 : i32
        %add3A_536 = arith.addi %add3A_534, %add3A_535 : i32
        %jit3A_537 = arith.constant 3 : i32
        %eq3A_538 = arith.constant 0 : i32
        %eq3A_539 = arith.cmpi eq, %jit3A_537, %eq3A_538 : i32
        %jit3A_540 = arith.constant 1 : i32
        %select_n3A_541 = arith.select %eq3A_539, %jit3A_540, %jit3A_537 : i32
        %rem3A_542 = arith.remsi %add3A_536, %select_n3A_541 : i32
        %ne3A_543 = arith.constant 0 : i32
        %ne3A_544 = arith.cmpi ne, %rem3A_542, %ne3A_543 : i32
        %lt3A_545 = arith.constant 0 : i32
        %lt3A_546 = arith.cmpi slt, %rem3A_542, %lt3A_545 : i32
        %lt3A_547 = arith.constant 0 : i32
        %lt3A_548 = arith.cmpi slt, %select_n3A_541, %lt3A_547 : i32
        %ne3A_549 = arith.xori %lt3A_546, %lt3A_548 : i1
        %and3A_550 = arith.andi %ne3A_549, %ne3A_544 : i1
        %add3A_551 = arith.addi %rem3A_542, %select_n3A_541 : i32
        %select_n3A_552 = arith.select %and3A_550, %add3A_551, %rem3A_542 : i32
        %dma_start3A_553 = arith.constant 0 : i32
        %dma_start3A_554 = arith.constant 0 : i32
        %dma_start3A_555 = arith.constant 0 : i32
        %dma_start3A_556 = tpu.memref_slice %arg13[%select_n3A_552, %dma_start3A_554, %dma_start3A_555] : memref<3x112x128xf32, #tpu.memory_space<vmem>> -> memref<1x112x128xf32, #tpu.memory_space<vmem>>
        %dma_start3A_557 = tpu.memref_squeeze %dma_start3A_556 : memref<1x112x128xf32, #tpu.memory_space<vmem>> -> memref<112x128xf32, #tpu.memory_space<vmem>>
        %dma_start3A_558 = arith.constant 0 : i32
        %dma_start3A_559 = tpu.memref_slice %arg11[%sub3A_114, %dma_start3A_553, %dma_start3A_558] : memref<2x4x112xi32, #tpu.memory_space<vmem>> -> memref<1x1x112xi32, #tpu.memory_space<vmem>>
        %dma_start3A_560 = tpu.memref_squeeze %dma_start3A_559 : memref<1x1x112xi32, #tpu.memory_space<vmem>> -> memref<112xi32, #tpu.memory_space<vmem>>
        %dma_start3A_561 = arith.constant 0 : i32
        %dma_start3A_562 = arith.constant 0 : i32
        %dma_start3A_563 = tpu.memref_slice %arg2[%dma_start3A_561, %dma_start3A_562] : memref<10000x128xf32, #tpu.memory_space<hbm>> -> memref<10000x128xf32, #tpu.memory_space<hbm>>
        tpu.enqueue_indirect_dma source(%dma_start3A_563 : memref<10000x128xf32, #tpu.memory_space<hbm>>) target(%dma_start3A_557 : memref<112x128xf32, #tpu.memory_space<vmem>>) offsets(%dma_start3A_560 : memref<112xi32, #tpu.memory_space<vmem>>) semaphore(%arg15 : memref<!tpu.dma_semaphore, #tpu.memory_space<semaphore_mem>>)
      } else {
      }
      %dma_wait3A_379 = arith.constant 2 : i32
      %dma_wait3A_380 = arith.constant 0 : i32
      %dma_wait3A_381 = arith.constant 0 : i32
      %dma_wait3A_382 = tpu.memref_slice %arg13[%select_n3A_336, %dma_wait3A_380, %dma_wait3A_381] : memref<3x112x128xf32, #tpu.memory_space<vmem>> -> memref<1x112x128xf32, #tpu.memory_space<vmem>>
      %dma_wait3A_383 = tpu.memref_squeeze %dma_wait3A_382 : memref<1x112x128xf32, #tpu.memory_space<vmem>> -> memref<112x128xf32, #tpu.memory_space<vmem>>
      %dma_wait3A_384 = arith.constant 0 : i32
      %dma_wait3A_385 = tpu.memref_slice %arg11[%select_n3A_113, %dma_wait3A_379, %dma_wait3A_384] : memref<2x4x112xi32, #tpu.memory_space<vmem>> -> memref<1x1x112xi32, #tpu.memory_space<vmem>>
      %dma_wait3A_386 = tpu.memref_squeeze %dma_wait3A_385 : memref<1x1x112xi32, #tpu.memory_space<vmem>> -> memref<112xi32, #tpu.memory_space<vmem>>
      %dma_wait3A_387 = arith.constant 0 : i32
      %dma_wait3A_388 = arith.constant 0 : i32
      %dma_wait3A_389 = tpu.memref_slice %arg2[%dma_wait3A_387, %dma_wait3A_388] : memref<10000x128xf32, #tpu.memory_space<hbm>> -> memref<10000x128xf32, #tpu.memory_space<hbm>>
      tpu.wait_indirect_dma semaphore(%arg15 : memref<!tpu.dma_semaphore, #tpu.memory_space<semaphore_mem>>) src(%dma_wait3A_389 : memref<10000x128xf32, #tpu.memory_space<hbm>>) dst(%dma_wait3A_383 : memref<112x128xf32, #tpu.memory_space<vmem>>)
      %dma_start3A_390 = arith.constant 2 : i32
      %dma_start3A_391 = arith.constant 0 : i32
      %dma_start3A_392 = arith.constant 0 : i32
      %dma_start3A_393 = tpu.memref_slice %arg13[%select_n3A_336, %dma_start3A_391, %dma_start3A_392] : memref<3x112x128xf32, #tpu.memory_space<vmem>> -> memref<1x112x128xf32, #tpu.memory_space<vmem>>
      %dma_start3A_394 = tpu.memref_squeeze %dma_start3A_393 : memref<1x112x128xf32, #tpu.memory_space<vmem>> -> memref<112x128xf32, #tpu.memory_space<vmem>>
      %dma_start3A_395 = arith.constant 0 : i32
      %dma_start3A_396 = tpu.memref_slice %arg12[%select_n3A_113, %dma_start3A_390, %dma_start3A_395] : memref<2x4x112xi32, #tpu.memory_space<vmem>> -> memref<1x1x112xi32, #tpu.memory_space<vmem>>
      %dma_start3A_397 = tpu.memref_squeeze %dma_start3A_396 : memref<1x1x112xi32, #tpu.memory_space<vmem>> -> memref<112xi32, #tpu.memory_space<vmem>>
      %dma_start3A_398 = arith.constant 0 : i32
      %dma_start3A_399 = arith.constant 0 : i32
      %dma_start3A_400 = tpu.memref_slice %arg9[%dma_start3A_398, %dma_start3A_399] : memref<10240x128xf32, #tpu.memory_space<vmem_shared>> -> memref<10240x128xf32, #tpu.memory_space<vmem_shared>>
      tpu.enqueue_indirect_dma source(%dma_start3A_394 : memref<112x128xf32, #tpu.memory_space<vmem>>) target(%dma_start3A_400 : memref<10240x128xf32, #tpu.memory_space<vmem_shared>>) offsets(%dma_start3A_397 : memref<112xi32, #tpu.memory_space<vmem>>) semaphore(%arg16 : memref<!tpu.dma_semaphore, #tpu.memory_space<semaphore_mem>>) {add = true}
      %dma_start3A_401 = arith.constant 2 : i32
      %dma_start3A_402 = arith.constant 0 : i32
      %dma_start3A_403 = tpu.memref_slice %arg12[%select_n3A_113, %dma_start3A_401, %dma_start3A_402] : memref<2x4x112xi32, #tpu.memory_space<vmem>> -> memref<1x1x112xi32, #tpu.memory_space<vmem>>
      %dma_start3A_404 = tpu.memref_squeeze %dma_start3A_403 : memref<1x1x112xi32, #tpu.memory_space<vmem>> -> memref<112xi32, #tpu.memory_space<vmem>>
      %dma_start3A_405 = arith.constant 0 : i32
      %dma_start3A_406 = tpu.memref_slice %arg10[%dma_start3A_405] : memref<10240xf32, #tpu.memory_space<vmem_shared>> -> memref<10240xf32, #tpu.memory_space<vmem_shared>>
      tpu.enqueue_indirect_dma source(%arg14 : memref<112xf32, #tpu.memory_space<vmem>>) target(%dma_start3A_406 : memref<10240xf32, #tpu.memory_space<vmem_shared>>) offsets(%dma_start3A_404 : memref<112xi32, #tpu.memory_space<vmem>>) semaphore(%arg16 : memref<!tpu.dma_semaphore, #tpu.memory_space<semaphore_mem>>) {add = true}
      %mul3A_407 = arith.constant 4 : i32
      %mul3A_408 = arith.muli %scan3A_104, %mul3A_407 : i32
      %add3A_409 = arith.constant 3 : i32
      %add3A_410 = arith.addi %mul3A_408, %add3A_409 : i32
      %jit3A_411 = arith.constant 3 : i32
      %eq3A_412 = arith.constant 0 : i32
      %eq3A_413 = arith.cmpi eq, %jit3A_411, %eq3A_412 : i32
      %jit3A_414 = arith.constant 1 : i32
      %select_n3A_415 = arith.select %eq3A_413, %jit3A_414, %jit3A_411 : i32
      %rem3A_416 = arith.remsi %add3A_410, %select_n3A_415 : i32
      %ne3A_417 = arith.constant 0 : i32
      %ne3A_418 = arith.cmpi ne, %rem3A_416, %ne3A_417 : i32
      %lt3A_419 = arith.constant 0 : i32
      %lt3A_420 = arith.cmpi slt, %rem3A_416, %lt3A_419 : i32
      %lt3A_421 = arith.constant 0 : i32
      %lt3A_422 = arith.cmpi slt, %select_n3A_415, %lt3A_421 : i32
      %ne3A_423 = arith.xori %lt3A_420, %lt3A_422 : i1
      %and3A_424 = arith.andi %ne3A_423, %ne3A_418 : i1
      %add3A_425 = arith.addi %rem3A_416, %select_n3A_415 : i32
      %select_n3A_426 = arith.select %and3A_424, %add3A_425, %rem3A_416 : i32
      %add3A_427 = arith.constant 3 : i32
      %add3A_428 = arith.addi %mul3A_408, %add3A_427 : i32
      %add3A_429 = arith.constant 2 : i32
      %add3A_430 = arith.addi %add3A_428, %add3A_429 : i32
      %jit3A_431 = arith.constant 3 : i32
      %eq3A_432 = arith.constant 0 : i32
      %eq3A_433 = arith.cmpi eq, %jit3A_431, %eq3A_432 : i32
      %jit3A_434 = arith.constant 1 : i32
      %select_n3A_435 = arith.select %eq3A_433, %jit3A_434, %jit3A_431 : i32
      %rem3A_436 = arith.remsi %add3A_430, %select_n3A_435 : i32
      %ne3A_437 = arith.constant 0 : i32
      %ne3A_438 = arith.cmpi ne, %rem3A_436, %ne3A_437 : i32
      %lt3A_439 = arith.constant 0 : i32
      %lt3A_440 = arith.cmpi slt, %rem3A_436, %lt3A_439 : i32
      %lt3A_441 = arith.constant 0 : i32
      %lt3A_442 = arith.cmpi slt, %select_n3A_435, %lt3A_441 : i32
      %ne3A_443 = arith.xori %lt3A_440, %lt3A_442 : i1
      %and3A_444 = arith.andi %ne3A_443, %ne3A_438 : i1
      %add3A_445 = arith.addi %rem3A_436, %select_n3A_435 : i32
      %select_n3A_446 = arith.select %and3A_444, %add3A_445, %rem3A_436 : i32
      %dma_wait3A_447 = arith.constant 2 : i32
      %dma_wait3A_448 = arith.constant 0 : i32
      %dma_wait3A_449 = arith.constant 0 : i32
      %dma_wait3A_450 = tpu.memref_slice %arg13[%select_n3A_446, %dma_wait3A_448, %dma_wait3A_449] : memref<3x112x128xf32, #tpu.memory_space<vmem>> -> memref<1x112x128xf32, #tpu.memory_space<vmem>>
      %dma_wait3A_451 = tpu.memref_squeeze %dma_wait3A_450 : memref<1x112x128xf32, #tpu.memory_space<vmem>> -> memref<112x128xf32, #tpu.memory_space<vmem>>
      %dma_wait3A_452 = arith.constant 0 : i32
      %dma_wait3A_453 = tpu.memref_slice %arg12[%select_n3A_113, %dma_wait3A_447, %dma_wait3A_452] : memref<2x4x112xi32, #tpu.memory_space<vmem>> -> memref<1x1x112xi32, #tpu.memory_space<vmem>>
      %dma_wait3A_454 = tpu.memref_squeeze %dma_wait3A_453 : memref<1x1x112xi32, #tpu.memory_space<vmem>> -> memref<112xi32, #tpu.memory_space<vmem>>
      %dma_wait3A_455 = arith.constant 0 : i32
      %dma_wait3A_456 = arith.constant 0 : i32
      %dma_wait3A_457 = tpu.memref_slice %arg9[%dma_wait3A_455, %dma_wait3A_456] : memref<10240x128xf32, #tpu.memory_space<vmem_shared>> -> memref<10240x128xf32, #tpu.memory_space<vmem_shared>>
      tpu.wait_indirect_dma semaphore(%arg16 : memref<!tpu.dma_semaphore, #tpu.memory_space<semaphore_mem>>) src(%dma_wait3A_451 : memref<112x128xf32, #tpu.memory_space<vmem>>) dst(%dma_wait3A_457 : memref<10240x128xf32, #tpu.memory_space<vmem_shared>>)
      %dma_wait3A_458 = arith.constant 2 : i32
      %dma_wait3A_459 = arith.constant 0 : i32
      %dma_wait3A_460 = tpu.memref_slice %arg12[%select_n3A_113, %dma_wait3A_458, %dma_wait3A_459] : memref<2x4x112xi32, #tpu.memory_space<vmem>> -> memref<1x1x112xi32, #tpu.memory_space<vmem>>
      %dma_wait3A_461 = tpu.memref_squeeze %dma_wait3A_460 : memref<1x1x112xi32, #tpu.memory_space<vmem>> -> memref<112xi32, #tpu.memory_space<vmem>>
      %dma_wait3A_462 = arith.constant 0 : i32
      %dma_wait3A_463 = tpu.memref_slice %arg10[%dma_wait3A_462] : memref<10240xf32, #tpu.memory_space<vmem_shared>> -> memref<10240xf32, #tpu.memory_space<vmem_shared>>
      tpu.wait_indirect_dma semaphore(%arg16 : memref<!tpu.dma_semaphore, #tpu.memory_space<semaphore_mem>>) src(%arg14 : memref<112xf32, #tpu.memory_space<vmem>>) dst(%dma_wait3A_463 : memref<10240xf32, #tpu.memory_space<vmem_shared>>)
      %lt3A_464 = arith.constant 22 : i32
      %lt3A_465 = arith.cmpi slt, %scan3A_104, %lt3A_464 : i32
      %convert_element_type3A_466 = arith.extui %lt3A_465 : i1 to i32
      %cond3A_467 = arith.constant 0 : i32
      %cond3A_468 = arith.cmpi ne, %convert_element_type3A_466, %cond3A_467 : i32
      scf.if %cond3A_468 {
        %add3A_497 = arith.constant 3 : i32
        %add3A_498 = arith.addi %mul3A_408, %add3A_497 : i32
        %add3A_499 = arith.constant 2 : i32
        %add3A_500 = arith.addi %add3A_498, %add3A_499 : i32
        %jit3A_501 = arith.constant 3 : i32
        %eq3A_502 = arith.constant 0 : i32
        %eq3A_503 = arith.cmpi eq, %jit3A_501, %eq3A_502 : i32
        %jit3A_504 = arith.constant 1 : i32
        %select_n3A_505 = arith.select %eq3A_503, %jit3A_504, %jit3A_501 : i32
        %rem3A_506 = arith.remsi %add3A_500, %select_n3A_505 : i32
        %ne3A_507 = arith.constant 0 : i32
        %ne3A_508 = arith.cmpi ne, %rem3A_506, %ne3A_507 : i32
        %lt3A_509 = arith.constant 0 : i32
        %lt3A_510 = arith.cmpi slt, %rem3A_506, %lt3A_509 : i32
        %lt3A_511 = arith.constant 0 : i32
        %lt3A_512 = arith.cmpi slt, %select_n3A_505, %lt3A_511 : i32
        %ne3A_513 = arith.xori %lt3A_510, %lt3A_512 : i1
        %and3A_514 = arith.andi %ne3A_513, %ne3A_508 : i1
        %add3A_515 = arith.addi %rem3A_506, %select_n3A_505 : i32
        %select_n3A_516 = arith.select %and3A_514, %add3A_515, %rem3A_506 : i32
        %dma_start3A_517 = arith.constant 1 : i32
        %dma_start3A_518 = arith.constant 0 : i32
        %dma_start3A_519 = arith.constant 0 : i32
        %dma_start3A_520 = tpu.memref_slice %arg13[%select_n3A_516, %dma_start3A_518, %dma_start3A_519] : memref<3x112x128xf32, #tpu.memory_space<vmem>> -> memref<1x112x128xf32, #tpu.memory_space<vmem>>
        %dma_start3A_521 = tpu.memref_squeeze %dma_start3A_520 : memref<1x112x128xf32, #tpu.memory_space<vmem>> -> memref<112x128xf32, #tpu.memory_space<vmem>>
        %dma_start3A_522 = arith.constant 0 : i32
        %dma_start3A_523 = tpu.memref_slice %arg11[%sub3A_114, %dma_start3A_517, %dma_start3A_522] : memref<2x4x112xi32, #tpu.memory_space<vmem>> -> memref<1x1x112xi32, #tpu.memory_space<vmem>>
        %dma_start3A_524 = tpu.memref_squeeze %dma_start3A_523 : memref<1x1x112xi32, #tpu.memory_space<vmem>> -> memref<112xi32, #tpu.memory_space<vmem>>
        %dma_start3A_525 = arith.constant 0 : i32
        %dma_start3A_526 = arith.constant 0 : i32
        %dma_start3A_527 = tpu.memref_slice %arg2[%dma_start3A_525, %dma_start3A_526] : memref<10000x128xf32, #tpu.memory_space<hbm>> -> memref<10000x128xf32, #tpu.memory_space<hbm>>
        tpu.enqueue_indirect_dma source(%dma_start3A_527 : memref<10000x128xf32, #tpu.memory_space<hbm>>) target(%dma_start3A_521 : memref<112x128xf32, #tpu.memory_space<vmem>>) offsets(%dma_start3A_524 : memref<112xi32, #tpu.memory_space<vmem>>) semaphore(%arg15 : memref<!tpu.dma_semaphore, #tpu.memory_space<semaphore_mem>>)
      } else {
      }
      %dma_wait3A_469 = arith.constant 3 : i32
      %dma_wait3A_470 = arith.constant 0 : i32
      %dma_wait3A_471 = arith.constant 0 : i32
      %dma_wait3A_472 = tpu.memref_slice %arg13[%select_n3A_426, %dma_wait3A_470, %dma_wait3A_471] : memref<3x112x128xf32, #tpu.memory_space<vmem>> -> memref<1x112x128xf32, #tpu.memory_space<vmem>>
      %dma_wait3A_473 = tpu.memref_squeeze %dma_wait3A_472 : memref<1x112x128xf32, #tpu.memory_space<vmem>> -> memref<112x128xf32, #tpu.memory_space<vmem>>
      %dma_wait3A_474 = arith.constant 0 : i32
      %dma_wait3A_475 = tpu.memref_slice %arg11[%select_n3A_113, %dma_wait3A_469, %dma_wait3A_474] : memref<2x4x112xi32, #tpu.memory_space<vmem>> -> memref<1x1x112xi32, #tpu.memory_space<vmem>>
      %dma_wait3A_476 = tpu.memref_squeeze %dma_wait3A_475 : memref<1x1x112xi32, #tpu.memory_space<vmem>> -> memref<112xi32, #tpu.memory_space<vmem>>
      %dma_wait3A_477 = arith.constant 0 : i32
      %dma_wait3A_478 = arith.constant 0 : i32
      %dma_wait3A_479 = tpu.memref_slice %arg2[%dma_wait3A_477, %dma_wait3A_478] : memref<10000x128xf32, #tpu.memory_space<hbm>> -> memref<10000x128xf32, #tpu.memory_space<hbm>>
      tpu.wait_indirect_dma semaphore(%arg15 : memref<!tpu.dma_semaphore, #tpu.memory_space<semaphore_mem>>) src(%dma_wait3A_479 : memref<10000x128xf32, #tpu.memory_space<hbm>>) dst(%dma_wait3A_473 : memref<112x128xf32, #tpu.memory_space<vmem>>)
      %dma_start3A_480 = arith.constant 3 : i32
      %dma_start3A_481 = arith.constant 0 : i32
      %dma_start3A_482 = arith.constant 0 : i32
      %dma_start3A_483 = tpu.memref_slice %arg13[%select_n3A_426, %dma_start3A_481, %dma_start3A_482] : memref<3x112x128xf32, #tpu.memory_space<vmem>> -> memref<1x112x128xf32, #tpu.memory_space<vmem>>
      %dma_start3A_484 = tpu.memref_squeeze %dma_start3A_483 : memref<1x112x128xf32, #tpu.memory_space<vmem>> -> memref<112x128xf32, #tpu.memory_space<vmem>>
      %dma_start3A_485 = arith.constant 0 : i32
      %dma_start3A_486 = tpu.memref_slice %arg12[%select_n3A_113, %dma_start3A_480, %dma_start3A_485] : memref<2x4x112xi32, #tpu.memory_space<vmem>> -> memref<1x1x112xi32, #tpu.memory_space<vmem>>
      %dma_start3A_487 = tpu.memref_squeeze %dma_start3A_486 : memref<1x1x112xi32, #tpu.memory_space<vmem>> -> memref<112xi32, #tpu.memory_space<vmem>>
      %dma_start3A_488 = arith.constant 0 : i32
      %dma_start3A_489 = arith.constant 0 : i32
      %dma_start3A_490 = tpu.memref_slice %arg9[%dma_start3A_488, %dma_start3A_489] : memref<10240x128xf32, #tpu.memory_space<vmem_shared>> -> memref<10240x128xf32, #tpu.memory_space<vmem_shared>>
      tpu.enqueue_indirect_dma source(%dma_start3A_484 : memref<112x128xf32, #tpu.memory_space<vmem>>) target(%dma_start3A_490 : memref<10240x128xf32, #tpu.memory_space<vmem_shared>>) offsets(%dma_start3A_487 : memref<112xi32, #tpu.memory_space<vmem>>) semaphore(%arg16 : memref<!tpu.dma_semaphore, #tpu.memory_space<semaphore_mem>>) {add = true}
      %dma_start3A_491 = arith.constant 3 : i32
      %dma_start3A_492 = arith.constant 0 : i32
      %dma_start3A_493 = tpu.memref_slice %arg12[%select_n3A_113, %dma_start3A_491, %dma_start3A_492] : memref<2x4x112xi32, #tpu.memory_space<vmem>> -> memref<1x1x112xi32, #tpu.memory_space<vmem>>
      %dma_start3A_494 = tpu.memref_squeeze %dma_start3A_493 : memref<1x1x112xi32, #tpu.memory_space<vmem>> -> memref<112xi32, #tpu.memory_space<vmem>>
      %dma_start3A_495 = arith.constant 0 : i32
      %dma_start3A_496 = tpu.memref_slice %arg10[%dma_start3A_495] : memref<10240xf32, #tpu.memory_space<vmem_shared>> -> memref<10240xf32, #tpu.memory_space<vmem_shared>>
      tpu.enqueue_indirect_dma source(%arg14 : memref<112xf32, #tpu.memory_space<vmem>>) target(%dma_start3A_496 : memref<10240xf32, #tpu.memory_space<vmem_shared>>) offsets(%dma_start3A_494 : memref<112xi32, #tpu.memory_space<vmem>>) semaphore(%arg16 : memref<!tpu.dma_semaphore, #tpu.memory_space<semaphore_mem>>) {add = true}
    }
    %scan3A_75 = arith.constant 23 : i32
    %dma_wait3A = arith.constant 1 : i32
    %dma_wait3A_76 = arith.constant 0 : i32
    %dma_wait3A_77 = arith.constant 3 : i32
    %dma_wait3A_78 = arith.constant 0 : i32
    %dma_wait3A_79 = arith.constant 0 : i32
    %dma_wait3A_80 = tpu.memref_slice %arg13[%dma_wait3A, %dma_wait3A_78, %dma_wait3A_79] : memref<3x112x128xf32, #tpu.memory_space<vmem>> -> memref<1x112x128xf32, #tpu.memory_space<vmem>>
    %dma_wait3A_81 = tpu.memref_squeeze %dma_wait3A_80 : memref<1x112x128xf32, #tpu.memory_space<vmem>> -> memref<112x128xf32, #tpu.memory_space<vmem>>
    %dma_wait3A_82 = arith.constant 0 : i32
    %dma_wait3A_83 = tpu.memref_slice %arg12[%dma_wait3A_76, %dma_wait3A_77, %dma_wait3A_82] : memref<2x4x112xi32, #tpu.memory_space<vmem>> -> memref<1x1x112xi32, #tpu.memory_space<vmem>>
    %dma_wait3A_84 = tpu.memref_squeeze %dma_wait3A_83 : memref<1x1x112xi32, #tpu.memory_space<vmem>> -> memref<112xi32, #tpu.memory_space<vmem>>
    %dma_wait3A_85 = arith.constant 0 : i32
    %dma_wait3A_86 = arith.constant 0 : i32
    %dma_wait3A_87 = tpu.memref_slice %arg9[%dma_wait3A_85, %dma_wait3A_86] : memref<10240x128xf32, #tpu.memory_space<vmem_shared>> -> memref<10240x128xf32, #tpu.memory_space<vmem_shared>>
    tpu.wait_indirect_dma semaphore(%arg16 : memref<!tpu.dma_semaphore, #tpu.memory_space<semaphore_mem>>) src(%dma_wait3A_81 : memref<112x128xf32, #tpu.memory_space<vmem>>) dst(%dma_wait3A_87 : memref<10240x128xf32, #tpu.memory_space<vmem_shared>>)
    %dma_wait3A_88 = arith.constant 0 : i32
    %dma_wait3A_89 = arith.constant 3 : i32
    %dma_wait3A_90 = arith.constant 0 : i32
    %dma_wait3A_91 = tpu.memref_slice %arg12[%dma_wait3A_88, %dma_wait3A_89, %dma_wait3A_90] : memref<2x4x112xi32, #tpu.memory_space<vmem>> -> memref<1x1x112xi32, #tpu.memory_space<vmem>>
    %dma_wait3A_92 = tpu.memref_squeeze %dma_wait3A_91 : memref<1x1x112xi32, #tpu.memory_space<vmem>> -> memref<112xi32, #tpu.memory_space<vmem>>
    %dma_wait3A_93 = arith.constant 0 : i32
    %dma_wait3A_94 = tpu.memref_slice %arg10[%dma_wait3A_93] : memref<10240xf32, #tpu.memory_space<vmem_shared>> -> memref<10240xf32, #tpu.memory_space<vmem_shared>>
    tpu.wait_indirect_dma semaphore(%arg16 : memref<!tpu.dma_semaphore, #tpu.memory_space<semaphore_mem>>) src(%arg14 : memref<112xf32, #tpu.memory_space<vmem>>) dst(%dma_wait3A_94 : memref<10240xf32, #tpu.memory_space<vmem_shared>>)
    %barrier3A_95 = arith.constant 0 : index
    tpu.barrier barrier_id(%barrier3A_95)
    %mul3A_96 = arith.constant 640 : i32
    %mul3A_97 = arith.muli %arg1, %mul3A_96 : i32
    %mul3A_98 = arith.constant 640 : i32
    %mul3A_99 = arith.muli %arg1, %mul3A_98 : i32
    "tpu.region"() ({
      %run_scoped3A_104 = tpu.sem_alloc : memref<!tpu.dma_semaphore, #tpu.memory_space<semaphore_mem>>
      %dma_start3A_105 = arith.constant 0 : i32
      %dma_start3A_106 = tpu.memref_slice %arg7[%arg0, %mul3A_99, %dma_start3A_105] : memref<2x10240x128xf32, #tpu.memory_space<hbm>> -> memref<1x640x128xf32, #tpu.memory_space<hbm>>
      %dma_start3A_107 = tpu.memref_squeeze %dma_start3A_106 : memref<1x640x128xf32, #tpu.memory_space<hbm>> -> memref<640x128xf32, #tpu.memory_space<hbm>>
      %dma_start3A_108 = arith.constant 0 : i32
      %dma_start3A_109 = tpu.memref_slice %arg9[%mul3A_97, %dma_start3A_108] : memref<10240x128xf32, #tpu.memory_space<vmem_shared>> -> memref<640x128xf32, #tpu.memory_space<vmem_shared>>
      tpu.enqueue_dma source(%dma_start3A_109 : memref<640x128xf32, #tpu.memory_space<vmem_shared>>) target(%dma_start3A_107 : memref<640x128xf32, #tpu.memory_space<hbm>>) target_semaphore(%run_scoped3A_104 : memref<!tpu.dma_semaphore, #tpu.memory_space<semaphore_mem>>)
      %dma_wait3A_110 = arith.constant 0 : i32
      %dma_wait3A_111 = tpu.memref_slice %arg7[%arg0, %mul3A_99, %dma_wait3A_110] : memref<2x10240x128xf32, #tpu.memory_space<hbm>> -> memref<1x640x128xf32, #tpu.memory_space<hbm>>
      %dma_wait3A_112 = tpu.memref_squeeze %dma_wait3A_111 : memref<1x640x128xf32, #tpu.memory_space<hbm>> -> memref<640x128xf32, #tpu.memory_space<hbm>>
      %dma_wait3A_113 = arith.constant 0 : i32
      %dma_wait3A_114 = tpu.memref_slice %arg9[%mul3A_97, %dma_wait3A_113] : memref<10240x128xf32, #tpu.memory_space<vmem_shared>> -> memref<640x128xf32, #tpu.memory_space<vmem_shared>>
      tpu.wait_dma2 semaphore(%run_scoped3A_104 : memref<!tpu.dma_semaphore, #tpu.memory_space<semaphore_mem>>) src(%dma_wait3A_114 : memref<640x128xf32, #tpu.memory_space<vmem_shared>>) dst(%dma_wait3A_112 : memref<640x128xf32, #tpu.memory_space<hbm>>)
      tpu.yield
    }) : () -> ()
    %mul3A_100 = arith.constant 640 : i32
    %mul3A_101 = arith.muli %arg1, %mul3A_100 : i32
    %mul3A_102 = arith.constant 640 : i32
    %mul3A_103 = arith.muli %arg1, %mul3A_102 : i32
    "tpu.region"() ({
      %run_scoped3A_104 = tpu.sem_alloc : memref<!tpu.dma_semaphore, #tpu.memory_space<semaphore_mem>>
      %dma_start3A_105 = tpu.memref_slice %arg8[%arg0, %mul3A_103] : memref<2x10240xf32, #tpu.memory_space<hbm>> -> memref<1x640xf32, #tpu.memory_space<hbm>>
      %dma_start3A_106 = tpu.memref_squeeze %dma_start3A_105 : memref<1x640xf32, #tpu.memory_space<hbm>> -> memref<640xf32, #tpu.memory_space<hbm>>
      %dma_start3A_107 = tpu.memref_slice %arg10[%mul3A_101] : memref<10240xf32, #tpu.memory_space<vmem_shared>> -> memref<640xf32, #tpu.memory_space<vmem_shared>>
      tpu.enqueue_dma source(%dma_start3A_107 : memref<640xf32, #tpu.memory_space<vmem_shared>>) target(%dma_start3A_106 : memref<640xf32, #tpu.memory_space<hbm>>) target_semaphore(%run_scoped3A_104 : memref<!tpu.dma_semaphore, #tpu.memory_space<semaphore_mem>>)
      %dma_wait3A_108 = tpu.memref_slice %arg8[%arg0, %mul3A_103] : memref<2x10240xf32, #tpu.memory_space<hbm>> -> memref<1x640xf32, #tpu.memory_space<hbm>>
      %dma_wait3A_109 = tpu.memref_squeeze %dma_wait3A_108 : memref<1x640xf32, #tpu.memory_space<hbm>> -> memref<640xf32, #tpu.memory_space<hbm>>
      %dma_wait3A_110 = tpu.memref_slice %arg10[%mul3A_101] : memref<10240xf32, #tpu.memory_space<vmem_shared>> -> memref<640xf32, #tpu.memory_space<vmem_shared>>
      tpu.wait_dma2 semaphore(%run_scoped3A_104 : memref<!tpu.dma_semaphore, #tpu.memory_space<semaphore_mem>>) src(%dma_wait3A_110 : memref<640xf32, #tpu.memory_space<vmem_shared>>) dst(%dma_wait3A_109 : memref<640xf32, #tpu.memory_space<hbm>>)
      tpu.yield
    }) : () -> ()
    return
  }
}

module attributes {stable_mosaic.version = 14 : i64} {
  func.func @_edge_mlp_body(%arg0: i32, %arg1: memref<2x1000x128xf32, #tpu.memory_space<vmem>>, %arg2: memref<2x1000x1xf32, #tpu.memory_space<vmem>>, %arg3: memref<1000x16xf32, #tpu.memory_space<vmem>>, %arg4: memref<144x128xf32, #tpu.memory_space<vmem>>, %arg5: memref<1x128xf32, #tpu.memory_space<vmem>>, %arg6: memref<128x128xf32, #tpu.memory_space<vmem>>, %arg7: memref<1x128xf32, #tpu.memory_space<vmem>>, %arg8: memref<1000x128xf32, #tpu.memory_space<vmem>>) attributes {dimension_semantics = [#tpu.dimension_semantics<arbitrary>], iteration_bounds = array<i64: 10>, scalar_prefetch = 0 : i64, scratch_operands = 0 : i64, tpu.core_type = #tpu.core_type<tc>, window_params = [{transform_indices = @transform_0, window_bounds = array<i64: 2, 1000, 128>}, {transform_indices = @transform_1, window_bounds = array<i64: 2, 1000, 1>}, {transform_indices = @transform_2, window_bounds = array<i64: 1000, 16>}, {pipeline_mode = #tpu.pipeline_mode<synchronous>, transform_indices = @transform_3, window_bounds = array<i64: 144, 128>}, {pipeline_mode = #tpu.pipeline_mode<synchronous>, transform_indices = @transform_4, window_bounds = array<i64: 1, 128>}, {pipeline_mode = #tpu.pipeline_mode<synchronous>, transform_indices = @transform_5, window_bounds = array<i64: 128, 128>}, {pipeline_mode = #tpu.pipeline_mode<synchronous>, transform_indices = @transform_6, window_bounds = array<i64: 1, 128>}, {transform_indices = @transform_7, window_bounds = array<i64: 1000, 128>}]} {
    %get3A = arith.constant 0 : index
    %get3A_0 = arith.constant 0 : index
    %get3A_1 = arith.constant 0 : index
    %get3A_2 = vector.load %arg1[%get3A, %get3A_0, %get3A_1] : memref<2x1000x128xf32, #tpu.memory_space<vmem>>, vector<1x1000x128xf32>
    %get3A_3 = vector.shape_cast %get3A_2 : vector<1x1000x128xf32> to vector<1000x128xf32>
    %get3A_4 = arith.constant 1 : index
    %get3A_5 = arith.constant 0 : index
    %get3A_6 = arith.constant 0 : index
    %get3A_7 = vector.load %arg1[%get3A_4, %get3A_5, %get3A_6] : memref<2x1000x128xf32, #tpu.memory_space<vmem>>, vector<1x1000x128xf32>
    %get3A_8 = vector.shape_cast %get3A_7 : vector<1x1000x128xf32> to vector<1000x128xf32>
    %add3A = arith.addf %get3A_3, %get3A_8 : vector<1000x128xf32>
    %get3A_9 = arith.constant 0 : index
    %get3A_10 = arith.constant 0 : index
    %get3A_11 = arith.constant 0 : index
    %get3A_12 = vector.load %arg2[%get3A_9, %get3A_10, %get3A_11] : memref<2x1000x1xf32, #tpu.memory_space<vmem>>, vector<1x1000x1xf32>
    %get3A_13 = vector.shape_cast %get3A_12 : vector<1x1000x1xf32> to vector<1000x1xf32>
    %get3A_14 = arith.constant 1 : index
    %get3A_15 = arith.constant 0 : index
    %get3A_16 = arith.constant 0 : index
    %get3A_17 = vector.load %arg2[%get3A_14, %get3A_15, %get3A_16] : memref<2x1000x1xf32, #tpu.memory_space<vmem>>, vector<1x1000x1xf32>
    %get3A_18 = vector.shape_cast %get3A_17 : vector<1x1000x1xf32> to vector<1000x1xf32>
    %add3A_19 = arith.addf %get3A_13, %get3A_18 : vector<1000x1xf32>
    %max3A = arith.constant 1.000000e+00 : f32
    %max3A_20 = vector.broadcast %max3A : f32 to vector<1000x1xf32>
    %max3A_21 = arith.maximumf %add3A_19, %max3A_20 : vector<1000x1xf32>
    %div3A = vector.broadcast %max3A_21 : vector<1000x1xf32> to vector<1000x128xf32>
    %div3A_22 = arith.divf %add3A, %div3A : vector<1000x128xf32>
    %get3A_23 = arith.constant 0 : index
    %get3A_24 = arith.constant 0 : index
    %get3A_25 = vector.load %arg4[%get3A_23, %get3A_24] : memref<144x128xf32, #tpu.memory_space<vmem>>, vector<128x128xf32>
    %dot_general3A = arith.constant dense<0.000000e+00> : vector<1000x128xf32>
    %dot_general3A_26 = tpu.matmul %div3A_22, %get3A_25, %dot_general3A {dimension_numbers = #tpu.dot_dimension_numbers<[1], [0], [0], [1], [0, 0, 1, 1], [], []>, transpose_lhs_hint = false} : vector<1000x128xf32>, vector<128x128xf32>, vector<1000x128xf32> -> vector<1000x128xf32>
    %get3A_27 = arith.constant 0 : index
    %get3A_28 = arith.constant 0 : index
    %get3A_29 = vector.load %arg3[%get3A_27, %get3A_28] : memref<1000x16xf32, #tpu.memory_space<vmem>>, vector<1000x16xf32>
    %get3A_30 = arith.constant 128 : index
    %get3A_31 = arith.constant 0 : index
    %get3A_32 = vector.load %arg4[%get3A_30, %get3A_31] : memref<144x128xf32, #tpu.memory_space<vmem>>, vector<16x128xf32>
    %dot_general3A_33 = arith.constant dense<0.000000e+00> : vector<1000x128xf32>
    %dot_general3A_34 = tpu.matmul %get3A_29, %get3A_32, %dot_general3A_33 {dimension_numbers = #tpu.dot_dimension_numbers<[1], [0], [0], [1], [0, 0, 1, 1], [], []>, transpose_lhs_hint = false} : vector<1000x16xf32>, vector<16x128xf32>, vector<1000x128xf32> -> vector<1000x128xf32>
    %add3A_35 = arith.addf %dot_general3A_26, %dot_general3A_34 : vector<1000x128xf32>
    %get3A_36 = arith.constant 0 : index
    %get3A_37 = arith.constant 0 : index
    %get3A_38 = vector.load %arg5[%get3A_36, %get3A_37] : memref<1x128xf32, #tpu.memory_space<vmem>>, vector<1x128xf32>
    %add3A_39 = vector.broadcast %get3A_38 : vector<1x128xf32> to vector<1000x128xf32>
    %add3A_40 = arith.addf %add3A_35, %add3A_39 : vector<1000x128xf32>
    %max3A_41 = arith.constant 0.000000e+00 : f32
    %max3A_42 = vector.broadcast %max3A_41 : f32 to vector<1000x128xf32>
    %max3A_43 = arith.maximumf %add3A_40, %max3A_42 : vector<1000x128xf32>
    %get3A_44 = arith.constant 0 : index
    %get3A_45 = arith.constant 0 : index
    %get3A_46 = vector.load %arg6[%get3A_44, %get3A_45] : memref<128x128xf32, #tpu.memory_space<vmem>>, vector<128x128xf32>
    %dot_general3A_47 = arith.constant dense<0.000000e+00> : vector<1000x128xf32>
    %dot_general3A_48 = tpu.matmul %max3A_43, %get3A_46, %dot_general3A_47 {dimension_numbers = #tpu.dot_dimension_numbers<[1], [0], [0], [1], [0, 0, 1, 1], [], []>, transpose_lhs_hint = false} : vector<1000x128xf32>, vector<128x128xf32>, vector<1000x128xf32> -> vector<1000x128xf32>
    %get3A_49 = arith.constant 0 : index
    %get3A_50 = arith.constant 0 : index
    %get3A_51 = vector.load %arg7[%get3A_49, %get3A_50] : memref<1x128xf32, #tpu.memory_space<vmem>>, vector<1x128xf32>
    %add3A_52 = vector.broadcast %get3A_51 : vector<1x128xf32> to vector<1000x128xf32>
    %add3A_53 = arith.addf %dot_general3A_48, %add3A_52 : vector<1000x128xf32>
    %swap3A = arith.constant 0 : index
    %swap3A_54 = arith.constant 0 : index
    %swap3A_55 = vector.load %arg8[%swap3A, %swap3A_54] : memref<1000x128xf32, #tpu.memory_space<vmem>>, vector<1000x128xf32>
    tpu.vector_store %arg8[%swap3A, %swap3A_54], %add3A_53 {strides = array<i32>} : memref<1000x128xf32, #tpu.memory_space<vmem>>, vector<1000x128xf32>,
    return
  }
  func.func @transform_0(%arg0: i32) -> (i32, i32, i32) {
    %c0_i32 = arith.constant 0 : i32
    %c0_i32_0 = arith.constant 0 : i32
    %c0_i32_1 = arith.constant 0 : i32
    return %c0_i32, %arg0, %c0_i32_0 : i32, i32, i32
  }
  func.func @transform_1(%arg0: i32) -> (i32, i32, i32) {
    %c0_i32 = arith.constant 0 : i32
    %c0_i32_0 = arith.constant 0 : i32
    %c0_i32_1 = arith.constant 0 : i32
    return %c0_i32, %arg0, %c0_i32_0 : i32, i32, i32
  }
  func.func @transform_2(%arg0: i32) -> (i32, i32) {
    %c0_i32 = arith.constant 0 : i32
    %c0_i32_0 = arith.constant 0 : i32
    return %arg0, %c0_i32 : i32, i32
  }
  func.func @transform_3(%arg0: i32) -> (i32, i32) {
    %c0_i32 = arith.constant 0 : i32
    %c0_i32_0 = arith.constant 0 : i32
    %c0_i32_1 = arith.constant 0 : i32
    return %c0_i32, %c0_i32_0 : i32, i32
  }
  func.func @transform_4(%arg0: i32) -> (i32, i32) {
    %c0_i32 = arith.constant 0 : i32
    %c0_i32_0 = arith.constant 0 : i32
    %c0_i32_1 = arith.constant 0 : i32
    return %c0_i32, %c0_i32_0 : i32, i32
  }
  func.func @transform_5(%arg0: i32) -> (i32, i32) {
    %c0_i32 = arith.constant 0 : i32
    %c0_i32_0 = arith.constant 0 : i32
    %c0_i32_1 = arith.constant 0 : i32
    return %c0_i32, %c0_i32_0 : i32, i32
  }
  func.func @transform_6(%arg0: i32) -> (i32, i32) {
    %c0_i32 = arith.constant 0 : i32
    %c0_i32_0 = arith.constant 0 : i32
    %c0_i32_1 = arith.constant 0 : i32
    return %c0_i32, %c0_i32_0 : i32, i32
  }
  func.func @transform_7(%arg0: i32) -> (i32, i32) {
    %c0_i32 = arith.constant 0 : i32
    %c0_i32_0 = arith.constant 0 : i32
    return %arg0, %c0_i32 : i32, i32
  }
}

module attributes {stable_mosaic.version = 14 : i64} {
  func.func @_node_mlp_body(%arg0: i32, %arg1: memref<2x1000x128xf32, #tpu.memory_space<vmem>>, %arg2: memref<2x1000x1xf32, #tpu.memory_space<vmem>>, %arg3: memref<1000x128xf32, #tpu.memory_space<vmem>>, %arg4: memref<128x128xf32, #tpu.memory_space<vmem>>, %arg5: memref<1x128xf32, #tpu.memory_space<vmem>>, %arg6: memref<128x128xf32, #tpu.memory_space<vmem>>, %arg7: memref<1x128xf32, #tpu.memory_space<vmem>>, %arg8: memref<128x128xf32, #tpu.memory_space<vmem>>, %arg9: memref<1x128xf32, #tpu.memory_space<vmem>>, %arg10: memref<1x128xf32, #tpu.memory_space<vmem>>, %arg11: memref<1x128xf32, #tpu.memory_space<vmem>>, %arg12: memref<1000x128xf32, #tpu.memory_space<vmem>>) attributes {dimension_semantics = [#tpu.dimension_semantics<arbitrary>], iteration_bounds = array<i64: 10>, scalar_prefetch = 0 : i64, scratch_operands = 0 : i64, tpu.core_type = #tpu.core_type<tc>, window_params = [{transform_indices = @transform_0, window_bounds = array<i64: 2, 1000, 128>}, {transform_indices = @transform_1, window_bounds = array<i64: 2, 1000, 1>}, {transform_indices = @transform_2, window_bounds = array<i64: 1000, 128>}, {pipeline_mode = #tpu.pipeline_mode<synchronous>, transform_indices = @transform_3, window_bounds = array<i64: 128, 128>}, {pipeline_mode = #tpu.pipeline_mode<synchronous>, transform_indices = @transform_4, window_bounds = array<i64: 1, 128>}, {pipeline_mode = #tpu.pipeline_mode<synchronous>, transform_indices = @transform_5, window_bounds = array<i64: 128, 128>}, {pipeline_mode = #tpu.pipeline_mode<synchronous>, transform_indices = @transform_6, window_bounds = array<i64: 1, 128>}, {pipeline_mode = #tpu.pipeline_mode<synchronous>, transform_indices = @transform_7, window_bounds = array<i64: 128, 128>}, {pipeline_mode = #tpu.pipeline_mode<synchronous>, transform_indices = @transform_8, window_bounds = array<i64: 1, 128>}, {pipeline_mode = #tpu.pipeline_mode<synchronous>, transform_indices = @transform_9, window_bounds = array<i64: 1, 128>}, {pipeline_mode = #tpu.pipeline_mode<synchronous>, transform_indices = @transform_10, window_bounds = array<i64: 1, 128>}, {transform_indices = @transform_11, window_bounds = array<i64: 1000, 128>}]} {
    %get3A = arith.constant 0 : index
    %get3A_0 = arith.constant 0 : index
    %get3A_1 = arith.constant 0 : index
    %get3A_2 = vector.load %arg1[%get3A, %get3A_0, %get3A_1] : memref<2x1000x128xf32, #tpu.memory_space<vmem>>, vector<1x1000x128xf32>
    %get3A_3 = vector.shape_cast %get3A_2 : vector<1x1000x128xf32> to vector<1000x128xf32>
    %get3A_4 = arith.constant 1 : index
    %get3A_5 = arith.constant 0 : index
    %get3A_6 = arith.constant 0 : index
    %get3A_7 = vector.load %arg1[%get3A_4, %get3A_5, %get3A_6] : memref<2x1000x128xf32, #tpu.memory_space<vmem>>, vector<1x1000x128xf32>
    %get3A_8 = vector.shape_cast %get3A_7 : vector<1x1000x128xf32> to vector<1000x128xf32>
    %add3A = arith.addf %get3A_3, %get3A_8 : vector<1000x128xf32>
    %get3A_9 = arith.constant 0 : index
    %get3A_10 = arith.constant 0 : index
    %get3A_11 = arith.constant 0 : index
    %get3A_12 = vector.load %arg2[%get3A_9, %get3A_10, %get3A_11] : memref<2x1000x1xf32, #tpu.memory_space<vmem>>, vector<1x1000x1xf32>
    %get3A_13 = vector.shape_cast %get3A_12 : vector<1x1000x1xf32> to vector<1000x1xf32>
    %get3A_14 = arith.constant 1 : index
    %get3A_15 = arith.constant 0 : index
    %get3A_16 = arith.constant 0 : index
    %get3A_17 = vector.load %arg2[%get3A_14, %get3A_15, %get3A_16] : memref<2x1000x1xf32, #tpu.memory_space<vmem>>, vector<1x1000x1xf32>
    %get3A_18 = vector.shape_cast %get3A_17 : vector<1x1000x1xf32> to vector<1000x1xf32>
    %add3A_19 = arith.addf %get3A_13, %get3A_18 : vector<1000x1xf32>
    %max3A = arith.constant 1.000000e+00 : f32
    %max3A_20 = vector.broadcast %max3A : f32 to vector<1000x1xf32>
    %max3A_21 = arith.maximumf %add3A_19, %max3A_20 : vector<1000x1xf32>
    %div3A = vector.broadcast %max3A_21 : vector<1000x1xf32> to vector<1000x128xf32>
    %div3A_22 = arith.divf %add3A, %div3A : vector<1000x128xf32>
    %get3A_23 = arith.constant 0 : index
    %get3A_24 = arith.constant 0 : index
    %get3A_25 = vector.load %arg6[%get3A_23, %get3A_24] : memref<128x128xf32, #tpu.memory_space<vmem>>, vector<128x128xf32>
    %dot_general3A = arith.constant dense<0.000000e+00> : vector<1000x128xf32>
    %dot_general3A_26 = tpu.matmul %div3A_22, %get3A_25, %dot_general3A {dimension_numbers = #tpu.dot_dimension_numbers<[1], [0], [0], [1], [0, 0, 1, 1], [], []>, transpose_lhs_hint = false} : vector<1000x128xf32>, vector<128x128xf32>, vector<1000x128xf32> -> vector<1000x128xf32>
    %get3A_27 = arith.constant 0 : index
    %get3A_28 = arith.constant 0 : index
    %get3A_29 = vector.load %arg7[%get3A_27, %get3A_28] : memref<1x128xf32, #tpu.memory_space<vmem>>, vector<1x128xf32>
    %add3A_30 = vector.broadcast %get3A_29 : vector<1x128xf32> to vector<1000x128xf32>
    %add3A_31 = arith.addf %dot_general3A_26, %add3A_30 : vector<1000x128xf32>
    %max3A_32 = arith.constant 0.000000e+00 : f32
    %max3A_33 = vector.broadcast %max3A_32 : f32 to vector<1000x128xf32>
    %max3A_34 = arith.maximumf %add3A_31, %max3A_33 : vector<1000x128xf32>
    %get3A_35 = arith.constant 0 : index
    %get3A_36 = arith.constant 0 : index
    %get3A_37 = vector.load %arg8[%get3A_35, %get3A_36] : memref<128x128xf32, #tpu.memory_space<vmem>>, vector<128x128xf32>
    %dot_general3A_38 = arith.constant dense<0.000000e+00> : vector<1000x128xf32>
    %dot_general3A_39 = tpu.matmul %max3A_34, %get3A_37, %dot_general3A_38 {dimension_numbers = #tpu.dot_dimension_numbers<[1], [0], [0], [1], [0, 0, 1, 1], [], []>, transpose_lhs_hint = false} : vector<1000x128xf32>, vector<128x128xf32>, vector<1000x128xf32> -> vector<1000x128xf32>
    %get3A_40 = arith.constant 0 : index
    %get3A_41 = arith.constant 0 : index
    %get3A_42 = vector.load %arg9[%get3A_40, %get3A_41] : memref<1x128xf32, #tpu.memory_space<vmem>>, vector<1x128xf32>
    %add3A_43 = vector.broadcast %get3A_42 : vector<1x128xf32> to vector<1000x128xf32>
    %add3A_44 = arith.addf %dot_general3A_39, %add3A_43 : vector<1000x128xf32>
    %get3A_45 = arith.constant 0 : index
    %get3A_46 = arith.constant 0 : index
    %get3A_47 = vector.load %arg3[%get3A_45, %get3A_46] : memref<1000x128xf32, #tpu.memory_space<vmem>>, vector<1000x128xf32>
    %get3A_48 = arith.constant 0 : index
    %get3A_49 = arith.constant 0 : index
    %get3A_50 = vector.load %arg4[%get3A_48, %get3A_49] : memref<128x128xf32, #tpu.memory_space<vmem>>, vector<128x128xf32>
    %dot_general3A_51 = arith.constant dense<0.000000e+00> : vector<1000x128xf32>
    %dot_general3A_52 = tpu.matmul %get3A_47, %get3A_50, %dot_general3A_51 {dimension_numbers = #tpu.dot_dimension_numbers<[1], [0], [0], [1], [0, 0, 1, 1], [], []>, transpose_lhs_hint = false} : vector<1000x128xf32>, vector<128x128xf32>, vector<1000x128xf32> -> vector<1000x128xf32>
    %get3A_53 = arith.constant 0 : index
    %get3A_54 = arith.constant 0 : index
    %get3A_55 = vector.load %arg5[%get3A_53, %get3A_54] : memref<1x128xf32, #tpu.memory_space<vmem>>, vector<1x128xf32>
    %add3A_56 = vector.broadcast %get3A_55 : vector<1x128xf32> to vector<1000x128xf32>
    %add3A_57 = arith.addf %dot_general3A_52, %add3A_56 : vector<1000x128xf32>
    %add3A_58 = arith.addf %add3A_57, %add3A_44 : vector<1000x128xf32>
    %max3A_59 = arith.constant 0.000000e+00 : f32
    %max3A_60 = vector.broadcast %max3A_59 : f32 to vector<1000x128xf32>
    %max3A_61 = arith.maximumf %add3A_58, %max3A_60 : vector<1000x128xf32>
    %reduce_sum3A = arith.constant dense<0.000000e+00> : vector<1000xf32>
    %reduce_sum3A_62 = vector.multi_reduction <add>, %max3A_61, %reduce_sum3A [1] : vector<1000x128xf32> to vector<1000xf32>
    %broadcast_in_dim3A = vector.shape_cast %reduce_sum3A_62 : vector<1000xf32> to vector<1000x1xf32>
    %div3A_63 = arith.constant 1.280000e+02 : f32
    %div3A_64 = vector.broadcast %div3A_63 : f32 to vector<1000x1xf32>
    %div3A_65 = arith.divf %broadcast_in_dim3A, %div3A_64 : vector<1000x1xf32>
    %sub3A = vector.broadcast %div3A_65 : vector<1000x1xf32> to vector<1000x128xf32>
    %sub3A_66 = arith.subf %max3A_61, %sub3A : vector<1000x128xf32>
    %mul3A = arith.mulf %sub3A_66, %sub3A_66 : vector<1000x128xf32>
    %reduce_sum3A_67 = arith.constant dense<0.000000e+00> : vector<1000xf32>
    %reduce_sum3A_68 = vector.multi_reduction <add>, %mul3A, %reduce_sum3A_67 [1] : vector<1000x128xf32> to vector<1000xf32>
    %broadcast_in_dim3A_69 = vector.shape_cast %reduce_sum3A_68 : vector<1000xf32> to vector<1000x1xf32>
    %div3A_70 = arith.constant 1.280000e+02 : f32
    %div3A_71 = vector.broadcast %div3A_70 : f32 to vector<1000x1xf32>
    %div3A_72 = arith.divf %broadcast_in_dim3A_69, %div3A_71 : vector<1000x1xf32>
    %add3A_73 = arith.constant 9.99999974E-6 : f32
    %add3A_74 = vector.broadcast %add3A_73 : f32 to vector<1000x1xf32>
    %add3A_75 = arith.addf %div3A_72, %add3A_74 : vector<1000x1xf32>
    %rsqrt3A = math.rsqrt %add3A_75 : vector<1000x1xf32>
    %mul3A_76 = vector.broadcast %rsqrt3A : vector<1000x1xf32> to vector<1000x128xf32>
    %mul3A_77 = arith.mulf %sub3A_66, %mul3A_76 : vector<1000x128xf32>
    %get3A_78 = arith.constant 0 : index
    %get3A_79 = arith.constant 0 : index
    %get3A_80 = vector.load %arg10[%get3A_78, %get3A_79] : memref<1x128xf32, #tpu.memory_space<vmem>>, vector<1x128xf32>
    %mul3A_81 = vector.broadcast %get3A_80 : vector<1x128xf32> to vector<1000x128xf32>
    %mul3A_82 = arith.mulf %mul3A_77, %mul3A_81 : vector<1000x128xf32>
    %get3A_83 = arith.constant 0 : index
    %get3A_84 = arith.constant 0 : index
    %get3A_85 = vector.load %arg11[%get3A_83, %get3A_84] : memref<1x128xf32, #tpu.memory_space<vmem>>, vector<1x128xf32>
    %add3A_86 = vector.broadcast %get3A_85 : vector<1x128xf32> to vector<1000x128xf32>
    %add3A_87 = arith.addf %mul3A_82, %add3A_86 : vector<1000x128xf32>
    %swap3A = arith.constant 0 : index
    %swap3A_88 = arith.constant 0 : index
    %swap3A_89 = vector.load %arg12[%swap3A, %swap3A_88] : memref<1000x128xf32, #tpu.memory_space<vmem>>, vector<1000x128xf32>
    tpu.vector_store %arg12[%swap3A, %swap3A_88], %add3A_87 {strides = array<i32>} : memref<1000x128xf32, #tpu.memory_space<vmem>>, vector<1000x128xf32>,
    return
  }
  func.func @transform_0(%arg0: i32) -> (i32, i32, i32) {
    %c0_i32 = arith.constant 0 : i32
    %c0_i32_0 = arith.constant 0 : i32
    %c0_i32_1 = arith.constant 0 : i32
    return %c0_i32, %arg0, %c0_i32_0 : i32, i32, i32
  }
  func.func @transform_1(%arg0: i32) -> (i32, i32, i32) {
    %c0_i32 = arith.constant 0 : i32
    %c0_i32_0 = arith.constant 0 : i32
    %c0_i32_1 = arith.constant 0 : i32
    return %c0_i32, %arg0, %c0_i32_0 : i32, i32, i32
  }
  func.func @transform_2(%arg0: i32) -> (i32, i32) {
    %c0_i32 = arith.constant 0 : i32
    %c0_i32_0 = arith.constant 0 : i32
    return %arg0, %c0_i32 : i32, i32
  }
  func.func @transform_3(%arg0: i32) -> (i32, i32) {
    %c0_i32 = arith.constant 0 : i32
    %c0_i32_0 = arith.constant 0 : i32
    %c0_i32_1 = arith.constant 0 : i32
    return %c0_i32, %c0_i32_0 : i32, i32
  }
  func.func @transform_4(%arg0: i32) -> (i32, i32) {
    %c0_i32 = arith.constant 0 : i32
    %c0_i32_0 = arith.constant 0 : i32
    %c0_i32_1 = arith.constant 0 : i32
    return %c0_i32, %c0_i32_0 : i32, i32
  }
  func.func @transform_5(%arg0: i32) -> (i32, i32) {
    %c0_i32 = arith.constant 0 : i32
    %c0_i32_0 = arith.constant 0 : i32
    %c0_i32_1 = arith.constant 0 : i32
    return %c0_i32, %c0_i32_0 : i32, i32
  }
  func.func @transform_6(%arg0: i32) -> (i32, i32) {
    %c0_i32 = arith.constant 0 : i32
    %c0_i32_0 = arith.constant 0 : i32
    %c0_i32_1 = arith.constant 0 : i32
    return %c0_i32, %c0_i32_0 : i32, i32
  }
  func.func @transform_7(%arg0: i32) -> (i32, i32) {
    %c0_i32 = arith.constant 0 : i32
    %c0_i32_0 = arith.constant 0 : i32
    %c0_i32_1 = arith.constant 0 : i32
    return %c0_i32, %c0_i32_0 : i32, i32
  }
  func.func @transform_8(%arg0: i32) -> (i32, i32) {
    %c0_i32 = arith.constant 0 : i32
    %c0_i32_0 = arith.constant 0 : i32
    %c0_i32_1 = arith.constant 0 : i32
    return %c0_i32, %c0_i32_0 : i32, i32
  }
  func.func @transform_9(%arg0: i32) -> (i32, i32) {
    %c0_i32 = arith.constant 0 : i32
    %c0_i32_0 = arith.constant 0 : i32
    %c0_i32_1 = arith.constant 0 : i32
    return %c0_i32, %c0_i32_0 : i32, i32
  }
  func.func @transform_10(%arg0: i32) -> (i32, i32) {
    %c0_i32 = arith.constant 0 : i32
    %c0_i32_0 = arith.constant 0 : i32
    %c0_i32_1 = arith.constant 0 : i32
    return %c0_i32, %c0_i32_0 : i32, i32
  }
  func.func @transform_11(%arg0: i32) -> (i32, i32) {
    %c0_i32 = arith.constant 0 : i32
    %c0_i32_0 = arith.constant 0 : i32
    return %arg0, %c0_i32 : i32, i32
  }
}

</mosaic_0001>

<sc_bundles>
// kernel: kernel.6.cloned.1.call-start
scs
__scs_entry_jumppad:
0x0: {  	(pc) =	sbr.rel $0x88, $3  }
0x1: {  	(tag) =	ssettag $0x0;
	lr =	simm.s32 $0x1  }
0x2: {  	[smem:$0x3F92] =	sst lr;
	_ =	strace $0xD0000000  }
0x3: {  	_ = 	snop  }
0x4: {  	_ = 	snop  }
0x5: {  	_ = 	snop  }
0x6: {  	_ = 	snop  }
0x7: {  	_ = 	snop  }
__scs_overlays_trampoline_lowered:
0x8: {  	[smem:$0x3FA1] =	sst s0  }
0x9: {  	[smem:$0x3FA2] =	sst s1  }
0xa: {  	[smem:$0x3FA3] =	sst s2  }
0xb: {  	[smem:$0x3FA4] =	sst s3  }
0xc: {  	[smem:$0x3FA5] =	sst s4  }
0xd: {  	[smem:$0x3FA6] =	sst s5  }
0xe: {  	[smem:$0x3FA7] =	sst s6  }
0xf: {  	[smem:$0x3FA8] =	sst s7  }
0x10: {  	[smem:$0x3FA9] =	sst s8  }
0x11: {  	[smem:$0x3FAA] =	sst s9;
	s0 =	simm.s32 @!p0 $0x0  }
0x12: {  	s1 =	sld [smem:$0x3F90];
	s0 =	simm.s32 @p0 $0x1  }
0x13: {  	[smem:$0x3FAB] =	sst s0;
	s0 =	simm.s32 @!p1 $0x0  }
0x14: {  	s2 =	sld [smem:$0x3F8F];
	s0 =	simm.s32 @p1 $0x1  }
0x15: {  	[smem:$0x3FAC] =	sst s0;
	s0 =	simm.s32 @!p2 $0x0  }
0x16: {  	s3 =	sld [smem:$0x3FDB];
	s0 =	simm.s32 @p2 $0x1  }
0x17: {  	s4 =	simm.s32 $0x1BF5;
	[smem:$0x3FAE] =	sst s0  }
0x18: {  	s0 =	sld [smem:$0x3F91];
	_ =	swait.ge [sflag:s4], $0x0  }
0x19: {  	s7 =	sld [smem:$0x3F92]  }
0x1a: {  	s8 =	sadd.s32 $0xFFFFE003, lr  }
0x1b: {  	s9 =	sadd.s32 $0xFFFFFEF7, lr;
	s5 =	simm.s32 $0xFFFFFFFF;
	p2 =	slt.u32 s8, $0xFFFFF086  }
0x1c: {  	p1 =	slt.u32 s9, $0xF7A;
	s5 =	simm.s32 @!p2 $0x0  }
0x1d: {  	s5 =	simm.s32 @p1 $0x1;
	p0 =	seq.s32 s7, s2  }
0x1e: {  	s7 =	smul.u32 @!p0 $0xF7A, s2;
	p2 =	seq.s32 @!p0 s5, $0x0  }
0x1f: {  	s9 =	smul.u32 $0xF7A, s1;
	s8 =	simm.s32 @!p0 $0x1BF5;
	p2 =	por !p2, p0  }
0x20: {  	[sflag:s8] =	ssyncset.s32 @!p0 $0xFFFFF086;
	s6 =	sadd.s32 @!p0 s3, s7;
	s7 =	simm.s32 @!p0 $0x108  }
0x21: {  	s3 =	sadd.s32 s3, s9;
	s6 =	sadd.s32 @!p0 $0x88, s6;
	s7 =	simm.s32 @p2 $0x1082  }
0x22: {  	[simem:s7], [sflag:s8] =	dma.local @!p0 [hbm:s6], $0xF7A  }
0x23: {  	s9 =	sor.u32 $0xD0000000, s2;
	s6 =	simm.s32 $0x108;
	_ =	swait.ge @!p0 [sflag:s8], $0x0  }
0x24: {  	s3 =	sadd.s32 $0x88, s3;
	s6 =	simm.s32 @!p1 $0x1082;
	[sflag:s4] =	ssyncset.s32 $0xFFFFF086  }
0x25: {  	[simem:s6], [sflag:s4] =	dma.local [hbm:s3], $0xF7A  }
0x26: {  	[smem:$0x3F92] =	sst s1;
	(tag) =	ssettag s2;
	_ =	strace s9  }
0x27: {  	s1 =	sld [smem:$0x3FA2]  }
0x28: {  	s2 =	sld [smem:$0x3FA3]  }
0x29: {  	s4 =	sld [smem:$0x3FA5]  }
0x2a: {  	p0 =	seq.s32 s5, $0x0;
	s5 =	sld [smem:$0x3FA6]  }
0x2b: {  	s6 =	sld [smem:$0x3FA7]  }
0x2c: {  	s7 =	sld [smem:$0x3FA8]  }
0x2d: {  	s3 =	simm.s32 $0x108;
	s8 =	sld [smem:$0x3FA9]  }
0x2e: {  	s3 =	simm.s32 @!p0 $0x1082;
	s9 =	sld [smem:$0x3FAA]  }
0x2f: {  	lr =	sadd.s32 s0, s3;
	s0 =	sld [smem:$0x3FA1]  }
0x30: {  	s3 =	sld [smem:$0x3FA4]  }
0x31: {  	[smem:$0x3FAD] =	sst s10  }
0x32: {  	s10 =	sld [smem:$0x3FAB];
	_ =	sdelay $0x3  }
0x33: {  	p0 =	seq.s32 s10, $0x1;
	s10 =	sld [smem:$0x3FAD];
	_ =	sdelay $0x3  }
0x34: {  	[smem:$0x3FAD] =	sst s10  }
0x35: {  	s10 =	sld [smem:$0x3FAC];
	_ =	sdelay $0x3  }
0x36: {  	p1 =	seq.s32 s10, $0x1;
	s10 =	sld [smem:$0x3FAD];
	_ =	sdelay $0x3  }
0x37: {  	[smem:$0x3FAD] =	sst s10  }
0x38: {  	s10 =	sld [smem:$0x3FAE]  }
0x39: {  	_ = 	snop;
	(pc) =	sbr.ind lr, $3  }
0x3a: {  	_ = 	snop  }
0x3b: {  	_ = 	snop  }
0x3c: {  	p2 =	seq.s32 s10, $0x1;
	s10 =	sld [smem:$0x3FAD]  }
0x3d: {  	_ =	shalt  }
0x3e: {  	_ =	shalt  }
0x3f: {  	_ =	shalt  }
0x40: {  	_ =	shalt  }
0x41: {  	_ =	shalt  }
0x42: {  	_ =	shalt  }
0x43: {  	_ =	shalt  }
0x44: {  	_ =	shalt  }
0x45: {  	_ =	shalt  }
0x46: {  	_ =	shalt  }
0x47: {  	_ =	shalt  }
0x48: {  	_ =	shalt  }
0x49: {  	_ =	shalt  }
0x4a: {  	_ =	shalt  }
0x4b: {  	_ =	shalt  }
0x4c: {  	_ =	shalt  }
0x4d: {  	_ =	shalt  }
0x4e: {  	_ =	shalt  }
0x4f: {  	_ =	shalt  }
0x50: {  	_ =	shalt  }
0x51: {  	_ =	shalt  }
0x52: {  	_ =	shalt  }
0x53: {  	_ =	shalt  }
0x54: {  	_ =	shalt  }
0x55: {  	_ =	shalt  }
0x56: {  	_ =	shalt  }
0x57: {  	_ =	shalt  }
0x58: {  	_ =	shalt  }
0x59: {  	_ =	shalt  }
0x5a: {  	_ =	shalt  }
0x5b: {  	_ =	shalt  }
0x5c: {  	_ =	shalt  }
0x5d: {  	_ =	shalt  }
0x5e: {  	_ =	shalt  }
0x5f: {  	_ =	shalt  }
0x60: {  	_ =	shalt  }
0x61: {  	_ =	shalt  }
0x62: {  	_ =	shalt  }
0x63: {  	_ =	shalt  }
0x64: {  	_ =	shalt  }
0x65: {  	_ =	shalt  }
0x66: {  	_ =	shalt  }
0x67: {  	_ =	shalt  }
0x68: {  	_ =	shalt  }
0x69: {  	_ =	shalt  }
0x6a: {  	_ =	shalt  }
0x6b: {  	_ =	shalt  }
0x6c: {  	_ =	shalt  }
0x6d: {  	_ =	shalt  }
0x6e: {  	_ =	shalt  }
0x6f: {  	_ =	shalt  }
0x70: {  	_ =	shalt  }
0x71: {  	_ =	shalt  }
0x72: {  	_ =	shalt  }
0x73: {  	_ =	shalt  }
0x74: {  	_ =	shalt  }
0x75: {  	_ =	shalt  }
0x76: {  	_ =	shalt  }
0x77: {  	_ =	shalt  }
0x78: {  	_ =	shalt  }
0x79: {  	_ =	shalt  }
0x7a: {  	_ =	shalt  }
0x7b: {  	_ =	shalt  }
0x7c: {  	_ =	shalt  }
0x7d: {  	_ =	shalt  }
0x7e: {  	_ =	shalt  }
0x7f: {  	_ =	shalt  }
0x80: {  	_ =	shalt  }
0x81: {  	_ =	shalt  }
0x82: {  	_ =	shalt  }
0x83: {  	_ =	shalt  }
0x84: {  	_ =	shalt  }
0x85: {  	_ =	shalt  }
0x86: {  	_ =	shalt  }
0x87: {  	_ =	shalt  }
.Lfunc_end0:
.L_simem_size_0:
called_computation_lowered:
.L_overlay_start_0:
0x88: {  	s2 =	sld [smem:$0x3FD9]  }
0x89: {  	s3 =	sld [smem:$0x3FFE];
	_ =	sdelay $0x1  }
0x8a: {  	s1 =	srdreg.scid  }
0x8b: {  	s0 =	sand.u32 $0x1, s1  }
0x8c: {  	s17 =	sshll.u32 s0, $0xA;
	s2 =	sadd.s32 s3, s2  }
0x8d: {  	s2 =	sadd.s32 s2, s17  }
0x8e: {  	[smem:$0x3FB9] =	sst s2  }
0x8f: {  	_ = 	snop  }
0x90: {  	s2 =	sld [smem:$0x3FC9]  }
0x91: {  	s18 =	sld [smem:$0x3FD0];
	(tm) =	ssettm $0x1  }
0x92: {  	s4 =	sld [smem:$0x3FFB];
	_ =	sdelay $0x3  }
0x93: {  	_ =	strace s4  }
0x94: {  	s4 =	sld [smem:$0x3FFC];
	_ =	sdelay $0x3  }
0x95: {  	_ =	strace s4  }
0x96: {  	s4 =	sld [smem:$0x3FFD];
	_ =	sdelay $0x3  }
0x97: {  	_ =	strace s4  }
0x98: {  	_ =	strace $0x8FFFFFFF  }
0x99: {  	s19 =	sld [smem:$0x3FDB];
	_ =	sdelay $0x1  }
0x9a: {  	s5 =	simm.s32 $_scs_section_size  }
0x9b: {  	s6 =	simm.s32 $_size__tile_overlayer_lowered;
	s7 =	simm.s32 $_tile_overlayer_lowered  }
0x9c: {  	s22 =	simm.s32 $0x1BFF;
	s21 =	sshll.u32 s7, $0x1;
	s4 =	sadd.s32 s5, s19  }
0x9d: {  	s8 =	simm.s32 $0x0;
	s20 =	sshll.u32 s6, $0x1;
	s6 =	sadd.s32 s21, s4  }
0x9e: {  	[timem:s8], [sflag:s22] =	dma.local [hbm:s6], s20  }
0x9f: {  	_ =	swait.ge [sflag:s22], s20  }
0xa0: {  	s5 =	ssub.s32 $0x0, s20;
	[sflag:s22] =	ssyncset.done $0x0  }
0xa1: {  	[sflag:s22] =	ssyncadd.s32 s5;
	_ =	sdelay $0x1  }
0xa2: {  	s23 =	simm.s32 $0x1B8B  }
0xa3: {  	_ =	swait.ge [sflag:s23], $0x1  }
0xa4: {  	[sflag:s23] =	ssyncset.done $0x0  }
0xa5: {  	s25 =	simm.s32 $0x1B8E;
	s24 =	sld [smem:$0x3FFE];
	[sflag:s23] =	ssyncadd.s32 $0xFFFFFFFF  }
0xa6: {  	s26 =	simm.s32 $execute0_lowered;
	[smem:$0x3FD2] =	sst s25  }
0xa7: {  	s6 =	sshll.u32 s26, $0x1;
	_ =	strace $0x80000046;
	[dreg:$0x1] =	wrdreg $0xFFFFFFFF  }
0xa8: {  	s28 =	simm.s32 $_size_execute0_lowered;
	s4 =	sadd.s32 s4, s6;
	[dreg:$0x0] =	wrdreg $0x0  }
0xa9: {  	s6 =	sshll.u32 s28, $0x1;
	[dreg:$0x2] =	wrdreg s4  }
0xaa: {  	[dreg:$0x3] =	wrdreg s6  }
0xab: {  	[dreg:$0x4] =	wrdreg $0xC0  }
0xac: {  	_ =	task [dreg:s8], $0x5FFFF  }
0xad: {  	[dreg:$0x1] =	wrdreg $0xFFFFFFFF  }
0xae: {  	[dreg:$0x0] =	wrdreg $0x60  }
0xaf: {  	[dreg:$0x2] =	wrdreg s2  }
0xb0: {  	[dreg:$0x3] =	wrdreg s18  }
0xb1: {  	[dreg:$0x4] =	wrdreg s24  }
0xb2: {  	[dreg:$0x5] =	wrdreg $0x0  }
0xb3: {  	[dreg:$0x6] =	wrdreg $0x140000  }
0xb4: {  	[dreg:$0x7] =	wrdreg $0x9  }
0xb5: {  	_ =	task.clear_ibuf [dreg:s8], $0x8FFFF;
	_ =	strace $0x90000046  }
0xb6: {  	s29 =	simm.s32 $0x9;
	_ =	strace $0x80000048  }
0xb7: {  	_ =	swait.ge [sflag:s29], $0x1  }
0xb8: {  	[sflag:s29] =	ssyncadd.s32 $0xFFFFFFFF  }
0xb9: {  	_ =	strace $0x90000048  }
0xba: {  	_ =	sfence  }
0xbb: {  	s30 =	sld [smem:$0x0];
	_ =	sdelay $0x2  }
0xbc: {  	s31 =	sshll.u32 s1, $0xD;
	s1 =	sshrl.u32 s1, $0x2  }
0xbd: {  	s3 =	sand.u32 $0x4000, s31;
	s1 =	sadd.s32 s1, s30  }
0xbe: {  	s0 =	sor.u32 s3, s0;
	s1 =	sshll.u32 s1, $0x11  }
0xbf: {  	s0 =	sor.u32 s1, s0  }
0xc0: {  	s0 =	sadd.s32 $0x8F2B, s0  }
0xc1: {  	[sflag:s0] =	ssyncadd.remote.s32 $0x1  }
0xc2: {  	_ =	sfence.sel $0xFFFF  }
0xc3: {  	[dreg:$0x0] =	wrdreg $0xFFFFFFFF;
	(pc) =	sbr.abs _section_cstart, $3  }
0xc4: {  	[dreg:$0x1] =	wrdreg $0xFFFFFFFF  }
0xc5: {  	_ =	task.clear_ibuf [dreg:s8], $0x2FFFF;
	_ =	strace $0x9FFFFFFF  }
0xc6: {  	(tm) =	ssettm $0x7FFFFFFF  }
0xc7: {  	_ =	shalt  }
tec
execute0_lowered:
.L_overlay_start_1:
0x0: {  	(tag) =	ssettag $0x1  }
0x1: {  	s1 =	rddreg [dreg:$0x0]  }
0x2: {  	s2 =	rddreg [dreg:$0x1]  }
0x3: {  	s0 =	rddreg [dreg:$0x2]  }
0x4: {  	s3 =	rddreg [dreg:$0x3]  }
0x5: {  	s4 =	rddreg [dreg:$0x4];
	s5 =	srdreg.scid  }
0x6: {  	s6 =	simm.s32 $0x0;
	s15 =	stileid.u32;
	s18 =	simm.s32 $0x4  }
0x7: {  	s28 =	simm.s32 $0x1F280;
	s29 =	simm.s32 $0x2;
	s9 =	smul.u32 $0x14000, s15  }
0x8: {  	s5 =	sand.u32 $0x1, s5;
	[smem:$0x7FF] =	sst s6;
	s10 =	smul.u32 $0x500, s15  }
0x9: {  	s7 =	sadd.s32 $0x3400, s0;
	s20 =	sadd.s32 $0xF400, s0;
	s23 =	smul.u32 $0x50000, s15  }
0xa: {  	s21 =	sadd.s32 $0x11C00, s0;
	s24 =	smul.u32 $0xA00, s15;
	s25 =	sshll.u32 s15, $0x6  }
0xb: {  	s8 =	smul.u32 $0x140000, s5;
	_ =	strace $0x80000047;
	[dreg:$0x6] =	wrdreg s20  }
0xc: {  	s11 =	sshll.u32 s5, $0x7;
	[dreg:$0x7] =	wrdreg s21;
	s22 =	sshll.u32 s5, $0x4  }
0xd: {  	s5 =	ssub.s32 $0x2, s5;
	s20 =	simm.s32 $0x14280;
	s10 =	sor.u32 s11, s10  }
0xe: {  	s13 =	sshrl.u32 s5, $0x1;
	s11 =	sshrl.u32 s23, $0x2;
	s9 =	sadd.s32 s9, s8  }
0xf: {  	s10 =	sshrl.u32 s10, $0x3;
	s5 =	ssub.s32 s5, s13;
	s12 =	sshrl.u32 s9, $0x3  }
0x10: {  	s14 =	sadd.s32 s12, s0;
	s0 =	sadd.s32 s10, s0;
	s10 =	sor.u32 s15, s22  }
0x11: {  	s17 =	sadd.s32 s11, s3;
	s11 =	sor.u32 $0x1C04, s25;
	s10 =	smul.u32 $0x3000, s10  }
0x12: {  	s16 =	smax.u32 s5, $0x1;
	s17 =	sshrl.u32 s17, $0x3;
	s12 =	sshrl.u32 s24, $0x2  }
0x13: {  	s22 =	simm.s32 $0x70;
	s19 =	sadd.s32 s12, s4;
	s26 =	sshrl.u32 s10, $0x3  }
0x14: {  	s14 =	sadd.s32 $0x12800, s14;
	s15 =	sadd.s32 $0x11E00, s0;
	s30 =	sadd.s32 s2, s26  }
0x15: {  	s0 =	simm.s32 $0x0;
	s31 =	sadd.s32 s7, s26;
	[dreg:$0x8] =	wrdreg s30  }
0x16: {  	v0 =	vimm.f32 $1.000000000e+00;
	s19 =	sshrl.u32 s19, $0x3;
	s26 =	simm.s32 $0x1;
	[dreg:$0x9] =	wrdreg s31  }
.LBB2_1:
0x17: {  	s5 =	rddreg [dreg:$0x6]  }
0x18: {  	[spmem:s17], [sflag:s11] =	dma.local [hbm:s5], $0x2800  }
0x19: {  	_ =	swait.ge [sflag:s18], $0x2800  }
0x1a: {  	[sflag:s18] =	ssyncset.done $0x0  }
0x1b: {  	s21 =	rddreg [dreg:$0x7];
	[sflag:s18] =	ssyncadd.s32 $0xFFFFD800  }
0x1c: {  	[spmem:s19], [sflag:s11] =	dma.local [hbm:s21], $0x50  }
0x1d: {  	_ =	swait.ge [sflag:s18], $0x50  }
0x1e: {  	[sflag:s18] =	ssyncset.done $0x0  }
0x1f: {  	[sflag:s18] =	ssyncadd.s32 $0xFFFFFFB0  }
0x20: {  	[tilespmem:$0x1F280] =	vst v0  }
0x21: {  	[tilespmem:$0x1F290] =	vst v0  }
0x22: {  	[tilespmem:$0x1F2A0] =	vst v0  }
0x23: {  	[tilespmem:$0x1F2B0] =	vst v0  }
0x24: {  	[tilespmem:$0x1F2C0] =	vst v0  }
0x25: {  	[tilespmem:$0x1F2D0] =	vst v0  }
0x26: {  	s23 =	rddreg [dreg:$0x8];
	[tilespmem:$0x1F2E0] =	vst v0  }
0x27: {  	[tilespmem:s20], [sflag:$0x4] =	stream.linear.gather [hbm4b:s23+s6], $0x200, $0x38;
	[tilespmem:$0x1F300] =	vst v63  }
0x28: {  	_ =	swait.ge [sflag:s18], $0x200  }
0x29: {  	[sflag:s18] =	ssyncset.done $0x0  }
0x2a: {  	s8 =	simm.s32 $0x14680;
	s24 =	rddreg [dreg:$0x9];
	[sflag:s18] =	ssyncadd.s32 $0xFFFFFE00  }
0x2b: {  	[tilespmem:s8], [sflag:$0x4] =	stream.linear.gather [hbm4b:s24+s6], $0x200, $0x38;
	[tilespmem:$0x1F300] =	vst v63  }
0x2c: {  	_ =	swait.ge [sflag:s18], $0x200  }
0x2d: {  	[sflag:s18] =	ssyncset.done $0x0  }
0x2e: {  	[sflag:s18] =	ssyncadd.s32 $0xFFFFFE00  }
0x2f: {  	s25 =	simm.s32 $0x14A80;
	s30 =	simm.s32 $0x14300;
	[bflag:$0x0] =	sbarrier.arrive $0xFFFF  }
0x30: {  	[tilespmem:s25], [sflag:$0x1] =	stream.indirect.gather [hbm4b:s1+s22], $0x80, s20, s22, $0xb8;
	[tilespmem:$0x1F300] =	vst v63  }
0x31: {  	s31 =	simm.s32 $0x18280;
	s5 =	simm.s32 $0x200;
	s21 =	simm.s32 $0x0  }
0x32: {  	[tilespmem:s31], [sflag:$0x1] =	stream.indirect.gather [hbm4b:s1+s22], $0x80, s30, s22, $0xb8;
	[tilespmem:$0x1F300] =	vst v63  }
.LBB2_2:
0x33: {  	p0 =	seq.s32 s21, $0x0  }
0x34: {  	s25 =	simm.s32 @!p0 $0x2  }
0x35: {  	_ =	swait.ge @!p0 [sflag:s25], $0x3800  }
0x36: {  	[sflag:s25] =	ssyncset.done @!p0 $0x0  }
0x37: {  	[sflag:s25] =	ssyncadd.s32 @!p0 $0xFFFFC800  }
0x38: {  	p1 =	seq.s32 @!p0 s21, $0x16;
	_ =	swait.ge @!p0 [sflag:s25], $0x70  }
0x39: {  	p1 =	por p0, !p1;
	[sflag:s25] =	ssyncset.done @!p0 $0x0  }
0x3a: {  	[sflag:s25] =	ssyncadd.s32 @!p0 $0xFFFFFF90;
	s25 =	sand.u32 @p1 $0x7C00, s5  }
0x3b: {  	s24 =	sand.u32 $0x1, s21;
	s30 =	sand.u32 @p1 $0x200, s5;
	s25 =	sadd.s32 @p1 s10, s25  }
0x3c: {  	s23 =	sxor.u32 $0x1, s24;
	s25 =	sor.u32 @p1 s30, s25  }
0x3d: {  	s30 =	sshll.u32 @p1 s23, $0x9;
	s25 =	sshrl.u32 @p1 s25, $0x3  }
0x3e: {  	s31 =	sadd.s32 @p1 $0x14280, s30;
	s8 =	sadd.s32 @p1 s2, s25  }
0x3f: {  	[tilespmem:s31], [sflag:$0x3] =	stream.linear.gather @p1 [hbm4b:s8+s6], $0x200, $0x38;
	[tilespmem:$0x1F300] =	vst v63  }
0x40: {  	s25 =	sadd.s32 @p1 s7, s25;
	s8 =	sadd.s32 @p1 $0x14680, s30  }
0x41: {  	[tilespmem:s8], [sflag:$0x3] =	stream.linear.gather @p1 [hbm4b:s25+s6], $0x200, $0x38;
	[tilespmem:$0x1F300] =	vst v63  }
0x42: {  	s25 =	sshll.u32 s21, $0x2  }
0x43: {  	s9 =	sor.u32 $0x2, s25  }
0x44: {  	s12 =	sand.u32 $0xFF, s9  }
0x45: {  	s30 =	smul.u32 $0xAB, s12  }
0x46: {  	s13 =	sand.u32 $0xFC, s25  }
0x47: {  	s31 =	smul.u32 $0xAB, s13;
	s30 =	sshrl.u32 s30, $0x9  }
0x48: {  	s30 =	smul.u32 $0x3, s30;
	_ =	sdelay $0x1  }
0x49: {  	s31 =	sshrl.u32 s31, $0x9;
	s8 =	ssub.s32 s9, s30  }
0x4a: {  	s31 =	smul.u32 $0x3, s31;
	s8 =	sand.u32 $0xFF, s8  }
0x4b: {  	s8 =	smul.u32 $0xE000, s8  }
0x4c: {  	s30 =	ssub.s32 s25, s31  }
0x4d: {  	s24 =	sshll.u32 s24, $0x9;
	s9 =	sand.u32 $0xFF, s30;
	s8 =	sshrl.u32 s8, $0x2  }
0x4e: {  	s12 =	sadd.s32 $0x14380, s24;
	s13 =	smul.u32 $0xE000, s9;
	s30 =	sadd.s32 $0x14A80, s8  }
0x4f: {  	[tilespmem:s30], [sflag:$0x1] =	stream.indirect.gather [hbm4b:s1+s22], $0x80, s12, s22, $0xb8;
	[tilespmem:$0x1F300] =	vst v63  }
0x50: {  	_ =	swait.ge [sflag:s26], $0x3800  }
0x51: {  	s8 =	sshrl.u32 s13, $0x2;
	[sflag:s26] =	ssyncset.done $0x0  }
0x52: {  	s31 =	sadd.s32 $0x14680, s24;
	s8 =	sadd.s32 $0x14A80, s8;
	[sflag:s26] =	ssyncadd.s32 $0xFFFFC800  }
0x53: {  	[spmem:s3] =	stream.indirect.scatter.add.f32 [tilespmem:s8], [sflag:$0x2], $0x80, s31, s22, $0xb8;
	[tilespmem:$0x1F300] =	vst v63  }
0x54: {  	s8 =	sor.u32 $0x3, s25  }
0x55: {  	s9 =	sand.u32 $0xFF, s8  }
0x56: {  	s12 =	sor.u32 $0x1, s25;
	s9 =	smul.u32 $0xAB, s9  }
0x57: {  	s13 =	sand.u32 $0xFF, s12  }
0x58: {  	s13 =	smul.u32 $0xAB, s13;
	s9 =	sshrl.u32 s9, $0x9  }
0x59: {  	s9 =	smul.u32 $0x3, s9  }
0x5a: {  	[spmem:s4] =	stream.indirect.scatter.add.f32 [tilespmem:s28], [sflag:$0x2], $0x1, s31, s22, $0xb8;
	[tilespmem:$0x1F300] =	vst v63  }
0x5b: {  	s13 =	sshrl.u32 s13, $0x9;
	_ =	swait.ge [sflag:s29], $0x3800;
	s8 =	ssub.s32 s8, s9  }
0x5c: {  	s31 =	smul.u32 $0x3, s13;
	[sflag:s29] =	ssyncset.done $0x0;
	s8 =	sand.u32 $0xFF, s8  }
0x5d: {  	[sflag:s29] =	ssyncadd.s32 $0xFFFFC800;
	s8 =	smul.u32 $0xE000, s8  }
0x5e: {  	s13 =	sor.u32 $0x14400, s24;
	_ =	swait.ge [sflag:s29], $0x70;
	s9 =	ssub.s32 s12, s31  }
0x5f: {  	[sflag:s29] =	ssyncset.done $0x0;
	s9 =	sand.u32 $0xFF, s9;
	s8 =	sshrl.u32 s8, $0x2  }
0x60: {  	[sflag:s29] =	ssyncadd.s32 $0xFFFFFF90;
	s12 =	smul.u32 $0xE000, s9;
	s31 =	sadd.s32 $0x14A80, s8  }
0x61: {  	[tilespmem:s31], [sflag:$0x1] =	stream.indirect.gather [hbm4b:s1+s22], $0x80, s13, s22, $0xb8;
	[tilespmem:$0x1F300] =	vst v63  }
0x62: {  	p0 =	por @!p0 $0x1, $0x1;
	_ =	swait.ge [sflag:s26], $0x3800  }
0x63: {  	p0 =	por @p1 $0x0, $0x0;
	s8 =	sshrl.u32 s12, $0x2;
	[sflag:s26] =	ssyncset.done $0x0  }
0x64: {  	s8 =	sadd.s32 $0x14A80, s8;
	s13 =	sadd.s32 $0x14700, s24;
	[sflag:s26] =	ssyncadd.s32 $0xFFFFC800  }
0x65: {  	[spmem:s3] =	stream.indirect.scatter.add.f32 [tilespmem:s8], [sflag:$0x2], $0x80, s13, s22, $0xb8;
	[tilespmem:$0x1F300] =	vst v63  }
0x66: {  	s8 =	sadd.s32 @!p0 $0x4, s25  }
0x67: {  	s9 =	sand.u32 @!p0 $0xFF, s8  }
0x68: {  	[spmem:s4] =	stream.indirect.scatter.add.f32 [tilespmem:s28], [sflag:$0x2], $0x1, s13, s22, $0xb8;
	[tilespmem:$0x1F300] =	vst v63  }
0x69: {  	s9 =	smul.u32 @!p0 $0xAB, s9;
	_ =	swait.ge [sflag:s29], $0x3800  }
0x6a: {  	[sflag:s29] =	ssyncset.done $0x0  }
0x6b: {  	s9 =	sshrl.u32 @!p0 s9, $0x9;
	[sflag:s29] =	ssyncadd.s32 $0xFFFFC800  }
0x6c: {  	s9 =	smul.u32 @!p0 $0x3, s9;
	_ =	swait.ge [sflag:s29], $0x70  }
0x6d: {  	[sflag:s29] =	ssyncset.done $0x0  }
0x6e: {  	s8 =	ssub.s32 @!p0 s8, s9;
	s9 =	simm.s32 @!p0 $0x3;
	[sflag:s29] =	ssyncadd.s32 $0xFFFFFF90  }
0x6f: {  	_ =	swait.ge @!p0 [sflag:s9], $0x200  }
0x70: {  	s8 =	sand.u32 @!p0 $0xFF, s8;
	[sflag:s9] =	ssyncset.done @!p0 $0x0  }
0x71: {  	s8 =	smul.u32 @!p0 $0xE000, s8;
	[sflag:s9] =	ssyncadd.s32 @!p0 $0xFFFFFE00  }
0x72: {  	s12 =	sshll.u32 @!p0 s23, $0x9;
	_ =	swait.ge @!p0 [sflag:s9], $0x200  }
0x73: {  	s13 =	simm.s32 @!p0 $0x70;
	s8 =	sshrl.u32 @!p0 s8, $0x2;
	[sflag:s9] =	ssyncset.done @!p0 $0x0  }
0x74: {  	s8 =	sadd.s32 @!p0 $0x14A80, s8;
	[sflag:s9] =	ssyncadd.s32 @!p0 $0xFFFFFE00;
	s9 =	sadd.s32 @!p0 $0x14280, s12  }
0x75: {  	[tilespmem:s8], [sflag:$0x1] =	stream.indirect.gather @!p0 [hbm4b:s1+s13], $0x80, s9, s13, $0xb8;
	[tilespmem:$0x1F300] =	vst v63  }
0x76: {  	s8 =	sadd.s32 @!p0 $0x5, s25;
	_ =	swait.ge [sflag:s26], $0x3800  }
0x77: {  	s25 =	sor.u32 $0x100, s24;
	s23 =	sand.u32 @!p0 $0xFF, s8;
	[sflag:s26] =	ssyncset.done $0x0  }
0x78: {  	s9 =	sadd.s32 $0x14680, s25;
	s23 =	smul.u32 @!p0 $0xAB, s23;
	[sflag:s26] =	ssyncadd.s32 $0xFFFFC800  }
0x79: {  	[spmem:s3] =	stream.indirect.scatter.add.f32 [tilespmem:s30], [sflag:$0x2], $0x80, s9, s22, $0xb8;
	[tilespmem:$0x1F300] =	vst v63  }
0x7a: {  	s23 =	sshrl.u32 @!p0 s23, $0x9  }
0x7b: {  	s23 =	smul.u32 @!p0 $0x3, s23  }
0x7c: {  	[spmem:s4] =	stream.indirect.scatter.add.f32 [tilespmem:s28], [sflag:$0x2], $0x1, s9, s22, $0xb8;
	[tilespmem:$0x1F300] =	vst v63  }
0x7d: {  	_ =	swait.ge [sflag:s29], $0x3800;
	s8 =	ssub.s32 @!p0 s8, s23  }
0x7e: {  	[sflag:s29] =	ssyncset.done $0x0;
	s8 =	sand.u32 @!p0 $0xFF, s8  }
0x7f: {  	[sflag:s29] =	ssyncadd.s32 $0xFFFFC800;
	s8 =	smul.u32 @!p0 $0xE000, s8  }
0x80: {  	_ =	swait.ge [sflag:s29], $0x70  }
0x81: {  	s21 =	sadd.s32 $0x1, s21;
	[sflag:s29] =	ssyncset.done $0x0;
	s8 =	sshrl.u32 @!p0 s8, $0x2  }
0x82: {  	s9 =	sadd.s32 @!p0 $0x14300, s12;
	[sflag:s29] =	ssyncadd.s32 $0xFFFFFF90;
	s8 =	sadd.s32 @!p0 $0x14A80, s8  }
0x83: {  	[tilespmem:s8], [sflag:$0x1] =	stream.indirect.gather @!p0 [hbm4b:s1+s13], $0x80, s9, s13, $0xb8;
	[tilespmem:$0x1F300] =	vst v63  }
0x84: {  	p0 =	sne.s32 s21, $0x17;
	_ =	swait.ge [sflag:s26], $0x3800  }
.Ltmp0:
0x85: {  	s30 =	sor.u32 $0x180, s24;
	[sflag:s26] =	ssyncset.done $0x0;
	(pc) =	sbr.rel @p0 .LBB2_2-.Ltmp0, $4  }
0x86: {  	s8 =	sadd.s32 $0x14680, s30;
	[sflag:s26] =	ssyncadd.s32 $0xFFFFC800  }
0x87: {  	[spmem:s3] =	stream.indirect.scatter.add.f32 [tilespmem:s31], [sflag:$0x2], $0x80, s8, s22, $0xb8;
	[tilespmem:$0x1F300] =	vst v63  }
0x88: {  	s5 =	sadd.s32 $0x200, s5  }
0x89: {  	[spmem:s4] =	stream.indirect.scatter.add.f32 [tilespmem:s28], [sflag:$0x2], $0x1, s8, s22, $0xb8;
	[tilespmem:$0x1F300] =	vst v63  }
0x8a: {  	_ =	swait.ge [sflag:s29], $0x3800  }
0x8b: {  	[sflag:s29] =	ssyncset.done $0x0  }
0x8c: {  	[sflag:s29] =	ssyncadd.s32 $0xFFFFC800  }
0x8d: {  	_ =	swait.ge [sflag:s29], $0x70  }
0x8e: {  	[sflag:s29] =	ssyncset.done $0x0  }
0x8f: {  	[sflag:s29] =	ssyncadd.s32 $0xFFFFFF90  }
0x90: {  	[bflag:$0x0] =	sbarrier.arrive $0xFFFF  }
0x91: {  	[hbm:s14], [sflag:s11] =	dma.local [spmem:s17], $0x2800  }
0x92: {  	s0 =	sadd.s32 $0x1, s0;
	_ =	swait.ge [sflag:s18], $0x2800  }
0x93: {  	s5 =	simm.s32 $0x20;
	p0 =	sne.s32 s0, s16;
	[sflag:s18] =	ssyncset.done $0x0  }
.Ltmp1:
0x94: {  	s8 =	simm.s32 $0x10;
	[sflag:s18] =	ssyncadd.s32 $0xFFFFD800;
	(pc) =	sbr.rel @p0 .LBB2_1-.Ltmp1, $4  }
0x95: {  	[hbm:s15@s5], [sflag:s11] =	dma.strided [spmem:s19@s8], $0x50, s26, $0x10   }
0x96: {  	_ =	swait.ge [sflag:s18], $0x50  }
0x97: {  	[sflag:s18] =	ssyncset.done $0x0  }
0x98: {  	[sflag:s18] =	ssyncadd.s32 $0xFFFFFFB0  }
0x99: {  	_ =	sfence.sel $0x180000  }
0x9a: {  	[bflag:$0x0] =	sbarrier.arrive $0xFFFF  }
0x9b: {  	_ =	strace $0x90000047  }
0x9c: {  	s0 =	stileid.u32;
	[bflag:$0x2] =	sbarrier.arrive $0xFFFF  }
0x9d: {  	p0 =	sne.s32 s0, $0x0;
	s0 =	rddreg [dreg:$0x5]  }
0x9e: {  	s0 =	sadd.s32 @!p0 $0x100000, s0  }
0x9f: {  	[sflag:s0] =	ssyncadd.tile.s32 @!p0 $0x1;
	_ =	shalt  }
.Lfunc_end2:
_tile_overlayer_lowered:
.L_overlay_start_2:
0xa0: {  	(tag) =	ssettag $0x2  }
0xa1: {  	s0 =	rddreg [dreg:$0x0];
	s2 =	stileid.u32  }
0xa2: {  	s1 =	rddreg [dreg:$0x1];
	p0 =	sne.s32 s2, $0x0  }
0xa3: {  	s3 =	rddreg [dreg:$0x2];
	[bflag:$0x3] =	sbarrier.arrive $0xFFFF;
	s2 =	simm.s32 @!p0 $0x1C04  }
0xa4: {  	[timem:s3], [sflag:s2] =	dma.local @!p0 [hbm:s0], s1  }
0xa5: {  	s0 =	simm.s32 @!p0 $0x4  }
0xa6: {  	_ =	swait.ge @!p0 [sflag:s0], s1  }
0xa7: {  	s1 =	ssub.s32 @!p0 $0x0, s1;
	[sflag:s0] =	ssyncset.done @!p0 $0x0  }
0xa8: {  	[sflag:s0] =	ssyncadd.s32 @!p0 s1  }
0xa9: {  	[bflag:$0x3] =	sbarrier.arrive $0xFFFF  }
0xaa: {  	_ =	shalt  }

// kernel: kernel.9.cloned.1.call-start
scs
__scs_entry_jumppad:
0x0: {  	(pc) =	sbr.rel $0x88, $3  }
0x1: {  	(tag) =	ssettag $0x0;
	lr =	simm.s32 $0x1  }
0x2: {  	[smem:$0x3F92] =	sst lr;
	_ =	strace $0xD0000000  }
0x3: {  	_ = 	snop  }
0x4: {  	_ = 	snop  }
0x5: {  	_ = 	snop  }
0x6: {  	_ = 	snop  }
0x7: {  	_ = 	snop  }
__scs_overlays_trampoline_lowered:
0x8: {  	[smem:$0x3FA1] =	sst s0  }
0x9: {  	[smem:$0x3FA2] =	sst s1  }
0xa: {  	[smem:$0x3FA3] =	sst s2  }
0xb: {  	[smem:$0x3FA4] =	sst s3  }
0xc: {  	[smem:$0x3FA5] =	sst s4  }
0xd: {  	[smem:$0x3FA6] =	sst s5  }
0xe: {  	[smem:$0x3FA7] =	sst s6  }
0xf: {  	[smem:$0x3FA8] =	sst s7  }
0x10: {  	[smem:$0x3FA9] =	sst s8  }
0x11: {  	[smem:$0x3FAA] =	sst s9;
	s0 =	simm.s32 @!p0 $0x0  }
0x12: {  	s1 =	sld [smem:$0x3F90];
	s0 =	simm.s32 @p0 $0x1  }
0x13: {  	[smem:$0x3FAB] =	sst s0;
	s0 =	simm.s32 @!p1 $0x0  }
0x14: {  	s2 =	sld [smem:$0x3F8F];
	s0 =	simm.s32 @p1 $0x1  }
0x15: {  	[smem:$0x3FAC] =	sst s0;
	s0 =	simm.s32 @!p2 $0x0  }
0x16: {  	s3 =	sld [smem:$0x3FDB];
	s0 =	simm.s32 @p2 $0x1  }
0x17: {  	s4 =	simm.s32 $0x1BF5;
	[smem:$0x3FAE] =	sst s0  }
0x18: {  	s0 =	sld [smem:$0x3F91];
	_ =	swait.ge [sflag:s4], $0x0  }
0x19: {  	s7 =	sld [smem:$0x3F92]  }
0x1a: {  	s8 =	sadd.s32 $0xFFFFE003, lr  }
0x1b: {  	s9 =	sadd.s32 $0xFFFFFEF7, lr;
	s5 =	simm.s32 $0xFFFFFFFF;
	p2 =	slt.u32 s8, $0xFFFFF086  }
0x1c: {  	p1 =	slt.u32 s9, $0xF7A;
	s5 =	simm.s32 @!p2 $0x0  }
0x1d: {  	s5 =	simm.s32 @p1 $0x1;
	p0 =	seq.s32 s7, s2  }
0x1e: {  	s7 =	smul.u32 @!p0 $0xF7A, s2;
	p2 =	seq.s32 @!p0 s5, $0x0  }
0x1f: {  	s9 =	smul.u32 $0xF7A, s1;
	s8 =	simm.s32 @!p0 $0x1BF5;
	p2 =	por !p2, p0  }
0x20: {  	[sflag:s8] =	ssyncset.s32 @!p0 $0xFFFFF086;
	s6 =	sadd.s32 @!p0 s3, s7;
	s7 =	simm.s32 @!p0 $0x108  }
0x21: {  	s3 =	sadd.s32 s3, s9;
	s6 =	sadd.s32 @!p0 $0x88, s6;
	s7 =	simm.s32 @p2 $0x1082  }
0x22: {  	[simem:s7], [sflag:s8] =	dma.local @!p0 [hbm:s6], $0xF7A  }
0x23: {  	s9 =	sor.u32 $0xD0000000, s2;
	s6 =	simm.s32 $0x108;
	_ =	swait.ge @!p0 [sflag:s8], $0x0  }
0x24: {  	s3 =	sadd.s32 $0x88, s3;
	s6 =	simm.s32 @!p1 $0x1082;
	[sflag:s4] =	ssyncset.s32 $0xFFFFF086  }
0x25: {  	[simem:s6], [sflag:s4] =	dma.local [hbm:s3], $0xF7A  }
0x26: {  	[smem:$0x3F92] =	sst s1;
	(tag) =	ssettag s2;
	_ =	strace s9  }
0x27: {  	s1 =	sld [smem:$0x3FA2]  }
0x28: {  	s2 =	sld [smem:$0x3FA3]  }
0x29: {  	s4 =	sld [smem:$0x3FA5]  }
0x2a: {  	p0 =	seq.s32 s5, $0x0;
	s5 =	sld [smem:$0x3FA6]  }
0x2b: {  	s6 =	sld [smem:$0x3FA7]  }
0x2c: {  	s7 =	sld [smem:$0x3FA8]  }
0x2d: {  	s3 =	simm.s32 $0x108;
	s8 =	sld [smem:$0x3FA9]  }
0x2e: {  	s3 =	simm.s32 @!p0 $0x1082;
	s9 =	sld [smem:$0x3FAA]  }
0x2f: {  	lr =	sadd.s32 s0, s3;
	s0 =	sld [smem:$0x3FA1]  }
0x30: {  	s3 =	sld [smem:$0x3FA4]  }
0x31: {  	[smem:$0x3FAD] =	sst s10  }
0x32: {  	s10 =	sld [smem:$0x3FAB];
	_ =	sdelay $0x3  }
0x33: {  	p0 =	seq.s32 s10, $0x1;
	s10 =	sld [smem:$0x3FAD];
	_ =	sdelay $0x3  }
0x34: {  	[smem:$0x3FAD] =	sst s10  }
0x35: {  	s10 =	sld [smem:$0x3FAC];
	_ =	sdelay $0x3  }
0x36: {  	p1 =	seq.s32 s10, $0x1;
	s10 =	sld [smem:$0x3FAD];
	_ =	sdelay $0x3  }
0x37: {  	[smem:$0x3FAD] =	sst s10  }
0x38: {  	s10 =	sld [smem:$0x3FAE]  }
0x39: {  	_ = 	snop;
	(pc) =	sbr.ind lr, $3  }
0x3a: {  	_ = 	snop  }
0x3b: {  	_ = 	snop  }
0x3c: {  	p2 =	seq.s32 s10, $0x1;
	s10 =	sld [smem:$0x3FAD]  }
0x3d: {  	_ =	shalt  }
0x3e: {  	_ =	shalt  }
0x3f: {  	_ =	shalt  }
0x40: {  	_ =	shalt  }
0x41: {  	_ =	shalt  }
0x42: {  	_ =	shalt  }
0x43: {  	_ =	shalt  }
0x44: {  	_ =	shalt  }
0x45: {  	_ =	shalt  }
0x46: {  	_ =	shalt  }
0x47: {  	_ =	shalt  }
0x48: {  	_ =	shalt  }
0x49: {  	_ =	shalt  }
0x4a: {  	_ =	shalt  }
0x4b: {  	_ =	shalt  }
0x4c: {  	_ =	shalt  }
0x4d: {  	_ =	shalt  }
0x4e: {  	_ =	shalt  }
0x4f: {  	_ =	shalt  }
0x50: {  	_ =	shalt  }
0x51: {  	_ =	shalt  }
0x52: {  	_ =	shalt  }
0x53: {  	_ =	shalt  }
0x54: {  	_ =	shalt  }
0x55: {  	_ =	shalt  }
0x56: {  	_ =	shalt  }
0x57: {  	_ =	shalt  }
0x58: {  	_ =	shalt  }
0x59: {  	_ =	shalt  }
0x5a: {  	_ =	shalt  }
0x5b: {  	_ =	shalt  }
0x5c: {  	_ =	shalt  }
0x5d: {  	_ =	shalt  }
0x5e: {  	_ =	shalt  }
0x5f: {  	_ =	shalt  }
0x60: {  	_ =	shalt  }
0x61: {  	_ =	shalt  }
0x62: {  	_ =	shalt  }
0x63: {  	_ =	shalt  }
0x64: {  	_ =	shalt  }
0x65: {  	_ =	shalt  }
0x66: {  	_ =	shalt  }
0x67: {  	_ =	shalt  }
0x68: {  	_ =	shalt  }
0x69: {  	_ =	shalt  }
0x6a: {  	_ =	shalt  }
0x6b: {  	_ =	shalt  }
0x6c: {  	_ =	shalt  }
0x6d: {  	_ =	shalt  }
0x6e: {  	_ =	shalt  }
0x6f: {  	_ =	shalt  }
0x70: {  	_ =	shalt  }
0x71: {  	_ =	shalt  }
0x72: {  	_ =	shalt  }
0x73: {  	_ =	shalt  }
0x74: {  	_ =	shalt  }
0x75: {  	_ =	shalt  }
0x76: {  	_ =	shalt  }
0x77: {  	_ =	shalt  }
0x78: {  	_ =	shalt  }
0x79: {  	_ =	shalt  }
0x7a: {  	_ =	shalt  }
0x7b: {  	_ =	shalt  }
0x7c: {  	_ =	shalt  }
0x7d: {  	_ =	shalt  }
0x7e: {  	_ =	shalt  }
0x7f: {  	_ =	shalt  }
0x80: {  	_ =	shalt  }
0x81: {  	_ =	shalt  }
0x82: {  	_ =	shalt  }
0x83: {  	_ =	shalt  }
0x84: {  	_ =	shalt  }
0x85: {  	_ =	shalt  }
0x86: {  	_ =	shalt  }
0x87: {  	_ =	shalt  }
.Lfunc_end0:
.L_simem_size_0:
called_computation.1_lowered:
.L_overlay_start_0:
0x88: {  	s2 =	sld [smem:$0x3FD9]  }
0x89: {  	s3 =	sld [smem:$0x3FFE];
	_ =	sdelay $0x1  }
0x8a: {  	s1 =	srdreg.scid  }
0x8b: {  	s0 =	sand.u32 $0x1, s1  }
0x8c: {  	s17 =	sshll.u32 s0, $0xA;
	s2 =	sadd.s32 s3, s2  }
0x8d: {  	s2 =	sadd.s32 s2, s17  }
0x8e: {  	[smem:$0x3FB9] =	sst s2  }
0x8f: {  	_ = 	snop  }
0x90: {  	s2 =	sld [smem:$0x3FD0];
	(tm) =	ssettm $0x1  }
0x91: {  	s18 =	sld [smem:$0x3FFB];
	_ =	sdelay $0x3  }
0x92: {  	_ =	strace s18  }
0x93: {  	s3 =	sld [smem:$0x3FFC];
	_ =	sdelay $0x3  }
0x94: {  	_ =	strace s3  }
0x95: {  	s3 =	sld [smem:$0x3FFD];
	_ =	sdelay $0x3  }
0x96: {  	_ =	strace s3  }
0x97: {  	_ =	strace $0x8FFFFFFF  }
0x98: {  	s19 =	sld [smem:$0x3FDB];
	_ =	sdelay $0x1  }
0x99: {  	s4 =	simm.s32 $_scs_section_size  }
0x9a: {  	s5 =	simm.s32 $_size__tile_overlayer_lowered;
	s6 =	simm.s32 $_tile_overlayer_lowered  }
0x9b: {  	s22 =	simm.s32 $0x1BFF;
	s21 =	sshll.u32 s6, $0x1;
	s3 =	sadd.s32 s4, s19  }
0x9c: {  	s7 =	simm.s32 $0x0;
	s20 =	sshll.u32 s5, $0x1;
	s5 =	sadd.s32 s21, s3  }
0x9d: {  	[timem:s7], [sflag:s22] =	dma.local [hbm:s5], s20  }
0x9e: {  	_ =	swait.ge [sflag:s22], s20  }
0x9f: {  	s4 =	ssub.s32 $0x0, s20;
	[sflag:s22] =	ssyncset.done $0x0  }
0xa0: {  	[sflag:s22] =	ssyncadd.s32 s4;
	_ =	sdelay $0x1  }
0xa1: {  	s23 =	simm.s32 $0x1B8B  }
0xa2: {  	_ =	swait.ge [sflag:s23], $0x1  }
0xa3: {  	[sflag:s23] =	ssyncset.done $0x0  }
0xa4: {  	s25 =	simm.s32 $0x1B8E;
	s24 =	sld [smem:$0x3FFE];
	[sflag:s23] =	ssyncadd.s32 $0xFFFFFFFF  }
0xa5: {  	s26 =	simm.s32 $execute0_lowered;
	[smem:$0x3FD2] =	sst s25  }
0xa6: {  	s5 =	sshll.u32 s26, $0x1;
	_ =	strace $0x80000049;
	[dreg:$0x1] =	wrdreg $0xFFFFFFFF  }
0xa7: {  	s28 =	simm.s32 $_size_execute0_lowered;
	s3 =	sadd.s32 s3, s5;
	[dreg:$0x0] =	wrdreg $0x0  }
0xa8: {  	s5 =	sshll.u32 s28, $0x1;
	[dreg:$0x2] =	wrdreg s3  }
0xa9: {  	[dreg:$0x3] =	wrdreg s5  }
0xaa: {  	[dreg:$0x4] =	wrdreg $0xC0  }
0xab: {  	_ =	task [dreg:s7], $0x5FFFF  }
0xac: {  	[dreg:$0x1] =	wrdreg $0xFFFFFFFF  }
0xad: {  	[dreg:$0x0] =	wrdreg $0x60  }
0xae: {  	[dreg:$0x2] =	wrdreg s2  }
0xaf: {  	[dreg:$0x3] =	wrdreg s24  }
0xb0: {  	[dreg:$0x4] =	wrdreg $0x0  }
0xb1: {  	[dreg:$0x5] =	wrdreg $0x140000  }
0xb2: {  	[dreg:$0x6] =	wrdreg $0x9  }
0xb3: {  	_ =	task.clear_ibuf [dreg:s7], $0x7FFFF;
	_ =	strace $0x90000049  }
0xb4: {  	s29 =	simm.s32 $0x9;
	_ =	strace $0x8000004B  }
0xb5: {  	_ =	swait.ge [sflag:s29], $0x1  }
0xb6: {  	[sflag:s29] =	ssyncadd.s32 $0xFFFFFFFF  }
0xb7: {  	_ =	strace $0x9000004B  }
0xb8: {  	_ =	sfence  }
0xb9: {  	s30 =	sld [smem:$0x0];
	_ =	sdelay $0x2  }
0xba: {  	s31 =	sshll.u32 s1, $0xD;
	s1 =	sshrl.u32 s1, $0x2  }
0xbb: {  	s3 =	sand.u32 $0x4000, s31;
	s1 =	sadd.s32 s1, s30  }
0xbc: {  	s0 =	sor.u32 s3, s0;
	s1 =	sshll.u32 s1, $0x11  }
0xbd: {  	s0 =	sor.u32 s1, s0  }
0xbe: {  	s0 =	sadd.s32 $0x8F2B, s0  }
0xbf: {  	[sflag:s0] =	ssyncadd.remote.s32 $0x1  }
0xc0: {  	_ =	sfence.sel $0xFFFF  }
0xc1: {  	[dreg:$0x0] =	wrdreg $0xFFFFFFFF;
	(pc) =	sbr.abs _section_cstart, $3  }
0xc2: {  	[dreg:$0x1] =	wrdreg $0xFFFFFFFF  }
0xc3: {  	_ =	task.clear_ibuf [dreg:s7], $0x2FFFF;
	_ =	strace $0x9FFFFFFF  }
0xc4: {  	(tm) =	ssettm $0x7FFFFFFF  }
0xc5: {  	_ =	shalt  }
tec
execute0_lowered:
.L_overlay_start_1:
0x0: {  	(tag) =	ssettag $0x1  }
0x1: {  	s1 =	rddreg [dreg:$0x0]  }
0x2: {  	s0 =	rddreg [dreg:$0x1]  }
0x3: {  	s2 =	rddreg [dreg:$0x2]  }
0x4: {  	s3 =	rddreg [dreg:$0x3];
	s4 =	srdreg.scid;
	s5 =	simm.s32 $0x0  }
0x5: {  	s15 =	stileid.u32;
	s18 =	simm.s32 $0x4;
	s28 =	simm.s32 $0x1F280  }
0x6: {  	s29 =	simm.s32 $0x2;
	s4 =	sand.u32 $0x1, s4;
	s9 =	smul.u32 $0x14000, s15  }
0x7: {  	[smem:$0x7FF] =	sst s5;
	s6 =	sadd.s32 $0x6E800, s0;
	s10 =	smul.u32 $0x500, s15  }
0x8: {  	s7 =	sadd.s32 $0x62800, s0;
	s20 =	sadd.s32 $0xF400, s0;
	s23 =	smul.u32 $0x50000, s15  }
0x9: {  	s21 =	sadd.s32 $0x11C00, s0;
	s24 =	smul.u32 $0xA00, s15;
	s25 =	sshll.u32 s15, $0x6  }
0xa: {  	s8 =	smul.u32 $0x140000, s4;
	_ =	strace $0x8000004A;
	[dreg:$0x5] =	wrdreg s20  }
0xb: {  	s11 =	sshll.u32 s4, $0x7;
	[dreg:$0x6] =	wrdreg s21;
	s22 =	sshll.u32 s4, $0x4  }
0xc: {  	s4 =	ssub.s32 $0x2, s4;
	s20 =	simm.s32 $0x14280;
	s10 =	sor.u32 s11, s10  }
0xd: {  	s13 =	sshrl.u32 s4, $0x1;
	s11 =	sshrl.u32 s23, $0x2;
	s9 =	sadd.s32 s9, s8  }
0xe: {  	s10 =	sshrl.u32 s10, $0x3;
	s4 =	ssub.s32 s4, s13;
	s12 =	sshrl.u32 s9, $0x3  }
0xf: {  	s14 =	sadd.s32 s12, s0;
	s0 =	sadd.s32 s10, s0;
	s10 =	sor.u32 s15, s22  }
0x10: {  	s17 =	sadd.s32 s11, s2;
	s11 =	sor.u32 $0x1C04, s25;
	s10 =	smul.u32 $0x3000, s10  }
0x11: {  	s16 =	smax.u32 s4, $0x1;
	s17 =	sshrl.u32 s17, $0x3;
	s12 =	sshrl.u32 s24, $0x2  }
0x12: {  	s22 =	simm.s32 $0x70;
	s19 =	sadd.s32 s12, s3;
	s26 =	sshrl.u32 s10, $0x3  }
0x13: {  	s14 =	sadd.s32 $0x11E00, s14;
	s15 =	sadd.s32 $0x3400, s0;
	s30 =	sadd.s32 s6, s26  }
0x14: {  	s0 =	simm.s32 $0x0;
	s31 =	sadd.s32 s7, s26;
	[dreg:$0x7] =	wrdreg s30  }
0x15: {  	v0 =	vimm.f32 $1.000000000e+00;
	s19 =	sshrl.u32 s19, $0x3;
	s26 =	simm.s32 $0x1;
	[dreg:$0x8] =	wrdreg s31  }
.LBB2_1:
0x16: {  	s4 =	rddreg [dreg:$0x5]  }
0x17: {  	[spmem:s17], [sflag:s11] =	dma.local [hbm:s4], $0x2800  }
0x18: {  	_ =	swait.ge [sflag:s18], $0x2800  }
0x19: {  	[sflag:s18] =	ssyncset.done $0x0  }
0x1a: {  	s21 =	rddreg [dreg:$0x6];
	[sflag:s18] =	ssyncadd.s32 $0xFFFFD800  }
0x1b: {  	[spmem:s19], [sflag:s11] =	dma.local [hbm:s21], $0x50  }
0x1c: {  	_ =	swait.ge [sflag:s18], $0x50  }
0x1d: {  	[sflag:s18] =	ssyncset.done $0x0  }
0x1e: {  	[sflag:s18] =	ssyncadd.s32 $0xFFFFFFB0  }
0x1f: {  	[tilespmem:$0x1F280] =	vst v0  }
0x20: {  	[tilespmem:$0x1F290] =	vst v0  }
0x21: {  	[tilespmem:$0x1F2A0] =	vst v0  }
0x22: {  	[tilespmem:$0x1F2B0] =	vst v0  }
0x23: {  	[tilespmem:$0x1F2C0] =	vst v0  }
0x24: {  	[tilespmem:$0x1F2D0] =	vst v0  }
0x25: {  	s23 =	rddreg [dreg:$0x7];
	[tilespmem:$0x1F2E0] =	vst v0  }
0x26: {  	[tilespmem:s20], [sflag:$0x4] =	stream.linear.gather [hbm4b:s23+s5], $0x200, $0x38;
	[tilespmem:$0x1F300] =	vst v63  }
0x27: {  	_ =	swait.ge [sflag:s18], $0x200  }
0x28: {  	[sflag:s18] =	ssyncset.done $0x0  }
0x29: {  	s8 =	simm.s32 $0x14680;
	s24 =	rddreg [dreg:$0x8];
	[sflag:s18] =	ssyncadd.s32 $0xFFFFFE00  }
0x2a: {  	[tilespmem:s8], [sflag:$0x4] =	stream.linear.gather [hbm4b:s24+s5], $0x200, $0x38;
	[tilespmem:$0x1F300] =	vst v63  }
0x2b: {  	_ =	swait.ge [sflag:s18], $0x200  }
0x2c: {  	[sflag:s18] =	ssyncset.done $0x0  }
0x2d: {  	[sflag:s18] =	ssyncadd.s32 $0xFFFFFE00  }
0x2e: {  	s25 =	simm.s32 $0x14A80;
	s30 =	simm.s32 $0x14300;
	[bflag:$0x0] =	sbarrier.arrive $0xFFFF  }
0x2f: {  	[tilespmem:s25], [sflag:$0x1] =	stream.indirect.gather [hbm4b:s1+s22], $0x80, s20, s22, $0xb8;
	[tilespmem:$0x1F300] =	vst v63  }
0x30: {  	s31 =	simm.s32 $0x18280;
	s4 =	simm.s32 $0x200;
	s21 =	simm.s32 $0x0  }
0x31: {  	[tilespmem:s31], [sflag:$0x1] =	stream.indirect.gather [hbm4b:s1+s22], $0x80, s30, s22, $0xb8;
	[tilespmem:$0x1F300] =	vst v63  }
.LBB2_2:
0x32: {  	p0 =	seq.s32 s21, $0x0  }
0x33: {  	s25 =	simm.s32 @!p0 $0x2  }
0x34: {  	_ =	swait.ge @!p0 [sflag:s25], $0x3800  }
0x35: {  	[sflag:s25] =	ssyncset.done @!p0 $0x0  }
0x36: {  	[sflag:s25] =	ssyncadd.s32 @!p0 $0xFFFFC800  }
0x37: {  	p1 =	seq.s32 @!p0 s21, $0x16;
	_ =	swait.ge @!p0 [sflag:s25], $0x70  }
0x38: {  	p1 =	por p0, !p1;
	[sflag:s25] =	ssyncset.done @!p0 $0x0  }
0x39: {  	[sflag:s25] =	ssyncadd.s32 @!p0 $0xFFFFFF90;
	s25 =	sand.u32 @p1 $0x7C00, s4  }
0x3a: {  	s24 =	sand.u32 $0x1, s21;
	s30 =	sand.u32 @p1 $0x200, s4;
	s25 =	sadd.s32 @p1 s10, s25  }
0x3b: {  	s23 =	sxor.u32 $0x1, s24;
	s25 =	sor.u32 @p1 s30, s25  }
0x3c: {  	s30 =	sshll.u32 @p1 s23, $0x9;
	s25 =	sshrl.u32 @p1 s25, $0x3  }
0x3d: {  	s31 =	sadd.s32 @p1 $0x14280, s30;
	s8 =	sadd.s32 @p1 s6, s25  }
0x3e: {  	[tilespmem:s31], [sflag:$0x3] =	stream.linear.gather @p1 [hbm4b:s8+s5], $0x200, $0x38;
	[tilespmem:$0x1F300] =	vst v63  }
0x3f: {  	s25 =	sadd.s32 @p1 s7, s25;
	s8 =	sadd.s32 @p1 $0x14680, s30  }
0x40: {  	[tilespmem:s8], [sflag:$0x3] =	stream.linear.gather @p1 [hbm4b:s25+s5], $0x200, $0x38;
	[tilespmem:$0x1F300] =	vst v63  }
0x41: {  	s25 =	sshll.u32 s21, $0x2  }
0x42: {  	s9 =	sor.u32 $0x2, s25  }
0x43: {  	s12 =	sand.u32 $0xFF, s9  }
0x44: {  	s30 =	smul.u32 $0xAB, s12  }
0x45: {  	s13 =	sand.u32 $0xFC, s25  }
0x46: {  	s31 =	smul.u32 $0xAB, s13;
	s30 =	sshrl.u32 s30, $0x9  }
0x47: {  	s30 =	smul.u32 $0x3, s30;
	_ =	sdelay $0x1  }
0x48: {  	s31 =	sshrl.u32 s31, $0x9;
	s8 =	ssub.s32 s9, s30  }
0x49: {  	s31 =	smul.u32 $0x3, s31;
	s8 =	sand.u32 $0xFF, s8  }
0x4a: {  	s8 =	smul.u32 $0xE000, s8  }
0x4b: {  	s30 =	ssub.s32 s25, s31  }
0x4c: {  	s24 =	sshll.u32 s24, $0x9;
	s9 =	sand.u32 $0xFF, s30;
	s8 =	sshrl.u32 s8, $0x2  }
0x4d: {  	s12 =	sadd.s32 $0x14380, s24;
	s13 =	smul.u32 $0xE000, s9;
	s30 =	sadd.s32 $0x14A80, s8  }
0x4e: {  	[tilespmem:s30], [sflag:$0x1] =	stream.indirect.gather [hbm4b:s1+s22], $0x80, s12, s22, $0xb8;
	[tilespmem:$0x1F300] =	vst v63  }
0x4f: {  	_ =	swait.ge [sflag:s26], $0x3800  }
0x50: {  	s8 =	sshrl.u32 s13, $0x2;
	[sflag:s26] =	ssyncset.done $0x0  }
0x51: {  	s31 =	sadd.s32 $0x14680, s24;
	s8 =	sadd.s32 $0x14A80, s8;
	[sflag:s26] =	ssyncadd.s32 $0xFFFFC800  }
0x52: {  	[spmem:s2] =	stream.indirect.scatter.add.f32 [tilespmem:s8], [sflag:$0x2], $0x80, s31, s22, $0xb8;
	[tilespmem:$0x1F300] =	vst v63  }
0x53: {  	s8 =	sor.u32 $0x3, s25  }
0x54: {  	s9 =	sand.u32 $0xFF, s8  }
0x55: {  	s12 =	sor.u32 $0x1, s25;
	s9 =	smul.u32 $0xAB, s9  }
0x56: {  	s13 =	sand.u32 $0xFF, s12  }
0x57: {  	s13 =	smul.u32 $0xAB, s13;
	s9 =	sshrl.u32 s9, $0x9  }
0x58: {  	s9 =	smul.u32 $0x3, s9  }
0x59: {  	[spmem:s3] =	stream.indirect.scatter.add.f32 [tilespmem:s28], [sflag:$0x2], $0x1, s31, s22, $0xb8;
	[tilespmem:$0x1F300] =	vst v63  }
0x5a: {  	s13 =	sshrl.u32 s13, $0x9;
	_ =	swait.ge [sflag:s29], $0x3800;
	s8 =	ssub.s32 s8, s9  }
0x5b: {  	s31 =	smul.u32 $0x3, s13;
	[sflag:s29] =	ssyncset.done $0x0;
	s8 =	sand.u32 $0xFF, s8  }
0x5c: {  	[sflag:s29] =	ssyncadd.s32 $0xFFFFC800;
	s8 =	smul.u32 $0xE000, s8  }
0x5d: {  	s13 =	sor.u32 $0x14400, s24;
	_ =	swait.ge [sflag:s29], $0x70;
	s9 =	ssub.s32 s12, s31  }
0x5e: {  	[sflag:s29] =	ssyncset.done $0x0;
	s9 =	sand.u32 $0xFF, s9;
	s8 =	sshrl.u32 s8, $0x2  }
0x5f: {  	[sflag:s29] =	ssyncadd.s32 $0xFFFFFF90;
	s12 =	smul.u32 $0xE000, s9;
	s31 =	sadd.s32 $0x14A80, s8  }
0x60: {  	[tilespmem:s31], [sflag:$0x1] =	stream.indirect.gather [hbm4b:s1+s22], $0x80, s13, s22, $0xb8;
	[tilespmem:$0x1F300] =	vst v63  }
0x61: {  	p0 =	por @!p0 $0x1, $0x1;
	_ =	swait.ge [sflag:s26], $0x3800  }
0x62: {  	p0 =	por @p1 $0x0, $0x0;
	s8 =	sshrl.u32 s12, $0x2;
	[sflag:s26] =	ssyncset.done $0x0  }
0x63: {  	s8 =	sadd.s32 $0x14A80, s8;
	s13 =	sadd.s32 $0x14700, s24;
	[sflag:s26] =	ssyncadd.s32 $0xFFFFC800  }
0x64: {  	[spmem:s2] =	stream.indirect.scatter.add.f32 [tilespmem:s8], [sflag:$0x2], $0x80, s13, s22, $0xb8;
	[tilespmem:$0x1F300] =	vst v63  }
0x65: {  	s8 =	sadd.s32 @!p0 $0x4, s25  }
0x66: {  	s9 =	sand.u32 @!p0 $0xFF, s8  }
0x67: {  	[spmem:s3] =	stream.indirect.scatter.add.f32 [tilespmem:s28], [sflag:$0x2], $0x1, s13, s22, $0xb8;
	[tilespmem:$0x1F300] =	vst v63  }
0x68: {  	s9 =	smul.u32 @!p0 $0xAB, s9;
	_ =	swait.ge [sflag:s29], $0x3800  }
0x69: {  	[sflag:s29] =	ssyncset.done $0x0  }
0x6a: {  	s9 =	sshrl.u32 @!p0 s9, $0x9;
	[sflag:s29] =	ssyncadd.s32 $0xFFFFC800  }
0x6b: {  	s9 =	smul.u32 @!p0 $0x3, s9;
	_ =	swait.ge [sflag:s29], $0x70  }
0x6c: {  	[sflag:s29] =	ssyncset.done $0x0  }
0x6d: {  	s8 =	ssub.s32 @!p0 s8, s9;
	s9 =	simm.s32 @!p0 $0x3;
	[sflag:s29] =	ssyncadd.s32 $0xFFFFFF90  }
0x6e: {  	_ =	swait.ge @!p0 [sflag:s9], $0x200  }
0x6f: {  	s8 =	sand.u32 @!p0 $0xFF, s8;
	[sflag:s9] =	ssyncset.done @!p0 $0x0  }
0x70: {  	s8 =	smul.u32 @!p0 $0xE000, s8;
	[sflag:s9] =	ssyncadd.s32 @!p0 $0xFFFFFE00  }
0x71: {  	s12 =	sshll.u32 @!p0 s23, $0x9;
	_ =	swait.ge @!p0 [sflag:s9], $0x200  }
0x72: {  	s13 =	simm.s32 @!p0 $0x70;
	s8 =	sshrl.u32 @!p0 s8, $0x2;
	[sflag:s9] =	ssyncset.done @!p0 $0x0  }
0x73: {  	s8 =	sadd.s32 @!p0 $0x14A80, s8;
	[sflag:s9] =	ssyncadd.s32 @!p0 $0xFFFFFE00;
	s9 =	sadd.s32 @!p0 $0x14280, s12  }
0x74: {  	[tilespmem:s8], [sflag:$0x1] =	stream.indirect.gather @!p0 [hbm4b:s1+s13], $0x80, s9, s13, $0xb8;
	[tilespmem:$0x1F300] =	vst v63  }
0x75: {  	s8 =	sadd.s32 @!p0 $0x5, s25;
	_ =	swait.ge [sflag:s26], $0x3800  }
0x76: {  	s25 =	sor.u32 $0x100, s24;
	s23 =	sand.u32 @!p0 $0xFF, s8;
	[sflag:s26] =	ssyncset.done $0x0  }
0x77: {  	s9 =	sadd.s32 $0x14680, s25;
	s23 =	smul.u32 @!p0 $0xAB, s23;
	[sflag:s26] =	ssyncadd.s32 $0xFFFFC800  }
0x78: {  	[spmem:s2] =	stream.indirect.scatter.add.f32 [tilespmem:s30], [sflag:$0x2], $0x80, s9, s22, $0xb8;
	[tilespmem:$0x1F300] =	vst v63  }
0x79: {  	s23 =	sshrl.u32 @!p0 s23, $0x9  }
0x7a: {  	s23 =	smul.u32 @!p0 $0x3, s23  }
0x7b: {  	[spmem:s3] =	stream.indirect.scatter.add.f32 [tilespmem:s28], [sflag:$0x2], $0x1, s9, s22, $0xb8;
	[tilespmem:$0x1F300] =	vst v63  }
0x7c: {  	_ =	swait.ge [sflag:s29], $0x3800;
	s8 =	ssub.s32 @!p0 s8, s23  }
0x7d: {  	[sflag:s29] =	ssyncset.done $0x0;
	s8 =	sand.u32 @!p0 $0xFF, s8  }
0x7e: {  	[sflag:s29] =	ssyncadd.s32 $0xFFFFC800;
	s8 =	smul.u32 @!p0 $0xE000, s8  }
0x7f: {  	_ =	swait.ge [sflag:s29], $0x70  }
0x80: {  	s21 =	sadd.s32 $0x1, s21;
	[sflag:s29] =	ssyncset.done $0x0;
	s8 =	sshrl.u32 @!p0 s8, $0x2  }
0x81: {  	s9 =	sadd.s32 @!p0 $0x14300, s12;
	[sflag:s29] =	ssyncadd.s32 $0xFFFFFF90;
	s8 =	sadd.s32 @!p0 $0x14A80, s8  }
0x82: {  	[tilespmem:s8], [sflag:$0x1] =	stream.indirect.gather @!p0 [hbm4b:s1+s13], $0x80, s9, s13, $0xb8;
	[tilespmem:$0x1F300] =	vst v63  }
0x83: {  	p0 =	sne.s32 s21, $0x17;
	_ =	swait.ge [sflag:s26], $0x3800  }
.Ltmp0:
0x84: {  	s30 =	sor.u32 $0x180, s24;
	[sflag:s26] =	ssyncset.done $0x0;
	(pc) =	sbr.rel @p0 .LBB2_2-.Ltmp0, $4  }
0x85: {  	s8 =	sadd.s32 $0x14680, s30;
	[sflag:s26] =	ssyncadd.s32 $0xFFFFC800  }
0x86: {  	[spmem:s2] =	stream.indirect.scatter.add.f32 [tilespmem:s31], [sflag:$0x2], $0x80, s8, s22, $0xb8;
	[tilespmem:$0x1F300] =	vst v63  }
0x87: {  	s4 =	sadd.s32 $0x200, s4  }
0x88: {  	[spmem:s3] =	stream.indirect.scatter.add.f32 [tilespmem:s28], [sflag:$0x2], $0x1, s8, s22, $0xb8;
	[tilespmem:$0x1F300] =	vst v63  }
0x89: {  	_ =	swait.ge [sflag:s29], $0x3800  }
0x8a: {  	[sflag:s29] =	ssyncset.done $0x0  }
0x8b: {  	[sflag:s29] =	ssyncadd.s32 $0xFFFFC800  }
0x8c: {  	_ =	swait.ge [sflag:s29], $0x70  }
0x8d: {  	[sflag:s29] =	ssyncset.done $0x0  }
0x8e: {  	[sflag:s29] =	ssyncadd.s32 $0xFFFFFF90  }
0x8f: {  	[bflag:$0x0] =	sbarrier.arrive $0xFFFF  }
0x90: {  	[hbm:s14], [sflag:s11] =	dma.local [spmem:s17], $0x2800  }
0x91: {  	s0 =	sadd.s32 $0x1, s0;
	_ =	swait.ge [sflag:s18], $0x2800  }
0x92: {  	s4 =	simm.s32 $0x20;
	p0 =	sne.s32 s0, s16;
	[sflag:s18] =	ssyncset.done $0x0  }
.Ltmp1:
0x93: {  	s8 =	simm.s32 $0x10;
	[sflag:s18] =	ssyncadd.s32 $0xFFFFD800;
	(pc) =	sbr.rel @p0 .LBB2_1-.Ltmp1, $4  }
0x94: {  	[hbm:s15@s4], [sflag:s11] =	dma.strided [spmem:s19@s8], $0x50, s26, $0x10   }
0x95: {  	_ =	swait.ge [sflag:s18], $0x50  }
0x96: {  	[sflag:s18] =	ssyncset.done $0x0  }
0x97: {  	[sflag:s18] =	ssyncadd.s32 $0xFFFFFFB0  }
0x98: {  	_ =	sfence.sel $0x180000  }
0x99: {  	[bflag:$0x0] =	sbarrier.arrive $0xFFFF  }
0x9a: {  	_ =	strace $0x9000004A  }
0x9b: {  	s0 =	stileid.u32;
	[bflag:$0x2] =	sbarrier.arrive $0xFFFF  }
0x9c: {  	p0 =	sne.s32 s0, $0x0;
	s0 =	rddreg [dreg:$0x4]  }
0x9d: {  	s0 =	sadd.s32 @!p0 $0x100000, s0  }
0x9e: {  	[sflag:s0] =	ssyncadd.tile.s32 @!p0 $0x1;
	_ =	shalt  }
.Lfunc_end2:
_tile_overlayer_lowered:
.L_overlay_start_2:
0x9f: {  	(tag) =	ssettag $0x2  }
0xa0: {  	s0 =	rddreg [dreg:$0x0];
	s2 =	stileid.u32  }
0xa1: {  	s1 =	rddreg [dreg:$0x1];
	p0 =	sne.s32 s2, $0x0  }
0xa2: {  	s3 =	rddreg [dreg:$0x2];
	[bflag:$0x3] =	sbarrier.arrive $0xFFFF;
	s2 =	simm.s32 @!p0 $0x1C04  }
0xa3: {  	[timem:s3], [sflag:s2] =	dma.local @!p0 [hbm:s0], s1  }
0xa4: {  	s0 =	simm.s32 @!p0 $0x4  }
0xa5: {  	_ =	swait.ge @!p0 [sflag:s0], s1  }
0xa6: {  	s1 =	ssub.s32 @!p0 $0x0, s1;
	[sflag:s0] =	ssyncset.done @!p0 $0x0  }
0xa7: {  	[sflag:s0] =	ssyncadd.s32 @!p0 s1  }
0xa8: {  	[bflag:$0x3] =	sbarrier.arrive $0xFFFF  }
0xa9: {  	_ =	shalt  }

</sc_bundles>
